<compile_context>
chip_gen: v7x
topology: tpu7x:2x2x1
jax: 0.10.2.dev20260603
libtpu: 0.0.44.dev20260713+nightly
codegen_flags: <defaults>
</compile_context>

<pallas_src>
import functools

import jax
import jax.numpy as jnp
from jax import lax
from jax.experimental import pallas as pl
from jax.experimental.pallas import tpu as pltpu
from jax.experimental.pallas import tpu_sc as plsc

D = 64
L_SEQ = 200
NUM_CORES = 2
NUM_SUBCORES = 16
NUM_WORKERS = NUM_CORES * NUM_SUBCORES
LANES = 16

SEQS_PER_CHUNK = 4
CHUNK_ROWS = SEQS_PER_CHUNK * L_SEQ


@functools.lru_cache(maxsize=None)
def _build_call(n_rows: int):
    rows_per_w = n_rows // NUM_WORKERS
    n_chunks = rows_per_w // CHUNK_ROWS
    assert rows_per_w % CHUNK_ROWS == 0

    mesh = plsc.VectorSubcoreMesh(core_axis_name="c", subcore_axis_name="s")

    @functools.partial(
        pl.kernel,
        mesh=mesh,
        out_type=jax.ShapeDtypeStruct((n_rows, D), jnp.float32),
        compiler_params=pltpu.CompilerParams(
            use_tc_tiling_on_sc=False, skip_device_barrier=True
        ),
        scratch_types=[
            pltpu.VMEM((rows_per_w,), jnp.int32),
            pltpu.VMEM((CHUNK_ROWS, D), jnp.float32),
            pltpu.VMEM((CHUNK_ROWS, D), jnp.float32),
            pltpu.VMEM((L_SEQ, D), jnp.float32),
            pltpu.SemaphoreType.DMA,
            pltpu.SemaphoreType.DMA,
        ],
    )
    def emb(ids_hbm, table_hbm, pos_hbm, out_hbm, idx_v, buf0, buf1, pos_v,
            gsem, osem):
        bufs = (buf0, buf1)
        wid = lax.axis_index("s") * NUM_CORES + lax.axis_index("c")
        base = wid * rows_per_w
        pltpu.sync_copy(pos_hbm, pos_v)
        pltpu.sync_copy(ids_hbm.at[pl.ds(base, rows_per_w)], idx_v)

        def start_gather(ck):
            return pltpu.async_copy(
                table_hbm.at[idx_v.at[pl.ds(ck * CHUNK_ROWS, CHUNK_ROWS)]],
                bufs[ck % 2],
                gsem,
            )

        gather_desc = start_gather(0)
        scatter_descs = [None, None]
        for ck in range(n_chunks):
            cur = bufs[ck % 2]
            gather_desc.wait()
            if ck + 1 < n_chunks:
                if scatter_descs[(ck + 1) % 2] is not None:
                    scatter_descs[(ck + 1) % 2].wait()
                    scatter_descs[(ck + 1) % 2] = None
                gather_desc = start_gather(ck + 1)

            @plsc.parallel_loop(0, L_SEQ)
            def _(l):
                pv = [pos_v[l, pl.ds(c * LANES, LANES)] for c in range(D // LANES)]
                for s in range(SEQS_PER_CHUNK):
                    r = s * L_SEQ + l
                    for c in range(D // LANES):
                        sl = pl.ds(c * LANES, LANES)
                        cur[r, sl] = cur[r, sl] + pv[c]

            scatter_descs[ck % 2] = pltpu.async_copy(
                cur, out_hbm.at[pl.ds(base + ck * CHUNK_ROWS, CHUNK_ROWS)], osem
            )
        for d in scatter_descs:
            if d is not None:
                d.wait()

    return emb


def kernel(input_ids, token_table, position_table):
    b, l = input_ids.shape
    ids_flat = input_ids.reshape(b * l).astype(jnp.int32)
    pos = position_table[:l]
    out = _build_call(b * l)(ids_flat, token_table, pos)
    return out.reshape(b, l, D)

# --- scband reference (transcript-rebuilt; emitter-appended) ---
"""Pipeline reference for scband-embeddings-84482006712712 (READ-ONLY COPY).

The authoritative reference and input builder live on the scoring server;
editing this copy changes nothing except your own understanding.
"""

import jax, jax.numpy as jnp
import numpy as np

VOCAB_SIZE = 1000000
EMBED_DIM = 64
MAX_LEN = 200
BATCH = 1024
SEQ_LEN = 200


def setup_inputs(seed: int = 0) -> dict:
    key = jax.random.key(seed)
    k1, k2, k3 = jax.random.split(key, 3)
    input_ids = jax.random.randint(k1, (BATCH, SEQ_LEN), 0, VOCAB_SIZE, dtype=jnp.int64 if jax.config.jax_enable_x64 else jnp.int32)
    # Learned parameters (keras Embedding default uniform init)
    token_table = jax.random.uniform(k2, (VOCAB_SIZE, EMBED_DIM), dtype=jnp.float32, minval=-0.05, maxval=0.05)
    position_table = jax.random.uniform(k3, (MAX_LEN, EMBED_DIM), dtype=jnp.float32, minval=-0.05, maxval=0.05)
    return {"input_ids": input_ids, "token_table": token_table, "position_table": position_table}


def reference(input_ids, token_table, position_table):
    length = input_ids.shape[-1]
    position_ids = jnp.arange(length)[None, :]  # [1, L]
    token_embeddings = jnp.take(token_table, input_ids, axis=0)  # [B, L, D]
    position_embeddings = jnp.take(position_table, position_ids, axis=0)  # [1, L, D]
    return token_embeddings + position_embeddings

if __name__ == "__main__":
    import jax
    _d = setup_inputs()
    print(jax.jit(kernel)(*tuple(_d.values())))

</pallas_src>

<mosaic_0001>
#map = affine_map<(d0, d1) -> (0)>
#map1 = affine_map<(d0, d1) -> (0, 0)>
module attributes {stable_mosaic.version = 14 : i64} {
  func.func @emb(%arg0: i32, %arg1: i32, %arg2: memref<204800xi32, #tpu.memory_space<hbm>>, %arg3: memref<1000000x64xf32, #tpu.memory_space<hbm>>, %arg4: memref<200x64xf32, #tpu.memory_space<hbm>>, %arg5: memref<204800x64xf32, #tpu.memory_space<hbm>>, %arg6: memref<6400xi32, #tpu.memory_space<vmem>>, %arg7: memref<800x64xf32, #tpu.memory_space<vmem>>, %arg8: memref<800x64xf32, #tpu.memory_space<vmem>>, %arg9: memref<200x64xf32, #tpu.memory_space<vmem>>, %arg10: memref<!tpu.dma_semaphore, #tpu.memory_space<semaphore_mem>>, %arg11: memref<!tpu.dma_semaphore, #tpu.memory_space<semaphore_mem>>) attributes {dimension_semantics = [#tpu.dimension_semantics<core_parallel>, #tpu.dimension_semantics<subcore_parallel>], iteration_bounds = array<i64: 2, 16>, scalar_prefetch = 0 : i64, scratch_operands = 6 : i64, tpu.core_type = #tpu.core_type<sc_vector_subcore>, window_params = [{transform_indices = #map}, {transform_indices = #map1}, {transform_indices = #map1}, {transform_indices = #map1}]} {
    %mul3A = arith.constant 2 : i32
    %mul3A_0 = arith.muli %arg1, %mul3A : i32
    %add3A = arith.addi %mul3A_0, %arg0 : i32
    %mul3A_1 = arith.constant 6400 : i32
    %mul3A_2 = arith.muli %add3A, %mul3A_1 : i32
    "tpu.region"() ({
      %run_scoped3A = tpu.sem_alloc : memref<!tpu.dma_semaphore, #tpu.memory_space<semaphore_mem>>
      tpu.enqueue_dma source(%arg4 : memref<200x64xf32, #tpu.memory_space<hbm>>) target(%arg9 : memref<200x64xf32, #tpu.memory_space<vmem>>) target_semaphore(%run_scoped3A : memref<!tpu.dma_semaphore, #tpu.memory_space<semaphore_mem>>)
      tpu.wait_dma2 semaphore(%run_scoped3A : memref<!tpu.dma_semaphore, #tpu.memory_space<semaphore_mem>>) src(%arg4 : memref<200x64xf32, #tpu.memory_space<hbm>>) dst(%arg9 : memref<200x64xf32, #tpu.memory_space<vmem>>)
      tpu.yield
    }) : () -> ()
    "tpu.region"() ({
      %run_scoped3A = tpu.sem_alloc : memref<!tpu.dma_semaphore, #tpu.memory_space<semaphore_mem>>
      %dma_start3A_184 = tpu.memref_slice %arg2[%mul3A_2] : memref<204800xi32, #tpu.memory_space<hbm>> -> memref<6400xi32, #tpu.memory_space<hbm>>
      %dma_start3A_185 = tpu.memref_slice %arg2[%mul3A_2] : memref<204800xi32, #tpu.memory_space<hbm>> -> memref<6400xi32, #tpu.memory_space<hbm>>
      tpu.enqueue_dma source(%dma_start3A_185 : memref<6400xi32, #tpu.memory_space<hbm>>) target(%arg6 : memref<6400xi32, #tpu.memory_space<vmem>>) target_semaphore(%run_scoped3A : memref<!tpu.dma_semaphore, #tpu.memory_space<semaphore_mem>>)
      %dma_wait3A_186 = tpu.memref_slice %arg2[%mul3A_2] : memref<204800xi32, #tpu.memory_space<hbm>> -> memref<6400xi32, #tpu.memory_space<hbm>>
      %dma_wait3A_187 = tpu.memref_slice %arg2[%mul3A_2] : memref<204800xi32, #tpu.memory_space<hbm>> -> memref<6400xi32, #tpu.memory_space<hbm>>
      tpu.wait_dma2 semaphore(%run_scoped3A : memref<!tpu.dma_semaphore, #tpu.memory_space<semaphore_mem>>) src(%dma_wait3A_187 : memref<6400xi32, #tpu.memory_space<hbm>>) dst(%arg6 : memref<6400xi32, #tpu.memory_space<vmem>>)
      tpu.yield
    }) : () -> ()
    %dma_start3A = arith.constant 0 : i32
    %dma_start3A_3 = tpu.memref_slice %arg6[%dma_start3A] : memref<6400xi32, #tpu.memory_space<vmem>> -> memref<800xi32, #tpu.memory_space<vmem>>
    %dma_start3A_4 = arith.constant 0 : i32
    %dma_start3A_5 = arith.constant 0 : i32
    %dma_start3A_6 = tpu.memref_slice %arg3[%dma_start3A_4, %dma_start3A_5] : memref<1000000x64xf32, #tpu.memory_space<hbm>> -> memref<1000000x64xf32, #tpu.memory_space<hbm>>
    tpu.enqueue_indirect_dma source(%dma_start3A_6 : memref<1000000x64xf32, #tpu.memory_space<hbm>>) target(%arg7 : memref<800x64xf32, #tpu.memory_space<vmem>>) offsets(%dma_start3A_3 : memref<800xi32, #tpu.memory_space<vmem>>) semaphore(%arg10 : memref<!tpu.dma_semaphore, #tpu.memory_space<semaphore_mem>>)
    %dma_wait3A = arith.constant 0 : i32
    %dma_wait3A_7 = tpu.memref_slice %arg6[%dma_wait3A] : memref<6400xi32, #tpu.memory_space<vmem>> -> memref<800xi32, #tpu.memory_space<vmem>>
    %dma_wait3A_8 = arith.constant 0 : i32
    %dma_wait3A_9 = arith.constant 0 : i32
    %dma_wait3A_10 = tpu.memref_slice %arg3[%dma_wait3A_8, %dma_wait3A_9] : memref<1000000x64xf32, #tpu.memory_space<hbm>> -> memref<1000000x64xf32, #tpu.memory_space<hbm>>
    tpu.wait_indirect_dma semaphore(%arg10 : memref<!tpu.dma_semaphore, #tpu.memory_space<semaphore_mem>>) src(%dma_wait3A_10 : memref<1000000x64xf32, #tpu.memory_space<hbm>>) dst(%arg7 : memref<800x64xf32, #tpu.memory_space<vmem>>)
    %dma_start3A_11 = arith.constant 800 : i32
    %dma_start3A_12 = tpu.memref_slice %arg6[%dma_start3A_11] : memref<6400xi32, #tpu.memory_space<vmem>> -> memref<800xi32, #tpu.memory_space<vmem>>
    %dma_start3A_13 = arith.constant 0 : i32
    %dma_start3A_14 = arith.constant 0 : i32
    %dma_start3A_15 = tpu.memref_slice %arg3[%dma_start3A_13, %dma_start3A_14] : memref<1000000x64xf32, #tpu.memory_space<hbm>> -> memref<1000000x64xf32, #tpu.memory_space<hbm>>
    tpu.enqueue_indirect_dma source(%dma_start3A_15 : memref<1000000x64xf32, #tpu.memory_space<hbm>>) target(%arg8 : memref<800x64xf32, #tpu.memory_space<vmem>>) offsets(%dma_start3A_12 : memref<800xi32, #tpu.memory_space<vmem>>) semaphore(%arg10 : memref<!tpu.dma_semaphore, #tpu.memory_space<semaphore_mem>>)
    %parallel_loop3A = arith.constant 0 : i32
    %parallel_loop3A_16 = arith.constant 200 : i32
    %parallel_loop3A_17 = arith.constant 1 : i32
    scf.for %parallel_loop3A_184 = %parallel_loop3A to %parallel_loop3A_16 step %parallel_loop3A_17  : i32 {
      %parallel_loop3A_185 = arith.index_cast %parallel_loop3A_184 : i32 to index
      %parallel_loop3A_186 = arith.constant 0 : index
      %parallel_loop3A_187 = tpu.vector_load %arg9[%parallel_loop3A_185, %parallel_loop3A_186] {strides = array<i32>} : memref<200x64xf32, #tpu.memory_space<vmem>>, vector<1x16xf32>,
      %parallel_loop3A_188 = vector.shape_cast %parallel_loop3A_187 : vector<1x16xf32> to vector<16xf32>
      %parallel_loop3A_189 = arith.index_cast %parallel_loop3A_184 : i32 to index
      %parallel_loop3A_190 = arith.constant 16 : index
      %parallel_loop3A_191 = tpu.vector_load %arg9[%parallel_loop3A_189, %parallel_loop3A_190] {strides = array<i32>} : memref<200x64xf32, #tpu.memory_space<vmem>>, vector<1x16xf32>,
      %parallel_loop3A_192 = vector.shape_cast %parallel_loop3A_191 : vector<1x16xf32> to vector<16xf32>
      %parallel_loop3A_193 = arith.index_cast %parallel_loop3A_184 : i32 to index
      %parallel_loop3A_194 = arith.constant 32 : index
      %parallel_loop3A_195 = tpu.vector_load %arg9[%parallel_loop3A_193, %parallel_loop3A_194] {strides = array<i32>} : memref<200x64xf32, #tpu.memory_space<vmem>>, vector<1x16xf32>,
      %parallel_loop3A_196 = vector.shape_cast %parallel_loop3A_195 : vector<1x16xf32> to vector<16xf32>
      %parallel_loop3A_197 = arith.index_cast %parallel_loop3A_184 : i32 to index
      %parallel_loop3A_198 = arith.constant 48 : index
      %parallel_loop3A_199 = tpu.vector_load %arg9[%parallel_loop3A_197, %parallel_loop3A_198] {strides = array<i32>} : memref<200x64xf32, #tpu.memory_space<vmem>>, vector<1x16xf32>,
      %parallel_loop3A_200 = vector.shape_cast %parallel_loop3A_199 : vector<1x16xf32> to vector<16xf32>
      %parallel_loop3A_201 = arith.constant 0 : i32
      %parallel_loop3A_202 = arith.addi %parallel_loop3A_201, %parallel_loop3A_184 : i32
      %parallel_loop3A_203 = arith.index_cast %parallel_loop3A_202 : i32 to index
      %parallel_loop3A_204 = arith.constant 0 : index
      %parallel_loop3A_205 = tpu.vector_load %arg7[%parallel_loop3A_203, %parallel_loop3A_204] {strides = array<i32>} : memref<800x64xf32, #tpu.memory_space<vmem>>, vector<1x16xf32>,
      %parallel_loop3A_206 = vector.shape_cast %parallel_loop3A_205 : vector<1x16xf32> to vector<16xf32>
      %parallel_loop3A_207 = arith.addf %parallel_loop3A_206, %parallel_loop3A_188 : vector<16xf32>
      %parallel_loop3A_208 = arith.index_cast %parallel_loop3A_202 : i32 to index
      %parallel_loop3A_209 = arith.constant 0 : index
      %parallel_loop3A_210 = tpu.vector_load %arg7[%parallel_loop3A_208, %parallel_loop3A_209] {strides = array<i32>} : memref<800x64xf32, #tpu.memory_space<vmem>>, vector<1x16xf32>,
      %parallel_loop3A_211 = vector.shape_cast %parallel_loop3A_210 : vector<1x16xf32> to vector<16xf32>
      %parallel_loop3A_212 = vector.shape_cast %parallel_loop3A_207 : vector<16xf32> to vector<1x16xf32>
      tpu.vector_store %arg7[%parallel_loop3A_208, %parallel_loop3A_209], %parallel_loop3A_212 {strides = array<i32>} : memref<800x64xf32, #tpu.memory_space<vmem>>, vector<1x16xf32>,
      %parallel_loop3A_213 = arith.index_cast %parallel_loop3A_202 : i32 to index
      %parallel_loop3A_214 = arith.constant 16 : index
      %parallel_loop3A_215 = tpu.vector_load %arg7[%parallel_loop3A_213, %parallel_loop3A_214] {strides = array<i32>} : memref<800x64xf32, #tpu.memory_space<vmem>>, vector<1x16xf32>,
      %parallel_loop3A_216 = vector.shape_cast %parallel_loop3A_215 : vector<1x16xf32> to vector<16xf32>
      %parallel_loop3A_217 = arith.addf %parallel_loop3A_216, %parallel_loop3A_192 : vector<16xf32>
      %parallel_loop3A_218 = arith.index_cast %parallel_loop3A_202 : i32 to index
      %parallel_loop3A_219 = arith.constant 16 : index
      %parallel_loop3A_220 = tpu.vector_load %arg7[%parallel_loop3A_218, %parallel_loop3A_219] {strides = array<i32>} : memref<800x64xf32, #tpu.memory_space<vmem>>, vector<1x16xf32>,
      %parallel_loop3A_221 = vector.shape_cast %parallel_loop3A_220 : vector<1x16xf32> to vector<16xf32>
      %parallel_loop3A_222 = vector.shape_cast %parallel_loop3A_217 : vector<16xf32> to vector<1x16xf32>
      tpu.vector_store %arg7[%parallel_loop3A_218, %parallel_loop3A_219], %parallel_loop3A_222 {strides = array<i32>} : memref<800x64xf32, #tpu.memory_space<vmem>>, vector<1x16xf32>,
      %parallel_loop3A_223 = arith.index_cast %parallel_loop3A_202 : i32 to index
      %parallel_loop3A_224 = arith.constant 32 : index
      %parallel_loop3A_225 = tpu.vector_load %arg7[%parallel_loop3A_223, %parallel_loop3A_224] {strides = array<i32>} : memref<800x64xf32, #tpu.memory_space<vmem>>, vector<1x16xf32>,
      %parallel_loop3A_226 = vector.shape_cast %parallel_loop3A_225 : vector<1x16xf32> to vector<16xf32>
      %parallel_loop3A_227 = arith.addf %parallel_loop3A_226, %parallel_loop3A_196 : vector<16xf32>
      %parallel_loop3A_228 = arith.index_cast %parallel_loop3A_202 : i32 to index
      %parallel_loop3A_229 = arith.constant 32 : index
      %parallel_loop3A_230 = tpu.vector_load %arg7[%parallel_loop3A_228, %parallel_loop3A_229] {strides = array<i32>} : memref<800x64xf32, #tpu.memory_space<vmem>>, vector<1x16xf32>,
      %parallel_loop3A_231 = vector.shape_cast %parallel_loop3A_230 : vector<1x16xf32> to vector<16xf32>
      %parallel_loop3A_232 = vector.shape_cast %parallel_loop3A_227 : vector<16xf32> to vector<1x16xf32>
      tpu.vector_store %arg7[%parallel_loop3A_228, %parallel_loop3A_229], %parallel_loop3A_232 {strides = array<i32>} : memref<800x64xf32, #tpu.memory_space<vmem>>, vector<1x16xf32>,
      %parallel_loop3A_233 = arith.index_cast %parallel_loop3A_202 : i32 to index
      %parallel_loop3A_234 = arith.constant 48 : index
      %parallel_loop3A_235 = tpu.vector_load %arg7[%parallel_loop3A_233, %parallel_loop3A_234] {strides = array<i32>} : memref<800x64xf32, #tpu.memory_space<vmem>>, vector<1x16xf32>,
      %parallel_loop3A_236 = vector.shape_cast %parallel_loop3A_235 : vector<1x16xf32> to vector<16xf32>
      %parallel_loop3A_237 = arith.addf %parallel_loop3A_236, %parallel_loop3A_200 : vector<16xf32>
      %parallel_loop3A_238 = arith.index_cast %parallel_loop3A_202 : i32 to index
      %parallel_loop3A_239 = arith.constant 48 : index
      %parallel_loop3A_240 = tpu.vector_load %arg7[%parallel_loop3A_238, %parallel_loop3A_239] {strides = array<i32>} : memref<800x64xf32, #tpu.memory_space<vmem>>, vector<1x16xf32>,
      %parallel_loop3A_241 = vector.shape_cast %parallel_loop3A_240 : vector<1x16xf32> to vector<16xf32>
      %parallel_loop3A_242 = vector.shape_cast %parallel_loop3A_237 : vector<16xf32> to vector<1x16xf32>
      tpu.vector_store %arg7[%parallel_loop3A_238, %parallel_loop3A_239], %parallel_loop3A_242 {strides = array<i32>} : memref<800x64xf32, #tpu.memory_space<vmem>>, vector<1x16xf32>,
      %parallel_loop3A_243 = arith.constant 200 : i32
      %parallel_loop3A_244 = arith.addi %parallel_loop3A_243, %parallel_loop3A_184 : i32
      %parallel_loop3A_245 = arith.index_cast %parallel_loop3A_244 : i32 to index
      %parallel_loop3A_246 = arith.constant 0 : index
      %parallel_loop3A_247 = tpu.vector_load %arg7[%parallel_loop3A_245, %parallel_loop3A_246] {strides = array<i32>} : memref<800x64xf32, #tpu.memory_space<vmem>>, vector<1x16xf32>,
      %parallel_loop3A_248 = vector.shape_cast %parallel_loop3A_247 : vector<1x16xf32> to vector<16xf32>
      %parallel_loop3A_249 = arith.addf %parallel_loop3A_248, %parallel_loop3A_188 : vector<16xf32>
      %parallel_loop3A_250 = arith.index_cast %parallel_loop3A_244 : i32 to index
      %parallel_loop3A_251 = arith.constant 0 : index
      %parallel_loop3A_252 = tpu.vector_load %arg7[%parallel_loop3A_250, %parallel_loop3A_251] {strides = array<i32>} : memref<800x64xf32, #tpu.memory_space<vmem>>, vector<1x16xf32>,
      %parallel_loop3A_253 = vector.shape_cast %parallel_loop3A_252 : vector<1x16xf32> to vector<16xf32>
      %parallel_loop3A_254 = vector.shape_cast %parallel_loop3A_249 : vector<16xf32> to vector<1x16xf32>
      tpu.vector_store %arg7[%parallel_loop3A_250, %parallel_loop3A_251], %parallel_loop3A_254 {strides = array<i32>} : memref<800x64xf32, #tpu.memory_space<vmem>>, vector<1x16xf32>,
      %parallel_loop3A_255 = arith.index_cast %parallel_loop3A_244 : i32 to index
      %parallel_loop3A_256 = arith.constant 16 : index
      %parallel_loop3A_257 = tpu.vector_load %arg7[%parallel_loop3A_255, %parallel_loop3A_256] {strides = array<i32>} : memref<800x64xf32, #tpu.memory_space<vmem>>, vector<1x16xf32>,
      %parallel_loop3A_258 = vector.shape_cast %parallel_loop3A_257 : vector<1x16xf32> to vector<16xf32>
      %parallel_loop3A_259 = arith.addf %parallel_loop3A_258, %parallel_loop3A_192 : vector<16xf32>
      %parallel_loop3A_260 = arith.index_cast %parallel_loop3A_244 : i32 to index
      %parallel_loop3A_261 = arith.constant 16 : index
      %parallel_loop3A_262 = tpu.vector_load %arg7[%parallel_loop3A_260, %parallel_loop3A_261] {strides = array<i32>} : memref<800x64xf32, #tpu.memory_space<vmem>>, vector<1x16xf32>,
      %parallel_loop3A_263 = vector.shape_cast %parallel_loop3A_262 : vector<1x16xf32> to vector<16xf32>
      %parallel_loop3A_264 = vector.shape_cast %parallel_loop3A_259 : vector<16xf32> to vector<1x16xf32>
      tpu.vector_store %arg7[%parallel_loop3A_260, %parallel_loop3A_261], %parallel_loop3A_264 {strides = array<i32>} : memref<800x64xf32, #tpu.memory_space<vmem>>, vector<1x16xf32>,
      %parallel_loop3A_265 = arith.index_cast %parallel_loop3A_244 : i32 to index
      %parallel_loop3A_266 = arith.constant 32 : index
      %parallel_loop3A_267 = tpu.vector_load %arg7[%parallel_loop3A_265, %parallel_loop3A_266] {strides = array<i32>} : memref<800x64xf32, #tpu.memory_space<vmem>>, vector<1x16xf32>,
      %parallel_loop3A_268 = vector.shape_cast %parallel_loop3A_267 : vector<1x16xf32> to vector<16xf32>
      %parallel_loop3A_269 = arith.addf %parallel_loop3A_268, %parallel_loop3A_196 : vector<16xf32>
      %parallel_loop3A_270 = arith.index_cast %parallel_loop3A_244 : i32 to index
      %parallel_loop3A_271 = arith.constant 32 : index
      %parallel_loop3A_272 = tpu.vector_load %arg7[%parallel_loop3A_270, %parallel_loop3A_271] {strides = array<i32>} : memref<800x64xf32, #tpu.memory_space<vmem>>, vector<1x16xf32>,
      %parallel_loop3A_273 = vector.shape_cast %parallel_loop3A_272 : vector<1x16xf32> to vector<16xf32>
      %parallel_loop3A_274 = vector.shape_cast %parallel_loop3A_269 : vector<16xf32> to vector<1x16xf32>
      tpu.vector_store %arg7[%parallel_loop3A_270, %parallel_loop3A_271], %parallel_loop3A_274 {strides = array<i32>} : memref<800x64xf32, #tpu.memory_space<vmem>>, vector<1x16xf32>,
      %parallel_loop3A_275 = arith.index_cast %parallel_loop3A_244 : i32 to index
      %parallel_loop3A_276 = arith.constant 48 : index
      %parallel_loop3A_277 = tpu.vector_load %arg7[%parallel_loop3A_275, %parallel_loop3A_276] {strides = array<i32>} : memref<800x64xf32, #tpu.memory_space<vmem>>, vector<1x16xf32>,
      %parallel_loop3A_278 = vector.shape_cast %parallel_loop3A_277 : vector<1x16xf32> to vector<16xf32>
      %parallel_loop3A_279 = arith.addf %parallel_loop3A_278, %parallel_loop3A_200 : vector<16xf32>
      %parallel_loop3A_280 = arith.index_cast %parallel_loop3A_244 : i32 to index
      %parallel_loop3A_281 = arith.constant 48 : index
      %parallel_loop3A_282 = tpu.vector_load %arg7[%parallel_loop3A_280, %parallel_loop3A_281] {strides = array<i32>} : memref<800x64xf32, #tpu.memory_space<vmem>>, vector<1x16xf32>,
      %parallel_loop3A_283 = vector.shape_cast %parallel_loop3A_282 : vector<1x16xf32> to vector<16xf32>
      %parallel_loop3A_284 = vector.shape_cast %parallel_loop3A_279 : vector<16xf32> to vector<1x16xf32>
      tpu.vector_store %arg7[%parallel_loop3A_280, %parallel_loop3A_281], %parallel_loop3A_284 {strides = array<i32>} : memref<800x64xf32, #tpu.memory_space<vmem>>, vector<1x16xf32>,
      %parallel_loop3A_285 = arith.constant 400 : i32
      %parallel_loop3A_286 = arith.addi %parallel_loop3A_285, %parallel_loop3A_184 : i32
      %parallel_loop3A_287 = arith.index_cast %parallel_loop3A_286 : i32 to index
      %parallel_loop3A_288 = arith.constant 0 : index
      %parallel_loop3A_289 = tpu.vector_load %arg7[%parallel_loop3A_287, %parallel_loop3A_288] {strides = array<i32>} : memref<800x64xf32, #tpu.memory_space<vmem>>, vector<1x16xf32>,
      %parallel_loop3A_290 = vector.shape_cast %parallel_loop3A_289 : vector<1x16xf32> to vector<16xf32>
      %parallel_loop3A_291 = arith.addf %parallel_loop3A_290, %parallel_loop3A_188 : vector<16xf32>
      %parallel_loop3A_292 = arith.index_cast %parallel_loop3A_286 : i32 to index
      %parallel_loop3A_293 = arith.constant 0 : index
      %parallel_loop3A_294 = tpu.vector_load %arg7[%parallel_loop3A_292, %parallel_loop3A_293] {strides = array<i32>} : memref<800x64xf32, #tpu.memory_space<vmem>>, vector<1x16xf32>,
      %parallel_loop3A_295 = vector.shape_cast %parallel_loop3A_294 : vector<1x16xf32> to vector<16xf32>
      %parallel_loop3A_296 = vector.shape_cast %parallel_loop3A_291 : vector<16xf32> to vector<1x16xf32>
      tpu.vector_store %arg7[%parallel_loop3A_292, %parallel_loop3A_293], %parallel_loop3A_296 {strides = array<i32>} : memref<800x64xf32, #tpu.memory_space<vmem>>, vector<1x16xf32>,
      %parallel_loop3A_297 = arith.index_cast %parallel_loop3A_286 : i32 to index
      %parallel_loop3A_298 = arith.constant 16 : index
      %parallel_loop3A_299 = tpu.vector_load %arg7[%parallel_loop3A_297, %parallel_loop3A_298] {strides = array<i32>} : memref<800x64xf32, #tpu.memory_space<vmem>>, vector<1x16xf32>,
      %parallel_loop3A_300 = vector.shape_cast %parallel_loop3A_299 : vector<1x16xf32> to vector<16xf32>
      %parallel_loop3A_301 = arith.addf %parallel_loop3A_300, %parallel_loop3A_192 : vector<16xf32>
      %parallel_loop3A_302 = arith.index_cast %parallel_loop3A_286 : i32 to index
      %parallel_loop3A_303 = arith.constant 16 : index
      %parallel_loop3A_304 = tpu.vector_load %arg7[%parallel_loop3A_302, %parallel_loop3A_303] {strides = array<i32>} : memref<800x64xf32, #tpu.memory_space<vmem>>, vector<1x16xf32>,
      %parallel_loop3A_305 = vector.shape_cast %parallel_loop3A_304 : vector<1x16xf32> to vector<16xf32>
      %parallel_loop3A_306 = vector.shape_cast %parallel_loop3A_301 : vector<16xf32> to vector<1x16xf32>
      tpu.vector_store %arg7[%parallel_loop3A_302, %parallel_loop3A_303], %parallel_loop3A_306 {strides = array<i32>} : memref<800x64xf32, #tpu.memory_space<vmem>>, vector<1x16xf32>,
      %parallel_loop3A_307 = arith.index_cast %parallel_loop3A_286 : i32 to index
      %parallel_loop3A_308 = arith.constant 32 : index
      %parallel_loop3A_309 = tpu.vector_load %arg7[%parallel_loop3A_307, %parallel_loop3A_308] {strides = array<i32>} : memref<800x64xf32, #tpu.memory_space<vmem>>, vector<1x16xf32>,
      %parallel_loop3A_310 = vector.shape_cast %parallel_loop3A_309 : vector<1x16xf32> to vector<16xf32>
      %parallel_loop3A_311 = arith.addf %parallel_loop3A_310, %parallel_loop3A_196 : vector<16xf32>
      %parallel_loop3A_312 = arith.index_cast %parallel_loop3A_286 : i32 to index
      %parallel_loop3A_313 = arith.constant 32 : index
      %parallel_loop3A_314 = tpu.vector_load %arg7[%parallel_loop3A_312, %parallel_loop3A_313] {strides = array<i32>} : memref<800x64xf32, #tpu.memory_space<vmem>>, vector<1x16xf32>,
      %parallel_loop3A_315 = vector.shape_cast %parallel_loop3A_314 : vector<1x16xf32> to vector<16xf32>
      %parallel_loop3A_316 = vector.shape_cast %parallel_loop3A_311 : vector<16xf32> to vector<1x16xf32>
      tpu.vector_store %arg7[%parallel_loop3A_312, %parallel_loop3A_313], %parallel_loop3A_316 {strides = array<i32>} : memref<800x64xf32, #tpu.memory_space<vmem>>, vector<1x16xf32>,
      %parallel_loop3A_317 = arith.index_cast %parallel_loop3A_286 : i32 to index
      %parallel_loop3A_318 = arith.constant 48 : index
      %parallel_loop3A_319 = tpu.vector_load %arg7[%parallel_loop3A_317, %parallel_loop3A_318] {strides = array<i32>} : memref<800x64xf32, #tpu.memory_space<vmem>>, vector<1x16xf32>,
      %parallel_loop3A_320 = vector.shape_cast %parallel_loop3A_319 : vector<1x16xf32> to vector<16xf32>
      %parallel_loop3A_321 = arith.addf %parallel_loop3A_320, %parallel_loop3A_200 : vector<16xf32>
      %parallel_loop3A_322 = arith.index_cast %parallel_loop3A_286 : i32 to index
      %parallel_loop3A_323 = arith.constant 48 : index
      %parallel_loop3A_324 = tpu.vector_load %arg7[%parallel_loop3A_322, %parallel_loop3A_323] {strides = array<i32>} : memref<800x64xf32, #tpu.memory_space<vmem>>, vector<1x16xf32>,
      %parallel_loop3A_325 = vector.shape_cast %parallel_loop3A_324 : vector<1x16xf32> to vector<16xf32>
      %parallel_loop3A_326 = vector.shape_cast %parallel_loop3A_321 : vector<16xf32> to vector<1x16xf32>
      tpu.vector_store %arg7[%parallel_loop3A_322, %parallel_loop3A_323], %parallel_loop3A_326 {strides = array<i32>} : memref<800x64xf32, #tpu.memory_space<vmem>>, vector<1x16xf32>,
      %parallel_loop3A_327 = arith.constant 600 : i32
      %parallel_loop3A_328 = arith.addi %parallel_loop3A_327, %parallel_loop3A_184 : i32
      %parallel_loop3A_329 = arith.index_cast %parallel_loop3A_328 : i32 to index
      %parallel_loop3A_330 = arith.constant 0 : index
      %parallel_loop3A_331 = tpu.vector_load %arg7[%parallel_loop3A_329, %parallel_loop3A_330] {strides = array<i32>} : memref<800x64xf32, #tpu.memory_space<vmem>>, vector<1x16xf32>,
      %parallel_loop3A_332 = vector.shape_cast %parallel_loop3A_331 : vector<1x16xf32> to vector<16xf32>
      %parallel_loop3A_333 = arith.addf %parallel_loop3A_332, %parallel_loop3A_188 : vector<16xf32>
      %parallel_loop3A_334 = arith.index_cast %parallel_loop3A_328 : i32 to index
      %parallel_loop3A_335 = arith.constant 0 : index
      %parallel_loop3A_336 = tpu.vector_load %arg7[%parallel_loop3A_334, %parallel_loop3A_335] {strides = array<i32>} : memref<800x64xf32, #tpu.memory_space<vmem>>, vector<1x16xf32>,
      %parallel_loop3A_337 = vector.shape_cast %parallel_loop3A_336 : vector<1x16xf32> to vector<16xf32>
      %parallel_loop3A_338 = vector.shape_cast %parallel_loop3A_333 : vector<16xf32> to vector<1x16xf32>
      tpu.vector_store %arg7[%parallel_loop3A_334, %parallel_loop3A_335], %parallel_loop3A_338 {strides = array<i32>} : memref<800x64xf32, #tpu.memory_space<vmem>>, vector<1x16xf32>,
      %parallel_loop3A_339 = arith.index_cast %parallel_loop3A_328 : i32 to index
      %parallel_loop3A_340 = arith.constant 16 : index
      %parallel_loop3A_341 = tpu.vector_load %arg7[%parallel_loop3A_339, %parallel_loop3A_340] {strides = array<i32>} : memref<800x64xf32, #tpu.memory_space<vmem>>, vector<1x16xf32>,
      %parallel_loop3A_342 = vector.shape_cast %parallel_loop3A_341 : vector<1x16xf32> to vector<16xf32>
      %parallel_loop3A_343 = arith.addf %parallel_loop3A_342, %parallel_loop3A_192 : vector<16xf32>
      %parallel_loop3A_344 = arith.index_cast %parallel_loop3A_328 : i32 to index
      %parallel_loop3A_345 = arith.constant 16 : index
      %parallel_loop3A_346 = tpu.vector_load %arg7[%parallel_loop3A_344, %parallel_loop3A_345] {strides = array<i32>} : memref<800x64xf32, #tpu.memory_space<vmem>>, vector<1x16xf32>,
      %parallel_loop3A_347 = vector.shape_cast %parallel_loop3A_346 : vector<1x16xf32> to vector<16xf32>
      %parallel_loop3A_348 = vector.shape_cast %parallel_loop3A_343 : vector<16xf32> to vector<1x16xf32>
      tpu.vector_store %arg7[%parallel_loop3A_344, %parallel_loop3A_345], %parallel_loop3A_348 {strides = array<i32>} : memref<800x64xf32, #tpu.memory_space<vmem>>, vector<1x16xf32>,
      %parallel_loop3A_349 = arith.index_cast %parallel_loop3A_328 : i32 to index
      %parallel_loop3A_350 = arith.constant 32 : index
      %parallel_loop3A_351 = tpu.vector_load %arg7[%parallel_loop3A_349, %parallel_loop3A_350] {strides = array<i32>} : memref<800x64xf32, #tpu.memory_space<vmem>>, vector<1x16xf32>,
      %parallel_loop3A_352 = vector.shape_cast %parallel_loop3A_351 : vector<1x16xf32> to vector<16xf32>
      %parallel_loop3A_353 = arith.addf %parallel_loop3A_352, %parallel_loop3A_196 : vector<16xf32>
      %parallel_loop3A_354 = arith.index_cast %parallel_loop3A_328 : i32 to index
      %parallel_loop3A_355 = arith.constant 32 : index
      %parallel_loop3A_356 = tpu.vector_load %arg7[%parallel_loop3A_354, %parallel_loop3A_355] {strides = array<i32>} : memref<800x64xf32, #tpu.memory_space<vmem>>, vector<1x16xf32>,
      %parallel_loop3A_357 = vector.shape_cast %parallel_loop3A_356 : vector<1x16xf32> to vector<16xf32>
      %parallel_loop3A_358 = vector.shape_cast %parallel_loop3A_353 : vector<16xf32> to vector<1x16xf32>
      tpu.vector_store %arg7[%parallel_loop3A_354, %parallel_loop3A_355], %parallel_loop3A_358 {strides = array<i32>} : memref<800x64xf32, #tpu.memory_space<vmem>>, vector<1x16xf32>,
      %parallel_loop3A_359 = arith.index_cast %parallel_loop3A_328 : i32 to index
      %parallel_loop3A_360 = arith.constant 48 : index
      %parallel_loop3A_361 = tpu.vector_load %arg7[%parallel_loop3A_359, %parallel_loop3A_360] {strides = array<i32>} : memref<800x64xf32, #tpu.memory_space<vmem>>, vector<1x16xf32>,
      %parallel_loop3A_362 = vector.shape_cast %parallel_loop3A_361 : vector<1x16xf32> to vector<16xf32>
      %parallel_loop3A_363 = arith.addf %parallel_loop3A_362, %parallel_loop3A_200 : vector<16xf32>
      %parallel_loop3A_364 = arith.index_cast %parallel_loop3A_328 : i32 to index
      %parallel_loop3A_365 = arith.constant 48 : index
      %parallel_loop3A_366 = tpu.vector_load %arg7[%parallel_loop3A_364, %parallel_loop3A_365] {strides = array<i32>} : memref<800x64xf32, #tpu.memory_space<vmem>>, vector<1x16xf32>,
      %parallel_loop3A_367 = vector.shape_cast %parallel_loop3A_366 : vector<1x16xf32> to vector<16xf32>
      %parallel_loop3A_368 = vector.shape_cast %parallel_loop3A_363 : vector<16xf32> to vector<1x16xf32>
      tpu.vector_store %arg7[%parallel_loop3A_364, %parallel_loop3A_365], %parallel_loop3A_368 {strides = array<i32>} : memref<800x64xf32, #tpu.memory_space<vmem>>, vector<1x16xf32>,
    } {sc.loop_unroll_factor = 1 : i64, sc.parallel_access}
    %add3A_18 = arith.constant 0 : i32
    %add3A_19 = arith.addi %mul3A_2, %add3A_18 : i32
    %dma_start3A_20 = arith.constant 0 : i32
    %dma_start3A_21 = tpu.memref_slice %arg5[%add3A_19, %dma_start3A_20] : memref<204800x64xf32, #tpu.memory_space<hbm>> -> memref<800x64xf32, #tpu.memory_space<hbm>>
    %dma_start3A_22 = arith.constant 0 : i32
    %dma_start3A_23 = tpu.memref_slice %arg5[%add3A_19, %dma_start3A_22] : memref<204800x64xf32, #tpu.memory_space<hbm>> -> memref<800x64xf32, #tpu.memory_space<hbm>>
    tpu.enqueue_dma source(%arg7 : memref<800x64xf32, #tpu.memory_space<vmem>>) target(%dma_start3A_23 : memref<800x64xf32, #tpu.memory_space<hbm>>) target_semaphore(%arg11 : memref<!tpu.dma_semaphore, #tpu.memory_space<semaphore_mem>>)
    %dma_wait3A_24 = arith.constant 800 : i32
    %dma_wait3A_25 = tpu.memref_slice %arg6[%dma_wait3A_24] : memref<6400xi32, #tpu.memory_space<vmem>> -> memref<800xi32, #tpu.memory_space<vmem>>
    %dma_wait3A_26 = arith.constant 0 : i32
    %dma_wait3A_27 = arith.constant 0 : i32
    %dma_wait3A_28 = tpu.memref_slice %arg3[%dma_wait3A_26, %dma_wait3A_27] : memref<1000000x64xf32, #tpu.memory_space<hbm>> -> memref<1000000x64xf32, #tpu.memory_space<hbm>>
    tpu.wait_indirect_dma semaphore(%arg10 : memref<!tpu.dma_semaphore, #tpu.memory_space<semaphore_mem>>) src(%dma_wait3A_28 : memref<1000000x64xf32, #tpu.memory_space<hbm>>) dst(%arg8 : memref<800x64xf32, #tpu.memory_space<vmem>>)
    %dma_wait3A_29 = arith.constant 0 : i32
    %dma_wait3A_30 = tpu.memref_slice %arg5[%add3A_19, %dma_wait3A_29] : memref<204800x64xf32, #tpu.memory_space<hbm>> -> memref<800x64xf32, #tpu.memory_space<hbm>>
    %dma_wait3A_31 = arith.constant 0 : i32
    %dma_wait3A_32 = tpu.memref_slice %arg5[%add3A_19, %dma_wait3A_31] : memref<204800x64xf32, #tpu.memory_space<hbm>> -> memref<800x64xf32, #tpu.memory_space<hbm>>
    tpu.wait_dma2 semaphore(%arg11 : memref<!tpu.dma_semaphore, #tpu.memory_space<semaphore_mem>>) src(%arg7 : memref<800x64xf32, #tpu.memory_space<vmem>>) dst(%dma_wait3A_32 : memref<800x64xf32, #tpu.memory_space<hbm>>)
    %dma_start3A_33 = arith.constant 1600 : i32
    %dma_start3A_34 = tpu.memref_slice %arg6[%dma_start3A_33] : memref<6400xi32, #tpu.memory_space<vmem>> -> memref<800xi32, #tpu.memory_space<vmem>>
    %dma_start3A_35 = arith.constant 0 : i32
    %dma_start3A_36 = arith.constant 0 : i32
    %dma_start3A_37 = tpu.memref_slice %arg3[%dma_start3A_35, %dma_start3A_36] : memref<1000000x64xf32, #tpu.memory_space<hbm>> -> memref<1000000x64xf32, #tpu.memory_space<hbm>>
    tpu.enqueue_indirect_dma source(%dma_start3A_37 : memref<1000000x64xf32, #tpu.memory_space<hbm>>) target(%arg7 : memref<800x64xf32, #tpu.memory_space<vmem>>) offsets(%dma_start3A_34 : memref<800xi32, #tpu.memory_space<vmem>>) semaphore(%arg10 : memref<!tpu.dma_semaphore, #tpu.memory_space<semaphore_mem>>)
    %parallel_loop3A_38 = arith.constant 0 : i32
    %parallel_loop3A_39 = arith.constant 200 : i32
    %parallel_loop3A_40 = arith.constant 1 : i32
    scf.for %parallel_loop3A_184 = %parallel_loop3A_38 to %parallel_loop3A_39 step %parallel_loop3A_40  : i32 {
      %parallel_loop3A_185 = arith.index_cast %parallel_loop3A_184 : i32 to index
      %parallel_loop3A_186 = arith.constant 0 : index
      %parallel_loop3A_187 = tpu.vector_load %arg9[%parallel_loop3A_185, %parallel_loop3A_186] {strides = array<i32>} : memref<200x64xf32, #tpu.memory_space<vmem>>, vector<1x16xf32>,
      %parallel_loop3A_188 = vector.shape_cast %parallel_loop3A_187 : vector<1x16xf32> to vector<16xf32>
      %parallel_loop3A_189 = arith.index_cast %parallel_loop3A_184 : i32 to index
      %parallel_loop3A_190 = arith.constant 16 : index
      %parallel_loop3A_191 = tpu.vector_load %arg9[%parallel_loop3A_189, %parallel_loop3A_190] {strides = array<i32>} : memref<200x64xf32, #tpu.memory_space<vmem>>, vector<1x16xf32>,
      %parallel_loop3A_192 = vector.shape_cast %parallel_loop3A_191 : vector<1x16xf32> to vector<16xf32>
      %parallel_loop3A_193 = arith.index_cast %parallel_loop3A_184 : i32 to index
      %parallel_loop3A_194 = arith.constant 32 : index
      %parallel_loop3A_195 = tpu.vector_load %arg9[%parallel_loop3A_193, %parallel_loop3A_194] {strides = array<i32>} : memref<200x64xf32, #tpu.memory_space<vmem>>, vector<1x16xf32>,
      %parallel_loop3A_196 = vector.shape_cast %parallel_loop3A_195 : vector<1x16xf32> to vector<16xf32>
      %parallel_loop3A_197 = arith.index_cast %parallel_loop3A_184 : i32 to index
      %parallel_loop3A_198 = arith.constant 48 : index
      %parallel_loop3A_199 = tpu.vector_load %arg9[%parallel_loop3A_197, %parallel_loop3A_198] {strides = array<i32>} : memref<200x64xf32, #tpu.memory_space<vmem>>, vector<1x16xf32>,
      %parallel_loop3A_200 = vector.shape_cast %parallel_loop3A_199 : vector<1x16xf32> to vector<16xf32>
      %parallel_loop3A_201 = arith.constant 0 : i32
      %parallel_loop3A_202 = arith.addi %parallel_loop3A_201, %parallel_loop3A_184 : i32
      %parallel_loop3A_203 = arith.index_cast %parallel_loop3A_202 : i32 to index
      %parallel_loop3A_204 = arith.constant 0 : index
      %parallel_loop3A_205 = tpu.vector_load %arg8[%parallel_loop3A_203, %parallel_loop3A_204] {strides = array<i32>} : memref<800x64xf32, #tpu.memory_space<vmem>>, vector<1x16xf32>,
      %parallel_loop3A_206 = vector.shape_cast %parallel_loop3A_205 : vector<1x16xf32> to vector<16xf32>
      %parallel_loop3A_207 = arith.addf %parallel_loop3A_206, %parallel_loop3A_188 : vector<16xf32>
      %parallel_loop3A_208 = arith.index_cast %parallel_loop3A_202 : i32 to index
      %parallel_loop3A_209 = arith.constant 0 : index
      %parallel_loop3A_210 = tpu.vector_load %arg8[%parallel_loop3A_208, %parallel_loop3A_209] {strides = array<i32>} : memref<800x64xf32, #tpu.memory_space<vmem>>, vector<1x16xf32>,
      %parallel_loop3A_211 = vector.shape_cast %parallel_loop3A_210 : vector<1x16xf32> to vector<16xf32>
      %parallel_loop3A_212 = vector.shape_cast %parallel_loop3A_207 : vector<16xf32> to vector<1x16xf32>
      tpu.vector_store %arg8[%parallel_loop3A_208, %parallel_loop3A_209], %parallel_loop3A_212 {strides = array<i32>} : memref<800x64xf32, #tpu.memory_space<vmem>>, vector<1x16xf32>,
      %parallel_loop3A_213 = arith.index_cast %parallel_loop3A_202 : i32 to index
      %parallel_loop3A_214 = arith.constant 16 : index
      %parallel_loop3A_215 = tpu.vector_load %arg8[%parallel_loop3A_213, %parallel_loop3A_214] {strides = array<i32>} : memref<800x64xf32, #tpu.memory_space<vmem>>, vector<1x16xf32>,
      %parallel_loop3A_216 = vector.shape_cast %parallel_loop3A_215 : vector<1x16xf32> to vector<16xf32>
      %parallel_loop3A_217 = arith.addf %parallel_loop3A_216, %parallel_loop3A_192 : vector<16xf32>
      %parallel_loop3A_218 = arith.index_cast %parallel_loop3A_202 : i32 to index
      %parallel_loop3A_219 = arith.constant 16 : index
      %parallel_loop3A_220 = tpu.vector_load %arg8[%parallel_loop3A_218, %parallel_loop3A_219] {strides = array<i32>} : memref<800x64xf32, #tpu.memory_space<vmem>>, vector<1x16xf32>,
      %parallel_loop3A_221 = vector.shape_cast %parallel_loop3A_220 : vector<1x16xf32> to vector<16xf32>
      %parallel_loop3A_222 = vector.shape_cast %parallel_loop3A_217 : vector<16xf32> to vector<1x16xf32>
      tpu.vector_store %arg8[%parallel_loop3A_218, %parallel_loop3A_219], %parallel_loop3A_222 {strides = array<i32>} : memref<800x64xf32, #tpu.memory_space<vmem>>, vector<1x16xf32>,
      %parallel_loop3A_223 = arith.index_cast %parallel_loop3A_202 : i32 to index
      %parallel_loop3A_224 = arith.constant 32 : index
      %parallel_loop3A_225 = tpu.vector_load %arg8[%parallel_loop3A_223, %parallel_loop3A_224] {strides = array<i32>} : memref<800x64xf32, #tpu.memory_space<vmem>>, vector<1x16xf32>,
      %parallel_loop3A_226 = vector.shape_cast %parallel_loop3A_225 : vector<1x16xf32> to vector<16xf32>
      %parallel_loop3A_227 = arith.addf %parallel_loop3A_226, %parallel_loop3A_196 : vector<16xf32>
      %parallel_loop3A_228 = arith.index_cast %parallel_loop3A_202 : i32 to index
      %parallel_loop3A_229 = arith.constant 32 : index
      %parallel_loop3A_230 = tpu.vector_load %arg8[%parallel_loop3A_228, %parallel_loop3A_229] {strides = array<i32>} : memref<800x64xf32, #tpu.memory_space<vmem>>, vector<1x16xf32>,
      %parallel_loop3A_231 = vector.shape_cast %parallel_loop3A_230 : vector<1x16xf32> to vector<16xf32>
      %parallel_loop3A_232 = vector.shape_cast %parallel_loop3A_227 : vector<16xf32> to vector<1x16xf32>
      tpu.vector_store %arg8[%parallel_loop3A_228, %parallel_loop3A_229], %parallel_loop3A_232 {strides = array<i32>} : memref<800x64xf32, #tpu.memory_space<vmem>>, vector<1x16xf32>,
      %parallel_loop3A_233 = arith.index_cast %parallel_loop3A_202 : i32 to index
      %parallel_loop3A_234 = arith.constant 48 : index
      %parallel_loop3A_235 = tpu.vector_load %arg8[%parallel_loop3A_233, %parallel_loop3A_234] {strides = array<i32>} : memref<800x64xf32, #tpu.memory_space<vmem>>, vector<1x16xf32>,
      %parallel_loop3A_236 = vector.shape_cast %parallel_loop3A_235 : vector<1x16xf32> to vector<16xf32>
      %parallel_loop3A_237 = arith.addf %parallel_loop3A_236, %parallel_loop3A_200 : vector<16xf32>
      %parallel_loop3A_238 = arith.index_cast %parallel_loop3A_202 : i32 to index
      %parallel_loop3A_239 = arith.constant 48 : index
      %parallel_loop3A_240 = tpu.vector_load %arg8[%parallel_loop3A_238, %parallel_loop3A_239] {strides = array<i32>} : memref<800x64xf32, #tpu.memory_space<vmem>>, vector<1x16xf32>,
      %parallel_loop3A_241 = vector.shape_cast %parallel_loop3A_240 : vector<1x16xf32> to vector<16xf32>
      %parallel_loop3A_242 = vector.shape_cast %parallel_loop3A_237 : vector<16xf32> to vector<1x16xf32>
      tpu.vector_store %arg8[%parallel_loop3A_238, %parallel_loop3A_239], %parallel_loop3A_242 {strides = array<i32>} : memref<800x64xf32, #tpu.memory_space<vmem>>, vector<1x16xf32>,
      %parallel_loop3A_243 = arith.constant 200 : i32
      %parallel_loop3A_244 = arith.addi %parallel_loop3A_243, %parallel_loop3A_184 : i32
      %parallel_loop3A_245 = arith.index_cast %parallel_loop3A_244 : i32 to index
      %parallel_loop3A_246 = arith.constant 0 : index
      %parallel_loop3A_247 = tpu.vector_load %arg8[%parallel_loop3A_245, %parallel_loop3A_246] {strides = array<i32>} : memref<800x64xf32, #tpu.memory_space<vmem>>, vector<1x16xf32>,
      %parallel_loop3A_248 = vector.shape_cast %parallel_loop3A_247 : vector<1x16xf32> to vector<16xf32>
      %parallel_loop3A_249 = arith.addf %parallel_loop3A_248, %parallel_loop3A_188 : vector<16xf32>
      %parallel_loop3A_250 = arith.index_cast %parallel_loop3A_244 : i32 to index
      %parallel_loop3A_251 = arith.constant 0 : index
      %parallel_loop3A_252 = tpu.vector_load %arg8[%parallel_loop3A_250, %parallel_loop3A_251] {strides = array<i32>} : memref<800x64xf32, #tpu.memory_space<vmem>>, vector<1x16xf32>,
      %parallel_loop3A_253 = vector.shape_cast %parallel_loop3A_252 : vector<1x16xf32> to vector<16xf32>
      %parallel_loop3A_254 = vector.shape_cast %parallel_loop3A_249 : vector<16xf32> to vector<1x16xf32>
      tpu.vector_store %arg8[%parallel_loop3A_250, %parallel_loop3A_251], %parallel_loop3A_254 {strides = array<i32>} : memref<800x64xf32, #tpu.memory_space<vmem>>, vector<1x16xf32>,
      %parallel_loop3A_255 = arith.index_cast %parallel_loop3A_244 : i32 to index
      %parallel_loop3A_256 = arith.constant 16 : index
      %parallel_loop3A_257 = tpu.vector_load %arg8[%parallel_loop3A_255, %parallel_loop3A_256] {strides = array<i32>} : memref<800x64xf32, #tpu.memory_space<vmem>>, vector<1x16xf32>,
      %parallel_loop3A_258 = vector.shape_cast %parallel_loop3A_257 : vector<1x16xf32> to vector<16xf32>
      %parallel_loop3A_259 = arith.addf %parallel_loop3A_258, %parallel_loop3A_192 : vector<16xf32>
      %parallel_loop3A_260 = arith.index_cast %parallel_loop3A_244 : i32 to index
      %parallel_loop3A_261 = arith.constant 16 : index
      %parallel_loop3A_262 = tpu.vector_load %arg8[%parallel_loop3A_260, %parallel_loop3A_261] {strides = array<i32>} : memref<800x64xf32, #tpu.memory_space<vmem>>, vector<1x16xf32>,
      %parallel_loop3A_263 = vector.shape_cast %parallel_loop3A_262 : vector<1x16xf32> to vector<16xf32>
      %parallel_loop3A_264 = vector.shape_cast %parallel_loop3A_259 : vector<16xf32> to vector<1x16xf32>
      tpu.vector_store %arg8[%parallel_loop3A_260, %parallel_loop3A_261], %parallel_loop3A_264 {strides = array<i32>} : memref<800x64xf32, #tpu.memory_space<vmem>>, vector<1x16xf32>,
      %parallel_loop3A_265 = arith.index_cast %parallel_loop3A_244 : i32 to index
      %parallel_loop3A_266 = arith.constant 32 : index
      %parallel_loop3A_267 = tpu.vector_load %arg8[%parallel_loop3A_265, %parallel_loop3A_266] {strides = array<i32>} : memref<800x64xf32, #tpu.memory_space<vmem>>, vector<1x16xf32>,
      %parallel_loop3A_268 = vector.shape_cast %parallel_loop3A_267 : vector<1x16xf32> to vector<16xf32>
      %parallel_loop3A_269 = arith.addf %parallel_loop3A_268, %parallel_loop3A_196 : vector<16xf32>
      %parallel_loop3A_270 = arith.index_cast %parallel_loop3A_244 : i32 to index
      %parallel_loop3A_271 = arith.constant 32 : index
      %parallel_loop3A_272 = tpu.vector_load %arg8[%parallel_loop3A_270, %parallel_loop3A_271] {strides = array<i32>} : memref<800x64xf32, #tpu.memory_space<vmem>>, vector<1x16xf32>,
      %parallel_loop3A_273 = vector.shape_cast %parallel_loop3A_272 : vector<1x16xf32> to vector<16xf32>
      %parallel_loop3A_274 = vector.shape_cast %parallel_loop3A_269 : vector<16xf32> to vector<1x16xf32>
      tpu.vector_store %arg8[%parallel_loop3A_270, %parallel_loop3A_271], %parallel_loop3A_274 {strides = array<i32>} : memref<800x64xf32, #tpu.memory_space<vmem>>, vector<1x16xf32>,
      %parallel_loop3A_275 = arith.index_cast %parallel_loop3A_244 : i32 to index
      %parallel_loop3A_276 = arith.constant 48 : index
      %parallel_loop3A_277 = tpu.vector_load %arg8[%parallel_loop3A_275, %parallel_loop3A_276] {strides = array<i32>} : memref<800x64xf32, #tpu.memory_space<vmem>>, vector<1x16xf32>,
      %parallel_loop3A_278 = vector.shape_cast %parallel_loop3A_277 : vector<1x16xf32> to vector<16xf32>
      %parallel_loop3A_279 = arith.addf %parallel_loop3A_278, %parallel_loop3A_200 : vector<16xf32>
      %parallel_loop3A_280 = arith.index_cast %parallel_loop3A_244 : i32 to index
      %parallel_loop3A_281 = arith.constant 48 : index
      %parallel_loop3A_282 = tpu.vector_load %arg8[%parallel_loop3A_280, %parallel_loop3A_281] {strides = array<i32>} : memref<800x64xf32, #tpu.memory_space<vmem>>, vector<1x16xf32>,
      %parallel_loop3A_283 = vector.shape_cast %parallel_loop3A_282 : vector<1x16xf32> to vector<16xf32>
      %parallel_loop3A_284 = vector.shape_cast %parallel_loop3A_279 : vector<16xf32> to vector<1x16xf32>
      tpu.vector_store %arg8[%parallel_loop3A_280, %parallel_loop3A_281], %parallel_loop3A_284 {strides = array<i32>} : memref<800x64xf32, #tpu.memory_space<vmem>>, vector<1x16xf32>,
      %parallel_loop3A_285 = arith.constant 400 : i32
      %parallel_loop3A_286 = arith.addi %parallel_loop3A_285, %parallel_loop3A_184 : i32
      %parallel_loop3A_287 = arith.index_cast %parallel_loop3A_286 : i32 to index
      %parallel_loop3A_288 = arith.constant 0 : index
      %parallel_loop3A_289 = tpu.vector_load %arg8[%parallel_loop3A_287, %parallel_loop3A_288] {strides = array<i32>} : memref<800x64xf32, #tpu.memory_space<vmem>>, vector<1x16xf32>,
      %parallel_loop3A_290 = vector.shape_cast %parallel_loop3A_289 : vector<1x16xf32> to vector<16xf32>
      %parallel_loop3A_291 = arith.addf %parallel_loop3A_290, %parallel_loop3A_188 : vector<16xf32>
      %parallel_loop3A_292 = arith.index_cast %parallel_loop3A_286 : i32 to index
      %parallel_loop3A_293 = arith.constant 0 : index
      %parallel_loop3A_294 = tpu.vector_load %arg8[%parallel_loop3A_292, %parallel_loop3A_293] {strides = array<i32>} : memref<800x64xf32, #tpu.memory_space<vmem>>, vector<1x16xf32>,
      %parallel_loop3A_295 = vector.shape_cast %parallel_loop3A_294 : vector<1x16xf32> to vector<16xf32>
      %parallel_loop3A_296 = vector.shape_cast %parallel_loop3A_291 : vector<16xf32> to vector<1x16xf32>
      tpu.vector_store %arg8[%parallel_loop3A_292, %parallel_loop3A_293], %parallel_loop3A_296 {strides = array<i32>} : memref<800x64xf32, #tpu.memory_space<vmem>>, vector<1x16xf32>,
      %parallel_loop3A_297 = arith.index_cast %parallel_loop3A_286 : i32 to index
      %parallel_loop3A_298 = arith.constant 16 : index
      %parallel_loop3A_299 = tpu.vector_load %arg8[%parallel_loop3A_297, %parallel_loop3A_298] {strides = array<i32>} : memref<800x64xf32, #tpu.memory_space<vmem>>, vector<1x16xf32>,
      %parallel_loop3A_300 = vector.shape_cast %parallel_loop3A_299 : vector<1x16xf32> to vector<16xf32>
      %parallel_loop3A_301 = arith.addf %parallel_loop3A_300, %parallel_loop3A_192 : vector<16xf32>
      %parallel_loop3A_302 = arith.index_cast %parallel_loop3A_286 : i32 to index
      %parallel_loop3A_303 = arith.constant 16 : index
      %parallel_loop3A_304 = tpu.vector_load %arg8[%parallel_loop3A_302, %parallel_loop3A_303] {strides = array<i32>} : memref<800x64xf32, #tpu.memory_space<vmem>>, vector<1x16xf32>,
      %parallel_loop3A_305 = vector.shape_cast %parallel_loop3A_304 : vector<1x16xf32> to vector<16xf32>
      %parallel_loop3A_306 = vector.shape_cast %parallel_loop3A_301 : vector<16xf32> to vector<1x16xf32>
      tpu.vector_store %arg8[%parallel_loop3A_302, %parallel_loop3A_303], %parallel_loop3A_306 {strides = array<i32>} : memref<800x64xf32, #tpu.memory_space<vmem>>, vector<1x16xf32>,
      %parallel_loop3A_307 = arith.index_cast %parallel_loop3A_286 : i32 to index
      %parallel_loop3A_308 = arith.constant 32 : index
      %parallel_loop3A_309 = tpu.vector_load %arg8[%parallel_loop3A_307, %parallel_loop3A_308] {strides = array<i32>} : memref<800x64xf32, #tpu.memory_space<vmem>>, vector<1x16xf32>,
      %parallel_loop3A_310 = vector.shape_cast %parallel_loop3A_309 : vector<1x16xf32> to vector<16xf32>
      %parallel_loop3A_311 = arith.addf %parallel_loop3A_310, %parallel_loop3A_196 : vector<16xf32>
      %parallel_loop3A_312 = arith.index_cast %parallel_loop3A_286 : i32 to index
      %parallel_loop3A_313 = arith.constant 32 : index
      %parallel_loop3A_314 = tpu.vector_load %arg8[%parallel_loop3A_312, %parallel_loop3A_313] {strides = array<i32>} : memref<800x64xf32, #tpu.memory_space<vmem>>, vector<1x16xf32>,
      %parallel_loop3A_315 = vector.shape_cast %parallel_loop3A_314 : vector<1x16xf32> to vector<16xf32>
      %parallel_loop3A_316 = vector.shape_cast %parallel_loop3A_311 : vector<16xf32> to vector<1x16xf32>
      tpu.vector_store %arg8[%parallel_loop3A_312, %parallel_loop3A_313], %parallel_loop3A_316 {strides = array<i32>} : memref<800x64xf32, #tpu.memory_space<vmem>>, vector<1x16xf32>,
      %parallel_loop3A_317 = arith.index_cast %parallel_loop3A_286 : i32 to index
      %parallel_loop3A_318 = arith.constant 48 : index
      %parallel_loop3A_319 = tpu.vector_load %arg8[%parallel_loop3A_317, %parallel_loop3A_318] {strides = array<i32>} : memref<800x64xf32, #tpu.memory_space<vmem>>, vector<1x16xf32>,
      %parallel_loop3A_320 = vector.shape_cast %parallel_loop3A_319 : vector<1x16xf32> to vector<16xf32>
      %parallel_loop3A_321 = arith.addf %parallel_loop3A_320, %parallel_loop3A_200 : vector<16xf32>
      %parallel_loop3A_322 = arith.index_cast %parallel_loop3A_286 : i32 to index
      %parallel_loop3A_323 = arith.constant 48 : index
      %parallel_loop3A_324 = tpu.vector_load %arg8[%parallel_loop3A_322, %parallel_loop3A_323] {strides = array<i32>} : memref<800x64xf32, #tpu.memory_space<vmem>>, vector<1x16xf32>,
      %parallel_loop3A_325 = vector.shape_cast %parallel_loop3A_324 : vector<1x16xf32> to vector<16xf32>
      %parallel_loop3A_326 = vector.shape_cast %parallel_loop3A_321 : vector<16xf32> to vector<1x16xf32>
      tpu.vector_store %arg8[%parallel_loop3A_322, %parallel_loop3A_323], %parallel_loop3A_326 {strides = array<i32>} : memref<800x64xf32, #tpu.memory_space<vmem>>, vector<1x16xf32>,
      %parallel_loop3A_327 = arith.constant 600 : i32
      %parallel_loop3A_328 = arith.addi %parallel_loop3A_327, %parallel_loop3A_184 : i32
      %parallel_loop3A_329 = arith.index_cast %parallel_loop3A_328 : i32 to index
      %parallel_loop3A_330 = arith.constant 0 : index
      %parallel_loop3A_331 = tpu.vector_load %arg8[%parallel_loop3A_329, %parallel_loop3A_330] {strides = array<i32>} : memref<800x64xf32, #tpu.memory_space<vmem>>, vector<1x16xf32>,
      %parallel_loop3A_332 = vector.shape_cast %parallel_loop3A_331 : vector<1x16xf32> to vector<16xf32>
      %parallel_loop3A_333 = arith.addf %parallel_loop3A_332, %parallel_loop3A_188 : vector<16xf32>
      %parallel_loop3A_334 = arith.index_cast %parallel_loop3A_328 : i32 to index
      %parallel_loop3A_335 = arith.constant 0 : index
      %parallel_loop3A_336 = tpu.vector_load %arg8[%parallel_loop3A_334, %parallel_loop3A_335] {strides = array<i32>} : memref<800x64xf32, #tpu.memory_space<vmem>>, vector<1x16xf32>,
      %parallel_loop3A_337 = vector.shape_cast %parallel_loop3A_336 : vector<1x16xf32> to vector<16xf32>
      %parallel_loop3A_338 = vector.shape_cast %parallel_loop3A_333 : vector<16xf32> to vector<1x16xf32>
      tpu.vector_store %arg8[%parallel_loop3A_334, %parallel_loop3A_335], %parallel_loop3A_338 {strides = array<i32>} : memref<800x64xf32, #tpu.memory_space<vmem>>, vector<1x16xf32>,
      %parallel_loop3A_339 = arith.index_cast %parallel_loop3A_328 : i32 to index
      %parallel_loop3A_340 = arith.constant 16 : index
      %parallel_loop3A_341 = tpu.vector_load %arg8[%parallel_loop3A_339, %parallel_loop3A_340] {strides = array<i32>} : memref<800x64xf32, #tpu.memory_space<vmem>>, vector<1x16xf32>,
      %parallel_loop3A_342 = vector.shape_cast %parallel_loop3A_341 : vector<1x16xf32> to vector<16xf32>
      %parallel_loop3A_343 = arith.addf %parallel_loop3A_342, %parallel_loop3A_192 : vector<16xf32>
      %parallel_loop3A_344 = arith.index_cast %parallel_loop3A_328 : i32 to index
      %parallel_loop3A_345 = arith.constant 16 : index
      %parallel_loop3A_346 = tpu.vector_load %arg8[%parallel_loop3A_344, %parallel_loop3A_345] {strides = array<i32>} : memref<800x64xf32, #tpu.memory_space<vmem>>, vector<1x16xf32>,
      %parallel_loop3A_347 = vector.shape_cast %parallel_loop3A_346 : vector<1x16xf32> to vector<16xf32>
      %parallel_loop3A_348 = vector.shape_cast %parallel_loop3A_343 : vector<16xf32> to vector<1x16xf32>
      tpu.vector_store %arg8[%parallel_loop3A_344, %parallel_loop3A_345], %parallel_loop3A_348 {strides = array<i32>} : memref<800x64xf32, #tpu.memory_space<vmem>>, vector<1x16xf32>,
      %parallel_loop3A_349 = arith.index_cast %parallel_loop3A_328 : i32 to index
      %parallel_loop3A_350 = arith.constant 32 : index
      %parallel_loop3A_351 = tpu.vector_load %arg8[%parallel_loop3A_349, %parallel_loop3A_350] {strides = array<i32>} : memref<800x64xf32, #tpu.memory_space<vmem>>, vector<1x16xf32>,
      %parallel_loop3A_352 = vector.shape_cast %parallel_loop3A_351 : vector<1x16xf32> to vector<16xf32>
      %parallel_loop3A_353 = arith.addf %parallel_loop3A_352, %parallel_loop3A_196 : vector<16xf32>
      %parallel_loop3A_354 = arith.index_cast %parallel_loop3A_328 : i32 to index
      %parallel_loop3A_355 = arith.constant 32 : index
      %parallel_loop3A_356 = tpu.vector_load %arg8[%parallel_loop3A_354, %parallel_loop3A_355] {strides = array<i32>} : memref<800x64xf32, #tpu.memory_space<vmem>>, vector<1x16xf32>,
      %parallel_loop3A_357 = vector.shape_cast %parallel_loop3A_356 : vector<1x16xf32> to vector<16xf32>
      %parallel_loop3A_358 = vector.shape_cast %parallel_loop3A_353 : vector<16xf32> to vector<1x16xf32>
      tpu.vector_store %arg8[%parallel_loop3A_354, %parallel_loop3A_355], %parallel_loop3A_358 {strides = array<i32>} : memref<800x64xf32, #tpu.memory_space<vmem>>, vector<1x16xf32>,
      %parallel_loop3A_359 = arith.index_cast %parallel_loop3A_328 : i32 to index
      %parallel_loop3A_360 = arith.constant 48 : index
      %parallel_loop3A_361 = tpu.vector_load %arg8[%parallel_loop3A_359, %parallel_loop3A_360] {strides = array<i32>} : memref<800x64xf32, #tpu.memory_space<vmem>>, vector<1x16xf32>,
      %parallel_loop3A_362 = vector.shape_cast %parallel_loop3A_361 : vector<1x16xf32> to vector<16xf32>
      %parallel_loop3A_363 = arith.addf %parallel_loop3A_362, %parallel_loop3A_200 : vector<16xf32>
      %parallel_loop3A_364 = arith.index_cast %parallel_loop3A_328 : i32 to index
      %parallel_loop3A_365 = arith.constant 48 : index
      %parallel_loop3A_366 = tpu.vector_load %arg8[%parallel_loop3A_364, %parallel_loop3A_365] {strides = array<i32>} : memref<800x64xf32, #tpu.memory_space<vmem>>, vector<1x16xf32>,
      %parallel_loop3A_367 = vector.shape_cast %parallel_loop3A_366 : vector<1x16xf32> to vector<16xf32>
      %parallel_loop3A_368 = vector.shape_cast %parallel_loop3A_363 : vector<16xf32> to vector<1x16xf32>
      tpu.vector_store %arg8[%parallel_loop3A_364, %parallel_loop3A_365], %parallel_loop3A_368 {strides = array<i32>} : memref<800x64xf32, #tpu.memory_space<vmem>>, vector<1x16xf32>,
    } {sc.loop_unroll_factor = 1 : i64, sc.parallel_access}
    %add3A_41 = arith.constant 800 : i32
    %add3A_42 = arith.addi %mul3A_2, %add3A_41 : i32
    %dma_start3A_43 = arith.constant 0 : i32
    %dma_start3A_44 = tpu.memref_slice %arg5[%add3A_42, %dma_start3A_43] : memref<204800x64xf32, #tpu.memory_space<hbm>> -> memref<800x64xf32, #tpu.memory_space<hbm>>
    %dma_start3A_45 = arith.constant 0 : i32
    %dma_start3A_46 = tpu.memref_slice %arg5[%add3A_42, %dma_start3A_45] : memref<204800x64xf32, #tpu.memory_space<hbm>> -> memref<800x64xf32, #tpu.memory_space<hbm>>
    tpu.enqueue_dma source(%arg8 : memref<800x64xf32, #tpu.memory_space<vmem>>) target(%dma_start3A_46 : memref<800x64xf32, #tpu.memory_space<hbm>>) target_semaphore(%arg11 : memref<!tpu.dma_semaphore, #tpu.memory_space<semaphore_mem>>)
    %dma_wait3A_47 = arith.constant 1600 : i32
    %dma_wait3A_48 = tpu.memref_slice %arg6[%dma_wait3A_47] : memref<6400xi32, #tpu.memory_space<vmem>> -> memref<800xi32, #tpu.memory_space<vmem>>
    %dma_wait3A_49 = arith.constant 0 : i32
    %dma_wait3A_50 = arith.constant 0 : i32
    %dma_wait3A_51 = tpu.memref_slice %arg3[%dma_wait3A_49, %dma_wait3A_50] : memref<1000000x64xf32, #tpu.memory_space<hbm>> -> memref<1000000x64xf32, #tpu.memory_space<hbm>>
    tpu.wait_indirect_dma semaphore(%arg10 : memref<!tpu.dma_semaphore, #tpu.memory_space<semaphore_mem>>) src(%dma_wait3A_51 : memref<1000000x64xf32, #tpu.memory_space<hbm>>) dst(%arg7 : memref<800x64xf32, #tpu.memory_space<vmem>>)
    %dma_wait3A_52 = arith.constant 0 : i32
    %dma_wait3A_53 = tpu.memref_slice %arg5[%add3A_42, %dma_wait3A_52] : memref<204800x64xf32, #tpu.memory_space<hbm>> -> memref<800x64xf32, #tpu.memory_space<hbm>>
    %dma_wait3A_54 = arith.constant 0 : i32
    %dma_wait3A_55 = tpu.memref_slice %arg5[%add3A_42, %dma_wait3A_54] : memref<204800x64xf32, #tpu.memory_space<hbm>> -> memref<800x64xf32, #tpu.memory_space<hbm>>
    tpu.wait_dma2 semaphore(%arg11 : memref<!tpu.dma_semaphore, #tpu.memory_space<semaphore_mem>>) src(%arg8 : memref<800x64xf32, #tpu.memory_space<vmem>>) dst(%dma_wait3A_55 : memref<800x64xf32, #tpu.memory_space<hbm>>)
    %dma_start3A_56 = arith.constant 2400 : i32
    %dma_start3A_57 = tpu.memref_slice %arg6[%dma_start3A_56] : memref<6400xi32, #tpu.memory_space<vmem>> -> memref<800xi32, #tpu.memory_space<vmem>>
    %dma_start3A_58 = arith.constant 0 : i32
    %dma_start3A_59 = arith.constant 0 : i32
    %dma_start3A_60 = tpu.memref_slice %arg3[%dma_start3A_58, %dma_start3A_59] : memref<1000000x64xf32, #tpu.memory_space<hbm>> -> memref<1000000x64xf32, #tpu.memory_space<hbm>>
    tpu.enqueue_indirect_dma source(%dma_start3A_60 : memref<1000000x64xf32, #tpu.memory_space<hbm>>) target(%arg8 : memref<800x64xf32, #tpu.memory_space<vmem>>) offsets(%dma_start3A_57 : memref<800xi32, #tpu.memory_space<vmem>>) semaphore(%arg10 : memref<!tpu.dma_semaphore, #tpu.memory_space<semaphore_mem>>)
    %parallel_loop3A_61 = arith.constant 0 : i32
    %parallel_loop3A_62 = arith.constant 200 : i32
    %parallel_loop3A_63 = arith.constant 1 : i32
    scf.for %parallel_loop3A_184 = %parallel_loop3A_61 to %parallel_loop3A_62 step %parallel_loop3A_63  : i32 {
      %parallel_loop3A_185 = arith.index_cast %parallel_loop3A_184 : i32 to index
      %parallel_loop3A_186 = arith.constant 0 : index
      %parallel_loop3A_187 = tpu.vector_load %arg9[%parallel_loop3A_185, %parallel_loop3A_186] {strides = array<i32>} : memref<200x64xf32, #tpu.memory_space<vmem>>, vector<1x16xf32>,
      %parallel_loop3A_188 = vector.shape_cast %parallel_loop3A_187 : vector<1x16xf32> to vector<16xf32>
      %parallel_loop3A_189 = arith.index_cast %parallel_loop3A_184 : i32 to index
      %parallel_loop3A_190 = arith.constant 16 : index
      %parallel_loop3A_191 = tpu.vector_load %arg9[%parallel_loop3A_189, %parallel_loop3A_190] {strides = array<i32>} : memref<200x64xf32, #tpu.memory_space<vmem>>, vector<1x16xf32>,
      %parallel_loop3A_192 = vector.shape_cast %parallel_loop3A_191 : vector<1x16xf32> to vector<16xf32>
      %parallel_loop3A_193 = arith.index_cast %parallel_loop3A_184 : i32 to index
      %parallel_loop3A_194 = arith.constant 32 : index
      %parallel_loop3A_195 = tpu.vector_load %arg9[%parallel_loop3A_193, %parallel_loop3A_194] {strides = array<i32>} : memref<200x64xf32, #tpu.memory_space<vmem>>, vector<1x16xf32>,
      %parallel_loop3A_196 = vector.shape_cast %parallel_loop3A_195 : vector<1x16xf32> to vector<16xf32>
      %parallel_loop3A_197 = arith.index_cast %parallel_loop3A_184 : i32 to index
      %parallel_loop3A_198 = arith.constant 48 : index
      %parallel_loop3A_199 = tpu.vector_load %arg9[%parallel_loop3A_197, %parallel_loop3A_198] {strides = array<i32>} : memref<200x64xf32, #tpu.memory_space<vmem>>, vector<1x16xf32>,
      %parallel_loop3A_200 = vector.shape_cast %parallel_loop3A_199 : vector<1x16xf32> to vector<16xf32>
      %parallel_loop3A_201 = arith.constant 0 : i32
      %parallel_loop3A_202 = arith.addi %parallel_loop3A_201, %parallel_loop3A_184 : i32
      %parallel_loop3A_203 = arith.index_cast %parallel_loop3A_202 : i32 to index
      %parallel_loop3A_204 = arith.constant 0 : index
      %parallel_loop3A_205 = tpu.vector_load %arg7[%parallel_loop3A_203, %parallel_loop3A_204] {strides = array<i32>} : memref<800x64xf32, #tpu.memory_space<vmem>>, vector<1x16xf32>,
      %parallel_loop3A_206 = vector.shape_cast %parallel_loop3A_205 : vector<1x16xf32> to vector<16xf32>
      %parallel_loop3A_207 = arith.addf %parallel_loop3A_206, %parallel_loop3A_188 : vector<16xf32>
      %parallel_loop3A_208 = arith.index_cast %parallel_loop3A_202 : i32 to index
      %parallel_loop3A_209 = arith.constant 0 : index
      %parallel_loop3A_210 = tpu.vector_load %arg7[%parallel_loop3A_208, %parallel_loop3A_209] {strides = array<i32>} : memref<800x64xf32, #tpu.memory_space<vmem>>, vector<1x16xf32>,
      %parallel_loop3A_211 = vector.shape_cast %parallel_loop3A_210 : vector<1x16xf32> to vector<16xf32>
      %parallel_loop3A_212 = vector.shape_cast %parallel_loop3A_207 : vector<16xf32> to vector<1x16xf32>
      tpu.vector_store %arg7[%parallel_loop3A_208, %parallel_loop3A_209], %parallel_loop3A_212 {strides = array<i32>} : memref<800x64xf32, #tpu.memory_space<vmem>>, vector<1x16xf32>,
      %parallel_loop3A_213 = arith.index_cast %parallel_loop3A_202 : i32 to index
      %parallel_loop3A_214 = arith.constant 16 : index
      %parallel_loop3A_215 = tpu.vector_load %arg7[%parallel_loop3A_213, %parallel_loop3A_214] {strides = array<i32>} : memref<800x64xf32, #tpu.memory_space<vmem>>, vector<1x16xf32>,
      %parallel_loop3A_216 = vector.shape_cast %parallel_loop3A_215 : vector<1x16xf32> to vector<16xf32>
      %parallel_loop3A_217 = arith.addf %parallel_loop3A_216, %parallel_loop3A_192 : vector<16xf32>
      %parallel_loop3A_218 = arith.index_cast %parallel_loop3A_202 : i32 to index
      %parallel_loop3A_219 = arith.constant 16 : index
      %parallel_loop3A_220 = tpu.vector_load %arg7[%parallel_loop3A_218, %parallel_loop3A_219] {strides = array<i32>} : memref<800x64xf32, #tpu.memory_space<vmem>>, vector<1x16xf32>,
      %parallel_loop3A_221 = vector.shape_cast %parallel_loop3A_220 : vector<1x16xf32> to vector<16xf32>
      %parallel_loop3A_222 = vector.shape_cast %parallel_loop3A_217 : vector<16xf32> to vector<1x16xf32>
      tpu.vector_store %arg7[%parallel_loop3A_218, %parallel_loop3A_219], %parallel_loop3A_222 {strides = array<i32>} : memref<800x64xf32, #tpu.memory_space<vmem>>, vector<1x16xf32>,
      %parallel_loop3A_223 = arith.index_cast %parallel_loop3A_202 : i32 to index
      %parallel_loop3A_224 = arith.constant 32 : index
      %parallel_loop3A_225 = tpu.vector_load %arg7[%parallel_loop3A_223, %parallel_loop3A_224] {strides = array<i32>} : memref<800x64xf32, #tpu.memory_space<vmem>>, vector<1x16xf32>,
      %parallel_loop3A_226 = vector.shape_cast %parallel_loop3A_225 : vector<1x16xf32> to vector<16xf32>
      %parallel_loop3A_227 = arith.addf %parallel_loop3A_226, %parallel_loop3A_196 : vector<16xf32>
      %parallel_loop3A_228 = arith.index_cast %parallel_loop3A_202 : i32 to index
      %parallel_loop3A_229 = arith.constant 32 : index
      %parallel_loop3A_230 = tpu.vector_load %arg7[%parallel_loop3A_228, %parallel_loop3A_229] {strides = array<i32>} : memref<800x64xf32, #tpu.memory_space<vmem>>, vector<1x16xf32>,
      %parallel_loop3A_231 = vector.shape_cast %parallel_loop3A_230 : vector<1x16xf32> to vector<16xf32>
      %parallel_loop3A_232 = vector.shape_cast %parallel_loop3A_227 : vector<16xf32> to vector<1x16xf32>
      tpu.vector_store %arg7[%parallel_loop3A_228, %parallel_loop3A_229], %parallel_loop3A_232 {strides = array<i32>} : memref<800x64xf32, #tpu.memory_space<vmem>>, vector<1x16xf32>,
      %parallel_loop3A_233 = arith.index_cast %parallel_loop3A_202 : i32 to index
      %parallel_loop3A_234 = arith.constant 48 : index
      %parallel_loop3A_235 = tpu.vector_load %arg7[%parallel_loop3A_233, %parallel_loop3A_234] {strides = array<i32>} : memref<800x64xf32, #tpu.memory_space<vmem>>, vector<1x16xf32>,
      %parallel_loop3A_236 = vector.shape_cast %parallel_loop3A_235 : vector<1x16xf32> to vector<16xf32>
      %parallel_loop3A_237 = arith.addf %parallel_loop3A_236, %parallel_loop3A_200 : vector<16xf32>
      %parallel_loop3A_238 = arith.index_cast %parallel_loop3A_202 : i32 to index
      %parallel_loop3A_239 = arith.constant 48 : index
      %parallel_loop3A_240 = tpu.vector_load %arg7[%parallel_loop3A_238, %parallel_loop3A_239] {strides = array<i32>} : memref<800x64xf32, #tpu.memory_space<vmem>>, vector<1x16xf32>,
      %parallel_loop3A_241 = vector.shape_cast %parallel_loop3A_240 : vector<1x16xf32> to vector<16xf32>
      %parallel_loop3A_242 = vector.shape_cast %parallel_loop3A_237 : vector<16xf32> to vector<1x16xf32>
      tpu.vector_store %arg7[%parallel_loop3A_238, %parallel_loop3A_239], %parallel_loop3A_242 {strides = array<i32>} : memref<800x64xf32, #tpu.memory_space<vmem>>, vector<1x16xf32>,
      %parallel_loop3A_243 = arith.constant 200 : i32
      %parallel_loop3A_244 = arith.addi %parallel_loop3A_243, %parallel_loop3A_184 : i32
      %parallel_loop3A_245 = arith.index_cast %parallel_loop3A_244 : i32 to index
      %parallel_loop3A_246 = arith.constant 0 : index
      %parallel_loop3A_247 = tpu.vector_load %arg7[%parallel_loop3A_245, %parallel_loop3A_246] {strides = array<i32>} : memref<800x64xf32, #tpu.memory_space<vmem>>, vector<1x16xf32>,
      %parallel_loop3A_248 = vector.shape_cast %parallel_loop3A_247 : vector<1x16xf32> to vector<16xf32>
      %parallel_loop3A_249 = arith.addf %parallel_loop3A_248, %parallel_loop3A_188 : vector<16xf32>
      %parallel_loop3A_250 = arith.index_cast %parallel_loop3A_244 : i32 to index
      %parallel_loop3A_251 = arith.constant 0 : index
      %parallel_loop3A_252 = tpu.vector_load %arg7[%parallel_loop3A_250, %parallel_loop3A_251] {strides = array<i32>} : memref<800x64xf32, #tpu.memory_space<vmem>>, vector<1x16xf32>,
      %parallel_loop3A_253 = vector.shape_cast %parallel_loop3A_252 : vector<1x16xf32> to vector<16xf32>
      %parallel_loop3A_254 = vector.shape_cast %parallel_loop3A_249 : vector<16xf32> to vector<1x16xf32>
      tpu.vector_store %arg7[%parallel_loop3A_250, %parallel_loop3A_251], %parallel_loop3A_254 {strides = array<i32>} : memref<800x64xf32, #tpu.memory_space<vmem>>, vector<1x16xf32>,
      %parallel_loop3A_255 = arith.index_cast %parallel_loop3A_244 : i32 to index
      %parallel_loop3A_256 = arith.constant 16 : index
      %parallel_loop3A_257 = tpu.vector_load %arg7[%parallel_loop3A_255, %parallel_loop3A_256] {strides = array<i32>} : memref<800x64xf32, #tpu.memory_space<vmem>>, vector<1x16xf32>,
      %parallel_loop3A_258 = vector.shape_cast %parallel_loop3A_257 : vector<1x16xf32> to vector<16xf32>
      %parallel_loop3A_259 = arith.addf %parallel_loop3A_258, %parallel_loop3A_192 : vector<16xf32>
      %parallel_loop3A_260 = arith.index_cast %parallel_loop3A_244 : i32 to index
      %parallel_loop3A_261 = arith.constant 16 : index
      %parallel_loop3A_262 = tpu.vector_load %arg7[%parallel_loop3A_260, %parallel_loop3A_261] {strides = array<i32>} : memref<800x64xf32, #tpu.memory_space<vmem>>, vector<1x16xf32>,
      %parallel_loop3A_263 = vector.shape_cast %parallel_loop3A_262 : vector<1x16xf32> to vector<16xf32>
      %parallel_loop3A_264 = vector.shape_cast %parallel_loop3A_259 : vector<16xf32> to vector<1x16xf32>
      tpu.vector_store %arg7[%parallel_loop3A_260, %parallel_loop3A_261], %parallel_loop3A_264 {strides = array<i32>} : memref<800x64xf32, #tpu.memory_space<vmem>>, vector<1x16xf32>,
      %parallel_loop3A_265 = arith.index_cast %parallel_loop3A_244 : i32 to index
      %parallel_loop3A_266 = arith.constant 32 : index
      %parallel_loop3A_267 = tpu.vector_load %arg7[%parallel_loop3A_265, %parallel_loop3A_266] {strides = array<i32>} : memref<800x64xf32, #tpu.memory_space<vmem>>, vector<1x16xf32>,
      %parallel_loop3A_268 = vector.shape_cast %parallel_loop3A_267 : vector<1x16xf32> to vector<16xf32>
      %parallel_loop3A_269 = arith.addf %parallel_loop3A_268, %parallel_loop3A_196 : vector<16xf32>
      %parallel_loop3A_270 = arith.index_cast %parallel_loop3A_244 : i32 to index
      %parallel_loop3A_271 = arith.constant 32 : index
      %parallel_loop3A_272 = tpu.vector_load %arg7[%parallel_loop3A_270, %parallel_loop3A_271] {strides = array<i32>} : memref<800x64xf32, #tpu.memory_space<vmem>>, vector<1x16xf32>,
      %parallel_loop3A_273 = vector.shape_cast %parallel_loop3A_272 : vector<1x16xf32> to vector<16xf32>
      %parallel_loop3A_274 = vector.shape_cast %parallel_loop3A_269 : vector<16xf32> to vector<1x16xf32>
      tpu.vector_store %arg7[%parallel_loop3A_270, %parallel_loop3A_271], %parallel_loop3A_274 {strides = array<i32>} : memref<800x64xf32, #tpu.memory_space<vmem>>, vector<1x16xf32>,
      %parallel_loop3A_275 = arith.index_cast %parallel_loop3A_244 : i32 to index
      %parallel_loop3A_276 = arith.constant 48 : index
      %parallel_loop3A_277 = tpu.vector_load %arg7[%parallel_loop3A_275, %parallel_loop3A_276] {strides = array<i32>} : memref<800x64xf32, #tpu.memory_space<vmem>>, vector<1x16xf32>,
      %parallel_loop3A_278 = vector.shape_cast %parallel_loop3A_277 : vector<1x16xf32> to vector<16xf32>
      %parallel_loop3A_279 = arith.addf %parallel_loop3A_278, %parallel_loop3A_200 : vector<16xf32>
      %parallel_loop3A_280 = arith.index_cast %parallel_loop3A_244 : i32 to index
      %parallel_loop3A_281 = arith.constant 48 : index
      %parallel_loop3A_282 = tpu.vector_load %arg7[%parallel_loop3A_280, %parallel_loop3A_281] {strides = array<i32>} : memref<800x64xf32, #tpu.memory_space<vmem>>, vector<1x16xf32>,
      %parallel_loop3A_283 = vector.shape_cast %parallel_loop3A_282 : vector<1x16xf32> to vector<16xf32>
      %parallel_loop3A_284 = vector.shape_cast %parallel_loop3A_279 : vector<16xf32> to vector<1x16xf32>
      tpu.vector_store %arg7[%parallel_loop3A_280, %parallel_loop3A_281], %parallel_loop3A_284 {strides = array<i32>} : memref<800x64xf32, #tpu.memory_space<vmem>>, vector<1x16xf32>,
      %parallel_loop3A_285 = arith.constant 400 : i32
      %parallel_loop3A_286 = arith.addi %parallel_loop3A_285, %parallel_loop3A_184 : i32
      %parallel_loop3A_287 = arith.index_cast %parallel_loop3A_286 : i32 to index
      %parallel_loop3A_288 = arith.constant 0 : index
      %parallel_loop3A_289 = tpu.vector_load %arg7[%parallel_loop3A_287, %parallel_loop3A_288] {strides = array<i32>} : memref<800x64xf32, #tpu.memory_space<vmem>>, vector<1x16xf32>,
      %parallel_loop3A_290 = vector.shape_cast %parallel_loop3A_289 : vector<1x16xf32> to vector<16xf32>
      %parallel_loop3A_291 = arith.addf %parallel_loop3A_290, %parallel_loop3A_188 : vector<16xf32>
      %parallel_loop3A_292 = arith.index_cast %parallel_loop3A_286 : i32 to index
      %parallel_loop3A_293 = arith.constant 0 : index
      %parallel_loop3A_294 = tpu.vector_load %arg7[%parallel_loop3A_292, %parallel_loop3A_293] {strides = array<i32>} : memref<800x64xf32, #tpu.memory_space<vmem>>, vector<1x16xf32>,
      %parallel_loop3A_295 = vector.shape_cast %parallel_loop3A_294 : vector<1x16xf32> to vector<16xf32>
      %parallel_loop3A_296 = vector.shape_cast %parallel_loop3A_291 : vector<16xf32> to vector<1x16xf32>
      tpu.vector_store %arg7[%parallel_loop3A_292, %parallel_loop3A_293], %parallel_loop3A_296 {strides = array<i32>} : memref<800x64xf32, #tpu.memory_space<vmem>>, vector<1x16xf32>,
      %parallel_loop3A_297 = arith.index_cast %parallel_loop3A_286 : i32 to index
      %parallel_loop3A_298 = arith.constant 16 : index
      %parallel_loop3A_299 = tpu.vector_load %arg7[%parallel_loop3A_297, %parallel_loop3A_298] {strides = array<i32>} : memref<800x64xf32, #tpu.memory_space<vmem>>, vector<1x16xf32>,
      %parallel_loop3A_300 = vector.shape_cast %parallel_loop3A_299 : vector<1x16xf32> to vector<16xf32>
      %parallel_loop3A_301 = arith.addf %parallel_loop3A_300, %parallel_loop3A_192 : vector<16xf32>
      %parallel_loop3A_302 = arith.index_cast %parallel_loop3A_286 : i32 to index
      %parallel_loop3A_303 = arith.constant 16 : index
      %parallel_loop3A_304 = tpu.vector_load %arg7[%parallel_loop3A_302, %parallel_loop3A_303] {strides = array<i32>} : memref<800x64xf32, #tpu.memory_space<vmem>>, vector<1x16xf32>,
      %parallel_loop3A_305 = vector.shape_cast %parallel_loop3A_304 : vector<1x16xf32> to vector<16xf32>
      %parallel_loop3A_306 = vector.shape_cast %parallel_loop3A_301 : vector<16xf32> to vector<1x16xf32>
      tpu.vector_store %arg7[%parallel_loop3A_302, %parallel_loop3A_303], %parallel_loop3A_306 {strides = array<i32>} : memref<800x64xf32, #tpu.memory_space<vmem>>, vector<1x16xf32>,
      %parallel_loop3A_307 = arith.index_cast %parallel_loop3A_286 : i32 to index
      %parallel_loop3A_308 = arith.constant 32 : index
      %parallel_loop3A_309 = tpu.vector_load %arg7[%parallel_loop3A_307, %parallel_loop3A_308] {strides = array<i32>} : memref<800x64xf32, #tpu.memory_space<vmem>>, vector<1x16xf32>,
      %parallel_loop3A_310 = vector.shape_cast %parallel_loop3A_309 : vector<1x16xf32> to vector<16xf32>
      %parallel_loop3A_311 = arith.addf %parallel_loop3A_310, %parallel_loop3A_196 : vector<16xf32>
      %parallel_loop3A_312 = arith.index_cast %parallel_loop3A_286 : i32 to index
      %parallel_loop3A_313 = arith.constant 32 : index
      %parallel_loop3A_314 = tpu.vector_load %arg7[%parallel_loop3A_312, %parallel_loop3A_313] {strides = array<i32>} : memref<800x64xf32, #tpu.memory_space<vmem>>, vector<1x16xf32>,
      %parallel_loop3A_315 = vector.shape_cast %parallel_loop3A_314 : vector<1x16xf32> to vector<16xf32>
      %parallel_loop3A_316 = vector.shape_cast %parallel_loop3A_311 : vector<16xf32> to vector<1x16xf32>
      tpu.vector_store %arg7[%parallel_loop3A_312, %parallel_loop3A_313], %parallel_loop3A_316 {strides = array<i32>} : memref<800x64xf32, #tpu.memory_space<vmem>>, vector<1x16xf32>,
      %parallel_loop3A_317 = arith.index_cast %parallel_loop3A_286 : i32 to index
      %parallel_loop3A_318 = arith.constant 48 : index
      %parallel_loop3A_319 = tpu.vector_load %arg7[%parallel_loop3A_317, %parallel_loop3A_318] {strides = array<i32>} : memref<800x64xf32, #tpu.memory_space<vmem>>, vector<1x16xf32>,
      %parallel_loop3A_320 = vector.shape_cast %parallel_loop3A_319 : vector<1x16xf32> to vector<16xf32>
      %parallel_loop3A_321 = arith.addf %parallel_loop3A_320, %parallel_loop3A_200 : vector<16xf32>
      %parallel_loop3A_322 = arith.index_cast %parallel_loop3A_286 : i32 to index
      %parallel_loop3A_323 = arith.constant 48 : index
      %parallel_loop3A_324 = tpu.vector_load %arg7[%parallel_loop3A_322, %parallel_loop3A_323] {strides = array<i32>} : memref<800x64xf32, #tpu.memory_space<vmem>>, vector<1x16xf32>,
      %parallel_loop3A_325 = vector.shape_cast %parallel_loop3A_324 : vector<1x16xf32> to vector<16xf32>
      %parallel_loop3A_326 = vector.shape_cast %parallel_loop3A_321 : vector<16xf32> to vector<1x16xf32>
      tpu.vector_store %arg7[%parallel_loop3A_322, %parallel_loop3A_323], %parallel_loop3A_326 {strides = array<i32>} : memref<800x64xf32, #tpu.memory_space<vmem>>, vector<1x16xf32>,
      %parallel_loop3A_327 = arith.constant 600 : i32
      %parallel_loop3A_328 = arith.addi %parallel_loop3A_327, %parallel_loop3A_184 : i32
      %parallel_loop3A_329 = arith.index_cast %parallel_loop3A_328 : i32 to index
      %parallel_loop3A_330 = arith.constant 0 : index
      %parallel_loop3A_331 = tpu.vector_load %arg7[%parallel_loop3A_329, %parallel_loop3A_330] {strides = array<i32>} : memref<800x64xf32, #tpu.memory_space<vmem>>, vector<1x16xf32>,
      %parallel_loop3A_332 = vector.shape_cast %parallel_loop3A_331 : vector<1x16xf32> to vector<16xf32>
      %parallel_loop3A_333 = arith.addf %parallel_loop3A_332, %parallel_loop3A_188 : vector<16xf32>
      %parallel_loop3A_334 = arith.index_cast %parallel_loop3A_328 : i32 to index
      %parallel_loop3A_335 = arith.constant 0 : index
      %parallel_loop3A_336 = tpu.vector_load %arg7[%parallel_loop3A_334, %parallel_loop3A_335] {strides = array<i32>} : memref<800x64xf32, #tpu.memory_space<vmem>>, vector<1x16xf32>,
      %parallel_loop3A_337 = vector.shape_cast %parallel_loop3A_336 : vector<1x16xf32> to vector<16xf32>
      %parallel_loop3A_338 = vector.shape_cast %parallel_loop3A_333 : vector<16xf32> to vector<1x16xf32>
      tpu.vector_store %arg7[%parallel_loop3A_334, %parallel_loop3A_335], %parallel_loop3A_338 {strides = array<i32>} : memref<800x64xf32, #tpu.memory_space<vmem>>, vector<1x16xf32>,
      %parallel_loop3A_339 = arith.index_cast %parallel_loop3A_328 : i32 to index
      %parallel_loop3A_340 = arith.constant 16 : index
      %parallel_loop3A_341 = tpu.vector_load %arg7[%parallel_loop3A_339, %parallel_loop3A_340] {strides = array<i32>} : memref<800x64xf32, #tpu.memory_space<vmem>>, vector<1x16xf32>,
      %parallel_loop3A_342 = vector.shape_cast %parallel_loop3A_341 : vector<1x16xf32> to vector<16xf32>
      %parallel_loop3A_343 = arith.addf %parallel_loop3A_342, %parallel_loop3A_192 : vector<16xf32>
      %parallel_loop3A_344 = arith.index_cast %parallel_loop3A_328 : i32 to index
      %parallel_loop3A_345 = arith.constant 16 : index
      %parallel_loop3A_346 = tpu.vector_load %arg7[%parallel_loop3A_344, %parallel_loop3A_345] {strides = array<i32>} : memref<800x64xf32, #tpu.memory_space<vmem>>, vector<1x16xf32>,
      %parallel_loop3A_347 = vector.shape_cast %parallel_loop3A_346 : vector<1x16xf32> to vector<16xf32>
      %parallel_loop3A_348 = vector.shape_cast %parallel_loop3A_343 : vector<16xf32> to vector<1x16xf32>
      tpu.vector_store %arg7[%parallel_loop3A_344, %parallel_loop3A_345], %parallel_loop3A_348 {strides = array<i32>} : memref<800x64xf32, #tpu.memory_space<vmem>>, vector<1x16xf32>,
      %parallel_loop3A_349 = arith.index_cast %parallel_loop3A_328 : i32 to index
      %parallel_loop3A_350 = arith.constant 32 : index
      %parallel_loop3A_351 = tpu.vector_load %arg7[%parallel_loop3A_349, %parallel_loop3A_350] {strides = array<i32>} : memref<800x64xf32, #tpu.memory_space<vmem>>, vector<1x16xf32>,
      %parallel_loop3A_352 = vector.shape_cast %parallel_loop3A_351 : vector<1x16xf32> to vector<16xf32>
      %parallel_loop3A_353 = arith.addf %parallel_loop3A_352, %parallel_loop3A_196 : vector<16xf32>
      %parallel_loop3A_354 = arith.index_cast %parallel_loop3A_328 : i32 to index
      %parallel_loop3A_355 = arith.constant 32 : index
      %parallel_loop3A_356 = tpu.vector_load %arg7[%parallel_loop3A_354, %parallel_loop3A_355] {strides = array<i32>} : memref<800x64xf32, #tpu.memory_space<vmem>>, vector<1x16xf32>,
      %parallel_loop3A_357 = vector.shape_cast %parallel_loop3A_356 : vector<1x16xf32> to vector<16xf32>
      %parallel_loop3A_358 = vector.shape_cast %parallel_loop3A_353 : vector<16xf32> to vector<1x16xf32>
      tpu.vector_store %arg7[%parallel_loop3A_354, %parallel_loop3A_355], %parallel_loop3A_358 {strides = array<i32>} : memref<800x64xf32, #tpu.memory_space<vmem>>, vector<1x16xf32>,
      %parallel_loop3A_359 = arith.index_cast %parallel_loop3A_328 : i32 to index
      %parallel_loop3A_360 = arith.constant 48 : index
      %parallel_loop3A_361 = tpu.vector_load %arg7[%parallel_loop3A_359, %parallel_loop3A_360] {strides = array<i32>} : memref<800x64xf32, #tpu.memory_space<vmem>>, vector<1x16xf32>,
      %parallel_loop3A_362 = vector.shape_cast %parallel_loop3A_361 : vector<1x16xf32> to vector<16xf32>
      %parallel_loop3A_363 = arith.addf %parallel_loop3A_362, %parallel_loop3A_200 : vector<16xf32>
      %parallel_loop3A_364 = arith.index_cast %parallel_loop3A_328 : i32 to index
      %parallel_loop3A_365 = arith.constant 48 : index
      %parallel_loop3A_366 = tpu.vector_load %arg7[%parallel_loop3A_364, %parallel_loop3A_365] {strides = array<i32>} : memref<800x64xf32, #tpu.memory_space<vmem>>, vector<1x16xf32>,
      %parallel_loop3A_367 = vector.shape_cast %parallel_loop3A_366 : vector<1x16xf32> to vector<16xf32>
      %parallel_loop3A_368 = vector.shape_cast %parallel_loop3A_363 : vector<16xf32> to vector<1x16xf32>
      tpu.vector_store %arg7[%parallel_loop3A_364, %parallel_loop3A_365], %parallel_loop3A_368 {strides = array<i32>} : memref<800x64xf32, #tpu.memory_space<vmem>>, vector<1x16xf32>,
    } {sc.loop_unroll_factor = 1 : i64, sc.parallel_access}
    %add3A_64 = arith.constant 1600 : i32
    %add3A_65 = arith.addi %mul3A_2, %add3A_64 : i32
    %dma_start3A_66 = arith.constant 0 : i32
    %dma_start3A_67 = tpu.memref_slice %arg5[%add3A_65, %dma_start3A_66] : memref<204800x64xf32, #tpu.memory_space<hbm>> -> memref<800x64xf32, #tpu.memory_space<hbm>>
    %dma_start3A_68 = arith.constant 0 : i32
    %dma_start3A_69 = tpu.memref_slice %arg5[%add3A_65, %dma_start3A_68] : memref<204800x64xf32, #tpu.memory_space<hbm>> -> memref<800x64xf32, #tpu.memory_space<hbm>>
    tpu.enqueue_dma source(%arg7 : memref<800x64xf32, #tpu.memory_space<vmem>>) target(%dma_start3A_69 : memref<800x64xf32, #tpu.memory_space<hbm>>) target_semaphore(%arg11 : memref<!tpu.dma_semaphore, #tpu.memory_space<semaphore_mem>>)
    %dma_wait3A_70 = arith.constant 2400 : i32
    %dma_wait3A_71 = tpu.memref_slice %arg6[%dma_wait3A_70] : memref<6400xi32, #tpu.memory_space<vmem>> -> memref<800xi32, #tpu.memory_space<vmem>>
    %dma_wait3A_72 = arith.constant 0 : i32
    %dma_wait3A_73 = arith.constant 0 : i32
    %dma_wait3A_74 = tpu.memref_slice %arg3[%dma_wait3A_72, %dma_wait3A_73] : memref<1000000x64xf32, #tpu.memory_space<hbm>> -> memref<1000000x64xf32, #tpu.memory_space<hbm>>
    tpu.wait_indirect_dma semaphore(%arg10 : memref<!tpu.dma_semaphore, #tpu.memory_space<semaphore_mem>>) src(%dma_wait3A_74 : memref<1000000x64xf32, #tpu.memory_space<hbm>>) dst(%arg8 : memref<800x64xf32, #tpu.memory_space<vmem>>)
    %dma_wait3A_75 = arith.constant 0 : i32
    %dma_wait3A_76 = tpu.memref_slice %arg5[%add3A_65, %dma_wait3A_75] : memref<204800x64xf32, #tpu.memory_space<hbm>> -> memref<800x64xf32, #tpu.memory_space<hbm>>
    %dma_wait3A_77 = arith.constant 0 : i32
    %dma_wait3A_78 = tpu.memref_slice %arg5[%add3A_65, %dma_wait3A_77] : memref<204800x64xf32, #tpu.memory_space<hbm>> -> memref<800x64xf32, #tpu.memory_space<hbm>>
    tpu.wait_dma2 semaphore(%arg11 : memref<!tpu.dma_semaphore, #tpu.memory_space<semaphore_mem>>) src(%arg7 : memref<800x64xf32, #tpu.memory_space<vmem>>) dst(%dma_wait3A_78 : memref<800x64xf32, #tpu.memory_space<hbm>>)
    %dma_start3A_79 = arith.constant 3200 : i32
    %dma_start3A_80 = tpu.memref_slice %arg6[%dma_start3A_79] : memref<6400xi32, #tpu.memory_space<vmem>> -> memref<800xi32, #tpu.memory_space<vmem>>
    %dma_start3A_81 = arith.constant 0 : i32
    %dma_start3A_82 = arith.constant 0 : i32
    %dma_start3A_83 = tpu.memref_slice %arg3[%dma_start3A_81, %dma_start3A_82] : memref<1000000x64xf32, #tpu.memory_space<hbm>> -> memref<1000000x64xf32, #tpu.memory_space<hbm>>
    tpu.enqueue_indirect_dma source(%dma_start3A_83 : memref<1000000x64xf32, #tpu.memory_space<hbm>>) target(%arg7 : memref<800x64xf32, #tpu.memory_space<vmem>>) offsets(%dma_start3A_80 : memref<800xi32, #tpu.memory_space<vmem>>) semaphore(%arg10 : memref<!tpu.dma_semaphore, #tpu.memory_space<semaphore_mem>>)
    %parallel_loop3A_84 = arith.constant 0 : i32
    %parallel_loop3A_85 = arith.constant 200 : i32
    %parallel_loop3A_86 = arith.constant 1 : i32
    scf.for %parallel_loop3A_184 = %parallel_loop3A_84 to %parallel_loop3A_85 step %parallel_loop3A_86  : i32 {
      %parallel_loop3A_185 = arith.index_cast %parallel_loop3A_184 : i32 to index
      %parallel_loop3A_186 = arith.constant 0 : index
      %parallel_loop3A_187 = tpu.vector_load %arg9[%parallel_loop3A_185, %parallel_loop3A_186] {strides = array<i32>} : memref<200x64xf32, #tpu.memory_space<vmem>>, vector<1x16xf32>,
      %parallel_loop3A_188 = vector.shape_cast %parallel_loop3A_187 : vector<1x16xf32> to vector<16xf32>
      %parallel_loop3A_189 = arith.index_cast %parallel_loop3A_184 : i32 to index
      %parallel_loop3A_190 = arith.constant 16 : index
      %parallel_loop3A_191 = tpu.vector_load %arg9[%parallel_loop3A_189, %parallel_loop3A_190] {strides = array<i32>} : memref<200x64xf32, #tpu.memory_space<vmem>>, vector<1x16xf32>,
      %parallel_loop3A_192 = vector.shape_cast %parallel_loop3A_191 : vector<1x16xf32> to vector<16xf32>
      %parallel_loop3A_193 = arith.index_cast %parallel_loop3A_184 : i32 to index
      %parallel_loop3A_194 = arith.constant 32 : index
      %parallel_loop3A_195 = tpu.vector_load %arg9[%parallel_loop3A_193, %parallel_loop3A_194] {strides = array<i32>} : memref<200x64xf32, #tpu.memory_space<vmem>>, vector<1x16xf32>,
      %parallel_loop3A_196 = vector.shape_cast %parallel_loop3A_195 : vector<1x16xf32> to vector<16xf32>
      %parallel_loop3A_197 = arith.index_cast %parallel_loop3A_184 : i32 to index
      %parallel_loop3A_198 = arith.constant 48 : index
      %parallel_loop3A_199 = tpu.vector_load %arg9[%parallel_loop3A_197, %parallel_loop3A_198] {strides = array<i32>} : memref<200x64xf32, #tpu.memory_space<vmem>>, vector<1x16xf32>,
      %parallel_loop3A_200 = vector.shape_cast %parallel_loop3A_199 : vector<1x16xf32> to vector<16xf32>
      %parallel_loop3A_201 = arith.constant 0 : i32
      %parallel_loop3A_202 = arith.addi %parallel_loop3A_201, %parallel_loop3A_184 : i32
      %parallel_loop3A_203 = arith.index_cast %parallel_loop3A_202 : i32 to index
      %parallel_loop3A_204 = arith.constant 0 : index
      %parallel_loop3A_205 = tpu.vector_load %arg8[%parallel_loop3A_203, %parallel_loop3A_204] {strides = array<i32>} : memref<800x64xf32, #tpu.memory_space<vmem>>, vector<1x16xf32>,
      %parallel_loop3A_206 = vector.shape_cast %parallel_loop3A_205 : vector<1x16xf32> to vector<16xf32>
      %parallel_loop3A_207 = arith.addf %parallel_loop3A_206, %parallel_loop3A_188 : vector<16xf32>
      %parallel_loop3A_208 = arith.index_cast %parallel_loop3A_202 : i32 to index
      %parallel_loop3A_209 = arith.constant 0 : index
      %parallel_loop3A_210 = tpu.vector_load %arg8[%parallel_loop3A_208, %parallel_loop3A_209] {strides = array<i32>} : memref<800x64xf32, #tpu.memory_space<vmem>>, vector<1x16xf32>,
      %parallel_loop3A_211 = vector.shape_cast %parallel_loop3A_210 : vector<1x16xf32> to vector<16xf32>
      %parallel_loop3A_212 = vector.shape_cast %parallel_loop3A_207 : vector<16xf32> to vector<1x16xf32>
      tpu.vector_store %arg8[%parallel_loop3A_208, %parallel_loop3A_209], %parallel_loop3A_212 {strides = array<i32>} : memref<800x64xf32, #tpu.memory_space<vmem>>, vector<1x16xf32>,
      %parallel_loop3A_213 = arith.index_cast %parallel_loop3A_202 : i32 to index
      %parallel_loop3A_214 = arith.constant 16 : index
      %parallel_loop3A_215 = tpu.vector_load %arg8[%parallel_loop3A_213, %parallel_loop3A_214] {strides = array<i32>} : memref<800x64xf32, #tpu.memory_space<vmem>>, vector<1x16xf32>,
      %parallel_loop3A_216 = vector.shape_cast %parallel_loop3A_215 : vector<1x16xf32> to vector<16xf32>
      %parallel_loop3A_217 = arith.addf %parallel_loop3A_216, %parallel_loop3A_192 : vector<16xf32>
      %parallel_loop3A_218 = arith.index_cast %parallel_loop3A_202 : i32 to index
      %parallel_loop3A_219 = arith.constant 16 : index
      %parallel_loop3A_220 = tpu.vector_load %arg8[%parallel_loop3A_218, %parallel_loop3A_219] {strides = array<i32>} : memref<800x64xf32, #tpu.memory_space<vmem>>, vector<1x16xf32>,
      %parallel_loop3A_221 = vector.shape_cast %parallel_loop3A_220 : vector<1x16xf32> to vector<16xf32>
      %parallel_loop3A_222 = vector.shape_cast %parallel_loop3A_217 : vector<16xf32> to vector<1x16xf32>
      tpu.vector_store %arg8[%parallel_loop3A_218, %parallel_loop3A_219], %parallel_loop3A_222 {strides = array<i32>} : memref<800x64xf32, #tpu.memory_space<vmem>>, vector<1x16xf32>,
      %parallel_loop3A_223 = arith.index_cast %parallel_loop3A_202 : i32 to index
      %parallel_loop3A_224 = arith.constant 32 : index
      %parallel_loop3A_225 = tpu.vector_load %arg8[%parallel_loop3A_223, %parallel_loop3A_224] {strides = array<i32>} : memref<800x64xf32, #tpu.memory_space<vmem>>, vector<1x16xf32>,
      %parallel_loop3A_226 = vector.shape_cast %parallel_loop3A_225 : vector<1x16xf32> to vector<16xf32>
      %parallel_loop3A_227 = arith.addf %parallel_loop3A_226, %parallel_loop3A_196 : vector<16xf32>
      %parallel_loop3A_228 = arith.index_cast %parallel_loop3A_202 : i32 to index
      %parallel_loop3A_229 = arith.constant 32 : index
      %parallel_loop3A_230 = tpu.vector_load %arg8[%parallel_loop3A_228, %parallel_loop3A_229] {strides = array<i32>} : memref<800x64xf32, #tpu.memory_space<vmem>>, vector<1x16xf32>,
      %parallel_loop3A_231 = vector.shape_cast %parallel_loop3A_230 : vector<1x16xf32> to vector<16xf32>
      %parallel_loop3A_232 = vector.shape_cast %parallel_loop3A_227 : vector<16xf32> to vector<1x16xf32>
      tpu.vector_store %arg8[%parallel_loop3A_228, %parallel_loop3A_229], %parallel_loop3A_232 {strides = array<i32>} : memref<800x64xf32, #tpu.memory_space<vmem>>, vector<1x16xf32>,
      %parallel_loop3A_233 = arith.index_cast %parallel_loop3A_202 : i32 to index
      %parallel_loop3A_234 = arith.constant 48 : index
      %parallel_loop3A_235 = tpu.vector_load %arg8[%parallel_loop3A_233, %parallel_loop3A_234] {strides = array<i32>} : memref<800x64xf32, #tpu.memory_space<vmem>>, vector<1x16xf32>,
      %parallel_loop3A_236 = vector.shape_cast %parallel_loop3A_235 : vector<1x16xf32> to vector<16xf32>
      %parallel_loop3A_237 = arith.addf %parallel_loop3A_236, %parallel_loop3A_200 : vector<16xf32>
      %parallel_loop3A_238 = arith.index_cast %parallel_loop3A_202 : i32 to index
      %parallel_loop3A_239 = arith.constant 48 : index
      %parallel_loop3A_240 = tpu.vector_load %arg8[%parallel_loop3A_238, %parallel_loop3A_239] {strides = array<i32>} : memref<800x64xf32, #tpu.memory_space<vmem>>, vector<1x16xf32>,
      %parallel_loop3A_241 = vector.shape_cast %parallel_loop3A_240 : vector<1x16xf32> to vector<16xf32>
      %parallel_loop3A_242 = vector.shape_cast %parallel_loop3A_237 : vector<16xf32> to vector<1x16xf32>
      tpu.vector_store %arg8[%parallel_loop3A_238, %parallel_loop3A_239], %parallel_loop3A_242 {strides = array<i32>} : memref<800x64xf32, #tpu.memory_space<vmem>>, vector<1x16xf32>,
      %parallel_loop3A_243 = arith.constant 200 : i32
      %parallel_loop3A_244 = arith.addi %parallel_loop3A_243, %parallel_loop3A_184 : i32
      %parallel_loop3A_245 = arith.index_cast %parallel_loop3A_244 : i32 to index
      %parallel_loop3A_246 = arith.constant 0 : index
      %parallel_loop3A_247 = tpu.vector_load %arg8[%parallel_loop3A_245, %parallel_loop3A_246] {strides = array<i32>} : memref<800x64xf32, #tpu.memory_space<vmem>>, vector<1x16xf32>,
      %parallel_loop3A_248 = vector.shape_cast %parallel_loop3A_247 : vector<1x16xf32> to vector<16xf32>
      %parallel_loop3A_249 = arith.addf %parallel_loop3A_248, %parallel_loop3A_188 : vector<16xf32>
      %parallel_loop3A_250 = arith.index_cast %parallel_loop3A_244 : i32 to index
      %parallel_loop3A_251 = arith.constant 0 : index
      %parallel_loop3A_252 = tpu.vector_load %arg8[%parallel_loop3A_250, %parallel_loop3A_251] {strides = array<i32>} : memref<800x64xf32, #tpu.memory_space<vmem>>, vector<1x16xf32>,
      %parallel_loop3A_253 = vector.shape_cast %parallel_loop3A_252 : vector<1x16xf32> to vector<16xf32>
      %parallel_loop3A_254 = vector.shape_cast %parallel_loop3A_249 : vector<16xf32> to vector<1x16xf32>
      tpu.vector_store %arg8[%parallel_loop3A_250, %parallel_loop3A_251], %parallel_loop3A_254 {strides = array<i32>} : memref<800x64xf32, #tpu.memory_space<vmem>>, vector<1x16xf32>,
      %parallel_loop3A_255 = arith.index_cast %parallel_loop3A_244 : i32 to index
      %parallel_loop3A_256 = arith.constant 16 : index
      %parallel_loop3A_257 = tpu.vector_load %arg8[%parallel_loop3A_255, %parallel_loop3A_256] {strides = array<i32>} : memref<800x64xf32, #tpu.memory_space<vmem>>, vector<1x16xf32>,
      %parallel_loop3A_258 = vector.shape_cast %parallel_loop3A_257 : vector<1x16xf32> to vector<16xf32>
      %parallel_loop3A_259 = arith.addf %parallel_loop3A_258, %parallel_loop3A_192 : vector<16xf32>
      %parallel_loop3A_260 = arith.index_cast %parallel_loop3A_244 : i32 to index
      %parallel_loop3A_261 = arith.constant 16 : index
      %parallel_loop3A_262 = tpu.vector_load %arg8[%parallel_loop3A_260, %parallel_loop3A_261] {strides = array<i32>} : memref<800x64xf32, #tpu.memory_space<vmem>>, vector<1x16xf32>,
      %parallel_loop3A_263 = vector.shape_cast %parallel_loop3A_262 : vector<1x16xf32> to vector<16xf32>
      %parallel_loop3A_264 = vector.shape_cast %parallel_loop3A_259 : vector<16xf32> to vector<1x16xf32>
      tpu.vector_store %arg8[%parallel_loop3A_260, %parallel_loop3A_261], %parallel_loop3A_264 {strides = array<i32>} : memref<800x64xf32, #tpu.memory_space<vmem>>, vector<1x16xf32>,
      %parallel_loop3A_265 = arith.index_cast %parallel_loop3A_244 : i32 to index
      %parallel_loop3A_266 = arith.constant 32 : index
      %parallel_loop3A_267 = tpu.vector_load %arg8[%parallel_loop3A_265, %parallel_loop3A_266] {strides = array<i32>} : memref<800x64xf32, #tpu.memory_space<vmem>>, vector<1x16xf32>,
      %parallel_loop3A_268 = vector.shape_cast %parallel_loop3A_267 : vector<1x16xf32> to vector<16xf32>
      %parallel_loop3A_269 = arith.addf %parallel_loop3A_268, %parallel_loop3A_196 : vector<16xf32>
      %parallel_loop3A_270 = arith.index_cast %parallel_loop3A_244 : i32 to index
      %parallel_loop3A_271 = arith.constant 32 : index
      %parallel_loop3A_272 = tpu.vector_load %arg8[%parallel_loop3A_270, %parallel_loop3A_271] {strides = array<i32>} : memref<800x64xf32, #tpu.memory_space<vmem>>, vector<1x16xf32>,
      %parallel_loop3A_273 = vector.shape_cast %parallel_loop3A_272 : vector<1x16xf32> to vector<16xf32>
      %parallel_loop3A_274 = vector.shape_cast %parallel_loop3A_269 : vector<16xf32> to vector<1x16xf32>
      tpu.vector_store %arg8[%parallel_loop3A_270, %parallel_loop3A_271], %parallel_loop3A_274 {strides = array<i32>} : memref<800x64xf32, #tpu.memory_space<vmem>>, vector<1x16xf32>,
      %parallel_loop3A_275 = arith.index_cast %parallel_loop3A_244 : i32 to index
      %parallel_loop3A_276 = arith.constant 48 : index
      %parallel_loop3A_277 = tpu.vector_load %arg8[%parallel_loop3A_275, %parallel_loop3A_276] {strides = array<i32>} : memref<800x64xf32, #tpu.memory_space<vmem>>, vector<1x16xf32>,
      %parallel_loop3A_278 = vector.shape_cast %parallel_loop3A_277 : vector<1x16xf32> to vector<16xf32>
      %parallel_loop3A_279 = arith.addf %parallel_loop3A_278, %parallel_loop3A_200 : vector<16xf32>
      %parallel_loop3A_280 = arith.index_cast %parallel_loop3A_244 : i32 to index
      %parallel_loop3A_281 = arith.constant 48 : index
      %parallel_loop3A_282 = tpu.vector_load %arg8[%parallel_loop3A_280, %parallel_loop3A_281] {strides = array<i32>} : memref<800x64xf32, #tpu.memory_space<vmem>>, vector<1x16xf32>,
      %parallel_loop3A_283 = vector.shape_cast %parallel_loop3A_282 : vector<1x16xf32> to vector<16xf32>
      %parallel_loop3A_284 = vector.shape_cast %parallel_loop3A_279 : vector<16xf32> to vector<1x16xf32>
      tpu.vector_store %arg8[%parallel_loop3A_280, %parallel_loop3A_281], %parallel_loop3A_284 {strides = array<i32>} : memref<800x64xf32, #tpu.memory_space<vmem>>, vector<1x16xf32>,
      %parallel_loop3A_285 = arith.constant 400 : i32
      %parallel_loop3A_286 = arith.addi %parallel_loop3A_285, %parallel_loop3A_184 : i32
      %parallel_loop3A_287 = arith.index_cast %parallel_loop3A_286 : i32 to index
      %parallel_loop3A_288 = arith.constant 0 : index
      %parallel_loop3A_289 = tpu.vector_load %arg8[%parallel_loop3A_287, %parallel_loop3A_288] {strides = array<i32>} : memref<800x64xf32, #tpu.memory_space<vmem>>, vector<1x16xf32>,
      %parallel_loop3A_290 = vector.shape_cast %parallel_loop3A_289 : vector<1x16xf32> to vector<16xf32>
      %parallel_loop3A_291 = arith.addf %parallel_loop3A_290, %parallel_loop3A_188 : vector<16xf32>
      %parallel_loop3A_292 = arith.index_cast %parallel_loop3A_286 : i32 to index
      %parallel_loop3A_293 = arith.constant 0 : index
      %parallel_loop3A_294 = tpu.vector_load %arg8[%parallel_loop3A_292, %parallel_loop3A_293] {strides = array<i32>} : memref<800x64xf32, #tpu.memory_space<vmem>>, vector<1x16xf32>,
      %parallel_loop3A_295 = vector.shape_cast %parallel_loop3A_294 : vector<1x16xf32> to vector<16xf32>
      %parallel_loop3A_296 = vector.shape_cast %parallel_loop3A_291 : vector<16xf32> to vector<1x16xf32>
      tpu.vector_store %arg8[%parallel_loop3A_292, %parallel_loop3A_293], %parallel_loop3A_296 {strides = array<i32>} : memref<800x64xf32, #tpu.memory_space<vmem>>, vector<1x16xf32>,
      %parallel_loop3A_297 = arith.index_cast %parallel_loop3A_286 : i32 to index
      %parallel_loop3A_298 = arith.constant 16 : index
      %parallel_loop3A_299 = tpu.vector_load %arg8[%parallel_loop3A_297, %parallel_loop3A_298] {strides = array<i32>} : memref<800x64xf32, #tpu.memory_space<vmem>>, vector<1x16xf32>,
      %parallel_loop3A_300 = vector.shape_cast %parallel_loop3A_299 : vector<1x16xf32> to vector<16xf32>
      %parallel_loop3A_301 = arith.addf %parallel_loop3A_300, %parallel_loop3A_192 : vector<16xf32>
      %parallel_loop3A_302 = arith.index_cast %parallel_loop3A_286 : i32 to index
      %parallel_loop3A_303 = arith.constant 16 : index
      %parallel_loop3A_304 = tpu.vector_load %arg8[%parallel_loop3A_302, %parallel_loop3A_303] {strides = array<i32>} : memref<800x64xf32, #tpu.memory_space<vmem>>, vector<1x16xf32>,
      %parallel_loop3A_305 = vector.shape_cast %parallel_loop3A_304 : vector<1x16xf32> to vector<16xf32>
      %parallel_loop3A_306 = vector.shape_cast %parallel_loop3A_301 : vector<16xf32> to vector<1x16xf32>
      tpu.vector_store %arg8[%parallel_loop3A_302, %parallel_loop3A_303], %parallel_loop3A_306 {strides = array<i32>} : memref<800x64xf32, #tpu.memory_space<vmem>>, vector<1x16xf32>,
      %parallel_loop3A_307 = arith.index_cast %parallel_loop3A_286 : i32 to index
      %parallel_loop3A_308 = arith.constant 32 : index
      %parallel_loop3A_309 = tpu.vector_load %arg8[%parallel_loop3A_307, %parallel_loop3A_308] {strides = array<i32>} : memref<800x64xf32, #tpu.memory_space<vmem>>, vector<1x16xf32>,
      %parallel_loop3A_310 = vector.shape_cast %parallel_loop3A_309 : vector<1x16xf32> to vector<16xf32>
      %parallel_loop3A_311 = arith.addf %parallel_loop3A_310, %parallel_loop3A_196 : vector<16xf32>
      %parallel_loop3A_312 = arith.index_cast %parallel_loop3A_286 : i32 to index
      %parallel_loop3A_313 = arith.constant 32 : index
      %parallel_loop3A_314 = tpu.vector_load %arg8[%parallel_loop3A_312, %parallel_loop3A_313] {strides = array<i32>} : memref<800x64xf32, #tpu.memory_space<vmem>>, vector<1x16xf32>,
      %parallel_loop3A_315 = vector.shape_cast %parallel_loop3A_314 : vector<1x16xf32> to vector<16xf32>
      %parallel_loop3A_316 = vector.shape_cast %parallel_loop3A_311 : vector<16xf32> to vector<1x16xf32>
      tpu.vector_store %arg8[%parallel_loop3A_312, %parallel_loop3A_313], %parallel_loop3A_316 {strides = array<i32>} : memref<800x64xf32, #tpu.memory_space<vmem>>, vector<1x16xf32>,
      %parallel_loop3A_317 = arith.index_cast %parallel_loop3A_286 : i32 to index
      %parallel_loop3A_318 = arith.constant 48 : index
      %parallel_loop3A_319 = tpu.vector_load %arg8[%parallel_loop3A_317, %parallel_loop3A_318] {strides = array<i32>} : memref<800x64xf32, #tpu.memory_space<vmem>>, vector<1x16xf32>,
      %parallel_loop3A_320 = vector.shape_cast %parallel_loop3A_319 : vector<1x16xf32> to vector<16xf32>
      %parallel_loop3A_321 = arith.addf %parallel_loop3A_320, %parallel_loop3A_200 : vector<16xf32>
      %parallel_loop3A_322 = arith.index_cast %parallel_loop3A_286 : i32 to index
      %parallel_loop3A_323 = arith.constant 48 : index
      %parallel_loop3A_324 = tpu.vector_load %arg8[%parallel_loop3A_322, %parallel_loop3A_323] {strides = array<i32>} : memref<800x64xf32, #tpu.memory_space<vmem>>, vector<1x16xf32>,
      %parallel_loop3A_325 = vector.shape_cast %parallel_loop3A_324 : vector<1x16xf32> to vector<16xf32>
      %parallel_loop3A_326 = vector.shape_cast %parallel_loop3A_321 : vector<16xf32> to vector<1x16xf32>
      tpu.vector_store %arg8[%parallel_loop3A_322, %parallel_loop3A_323], %parallel_loop3A_326 {strides = array<i32>} : memref<800x64xf32, #tpu.memory_space<vmem>>, vector<1x16xf32>,
      %parallel_loop3A_327 = arith.constant 600 : i32
      %parallel_loop3A_328 = arith.addi %parallel_loop3A_327, %parallel_loop3A_184 : i32
      %parallel_loop3A_329 = arith.index_cast %parallel_loop3A_328 : i32 to index
      %parallel_loop3A_330 = arith.constant 0 : index
      %parallel_loop3A_331 = tpu.vector_load %arg8[%parallel_loop3A_329, %parallel_loop3A_330] {strides = array<i32>} : memref<800x64xf32, #tpu.memory_space<vmem>>, vector<1x16xf32>,
      %parallel_loop3A_332 = vector.shape_cast %parallel_loop3A_331 : vector<1x16xf32> to vector<16xf32>
      %parallel_loop3A_333 = arith.addf %parallel_loop3A_332, %parallel_loop3A_188 : vector<16xf32>
      %parallel_loop3A_334 = arith.index_cast %parallel_loop3A_328 : i32 to index
      %parallel_loop3A_335 = arith.constant 0 : index
      %parallel_loop3A_336 = tpu.vector_load %arg8[%parallel_loop3A_334, %parallel_loop3A_335] {strides = array<i32>} : memref<800x64xf32, #tpu.memory_space<vmem>>, vector<1x16xf32>,
      %parallel_loop3A_337 = vector.shape_cast %parallel_loop3A_336 : vector<1x16xf32> to vector<16xf32>
      %parallel_loop3A_338 = vector.shape_cast %parallel_loop3A_333 : vector<16xf32> to vector<1x16xf32>
      tpu.vector_store %arg8[%parallel_loop3A_334, %parallel_loop3A_335], %parallel_loop3A_338 {strides = array<i32>} : memref<800x64xf32, #tpu.memory_space<vmem>>, vector<1x16xf32>,
      %parallel_loop3A_339 = arith.index_cast %parallel_loop3A_328 : i32 to index
      %parallel_loop3A_340 = arith.constant 16 : index
      %parallel_loop3A_341 = tpu.vector_load %arg8[%parallel_loop3A_339, %parallel_loop3A_340] {strides = array<i32>} : memref<800x64xf32, #tpu.memory_space<vmem>>, vector<1x16xf32>,
      %parallel_loop3A_342 = vector.shape_cast %parallel_loop3A_341 : vector<1x16xf32> to vector<16xf32>
      %parallel_loop3A_343 = arith.addf %parallel_loop3A_342, %parallel_loop3A_192 : vector<16xf32>
      %parallel_loop3A_344 = arith.index_cast %parallel_loop3A_328 : i32 to index
      %parallel_loop3A_345 = arith.constant 16 : index
      %parallel_loop3A_346 = tpu.vector_load %arg8[%parallel_loop3A_344, %parallel_loop3A_345] {strides = array<i32>} : memref<800x64xf32, #tpu.memory_space<vmem>>, vector<1x16xf32>,
      %parallel_loop3A_347 = vector.shape_cast %parallel_loop3A_346 : vector<1x16xf32> to vector<16xf32>
      %parallel_loop3A_348 = vector.shape_cast %parallel_loop3A_343 : vector<16xf32> to vector<1x16xf32>
      tpu.vector_store %arg8[%parallel_loop3A_344, %parallel_loop3A_345], %parallel_loop3A_348 {strides = array<i32>} : memref<800x64xf32, #tpu.memory_space<vmem>>, vector<1x16xf32>,
      %parallel_loop3A_349 = arith.index_cast %parallel_loop3A_328 : i32 to index
      %parallel_loop3A_350 = arith.constant 32 : index
      %parallel_loop3A_351 = tpu.vector_load %arg8[%parallel_loop3A_349, %parallel_loop3A_350] {strides = array<i32>} : memref<800x64xf32, #tpu.memory_space<vmem>>, vector<1x16xf32>,
      %parallel_loop3A_352 = vector.shape_cast %parallel_loop3A_351 : vector<1x16xf32> to vector<16xf32>
      %parallel_loop3A_353 = arith.addf %parallel_loop3A_352, %parallel_loop3A_196 : vector<16xf32>
      %parallel_loop3A_354 = arith.index_cast %parallel_loop3A_328 : i32 to index
      %parallel_loop3A_355 = arith.constant 32 : index
      %parallel_loop3A_356 = tpu.vector_load %arg8[%parallel_loop3A_354, %parallel_loop3A_355] {strides = array<i32>} : memref<800x64xf32, #tpu.memory_space<vmem>>, vector<1x16xf32>,
      %parallel_loop3A_357 = vector.shape_cast %parallel_loop3A_356 : vector<1x16xf32> to vector<16xf32>
      %parallel_loop3A_358 = vector.shape_cast %parallel_loop3A_353 : vector<16xf32> to vector<1x16xf32>
      tpu.vector_store %arg8[%parallel_loop3A_354, %parallel_loop3A_355], %parallel_loop3A_358 {strides = array<i32>} : memref<800x64xf32, #tpu.memory_space<vmem>>, vector<1x16xf32>,
      %parallel_loop3A_359 = arith.index_cast %parallel_loop3A_328 : i32 to index
      %parallel_loop3A_360 = arith.constant 48 : index
      %parallel_loop3A_361 = tpu.vector_load %arg8[%parallel_loop3A_359, %parallel_loop3A_360] {strides = array<i32>} : memref<800x64xf32, #tpu.memory_space<vmem>>, vector<1x16xf32>,
      %parallel_loop3A_362 = vector.shape_cast %parallel_loop3A_361 : vector<1x16xf32> to vector<16xf32>
      %parallel_loop3A_363 = arith.addf %parallel_loop3A_362, %parallel_loop3A_200 : vector<16xf32>
      %parallel_loop3A_364 = arith.index_cast %parallel_loop3A_328 : i32 to index
      %parallel_loop3A_365 = arith.constant 48 : index
      %parallel_loop3A_366 = tpu.vector_load %arg8[%parallel_loop3A_364, %parallel_loop3A_365] {strides = array<i32>} : memref<800x64xf32, #tpu.memory_space<vmem>>, vector<1x16xf32>,
      %parallel_loop3A_367 = vector.shape_cast %parallel_loop3A_366 : vector<1x16xf32> to vector<16xf32>
      %parallel_loop3A_368 = vector.shape_cast %parallel_loop3A_363 : vector<16xf32> to vector<1x16xf32>
      tpu.vector_store %arg8[%parallel_loop3A_364, %parallel_loop3A_365], %parallel_loop3A_368 {strides = array<i32>} : memref<800x64xf32, #tpu.memory_space<vmem>>, vector<1x16xf32>,
    } {sc.loop_unroll_factor = 1 : i64, sc.parallel_access}
    %add3A_87 = arith.constant 2400 : i32
    %add3A_88 = arith.addi %mul3A_2, %add3A_87 : i32
    %dma_start3A_89 = arith.constant 0 : i32
    %dma_start3A_90 = tpu.memref_slice %arg5[%add3A_88, %dma_start3A_89] : memref<204800x64xf32, #tpu.memory_space<hbm>> -> memref<800x64xf32, #tpu.memory_space<hbm>>
    %dma_start3A_91 = arith.constant 0 : i32
    %dma_start3A_92 = tpu.memref_slice %arg5[%add3A_88, %dma_start3A_91] : memref<204800x64xf32, #tpu.memory_space<hbm>> -> memref<800x64xf32, #tpu.memory_space<hbm>>
    tpu.enqueue_dma source(%arg8 : memref<800x64xf32, #tpu.memory_space<vmem>>) target(%dma_start3A_92 : memref<800x64xf32, #tpu.memory_space<hbm>>) target_semaphore(%arg11 : memref<!tpu.dma_semaphore, #tpu.memory_space<semaphore_mem>>)
    %dma_wait3A_93 = arith.constant 3200 : i32
    %dma_wait3A_94 = tpu.memref_slice %arg6[%dma_wait3A_93] : memref<6400xi32, #tpu.memory_space<vmem>> -> memref<800xi32, #tpu.memory_space<vmem>>
    %dma_wait3A_95 = arith.constant 0 : i32
    %dma_wait3A_96 = arith.constant 0 : i32
    %dma_wait3A_97 = tpu.memref_slice %arg3[%dma_wait3A_95, %dma_wait3A_96] : memref<1000000x64xf32, #tpu.memory_space<hbm>> -> memref<1000000x64xf32, #tpu.memory_space<hbm>>
    tpu.wait_indirect_dma semaphore(%arg10 : memref<!tpu.dma_semaphore, #tpu.memory_space<semaphore_mem>>) src(%dma_wait3A_97 : memref<1000000x64xf32, #tpu.memory_space<hbm>>) dst(%arg7 : memref<800x64xf32, #tpu.memory_space<vmem>>)
    %dma_wait3A_98 = arith.constant 0 : i32
    %dma_wait3A_99 = tpu.memref_slice %arg5[%add3A_88, %dma_wait3A_98] : memref<204800x64xf32, #tpu.memory_space<hbm>> -> memref<800x64xf32, #tpu.memory_space<hbm>>
    %dma_wait3A_100 = arith.constant 0 : i32
    %dma_wait3A_101 = tpu.memref_slice %arg5[%add3A_88, %dma_wait3A_100] : memref<204800x64xf32, #tpu.memory_space<hbm>> -> memref<800x64xf32, #tpu.memory_space<hbm>>
    tpu.wait_dma2 semaphore(%arg11 : memref<!tpu.dma_semaphore, #tpu.memory_space<semaphore_mem>>) src(%arg8 : memref<800x64xf32, #tpu.memory_space<vmem>>) dst(%dma_wait3A_101 : memref<800x64xf32, #tpu.memory_space<hbm>>)
    %dma_start3A_102 = arith.constant 4000 : i32
    %dma_start3A_103 = tpu.memref_slice %arg6[%dma_start3A_102] : memref<6400xi32, #tpu.memory_space<vmem>> -> memref<800xi32, #tpu.memory_space<vmem>>
    %dma_start3A_104 = arith.constant 0 : i32
    %dma_start3A_105 = arith.constant 0 : i32
    %dma_start3A_106 = tpu.memref_slice %arg3[%dma_start3A_104, %dma_start3A_105] : memref<1000000x64xf32, #tpu.memory_space<hbm>> -> memref<1000000x64xf32, #tpu.memory_space<hbm>>
    tpu.enqueue_indirect_dma source(%dma_start3A_106 : memref<1000000x64xf32, #tpu.memory_space<hbm>>) target(%arg8 : memref<800x64xf32, #tpu.memory_space<vmem>>) offsets(%dma_start3A_103 : memref<800xi32, #tpu.memory_space<vmem>>) semaphore(%arg10 : memref<!tpu.dma_semaphore, #tpu.memory_space<semaphore_mem>>)
    %parallel_loop3A_107 = arith.constant 0 : i32
    %parallel_loop3A_108 = arith.constant 200 : i32
    %parallel_loop3A_109 = arith.constant 1 : i32
    scf.for %parallel_loop3A_184 = %parallel_loop3A_107 to %parallel_loop3A_108 step %parallel_loop3A_109  : i32 {
      %parallel_loop3A_185 = arith.index_cast %parallel_loop3A_184 : i32 to index
      %parallel_loop3A_186 = arith.constant 0 : index
      %parallel_loop3A_187 = tpu.vector_load %arg9[%parallel_loop3A_185, %parallel_loop3A_186] {strides = array<i32>} : memref<200x64xf32, #tpu.memory_space<vmem>>, vector<1x16xf32>,
      %parallel_loop3A_188 = vector.shape_cast %parallel_loop3A_187 : vector<1x16xf32> to vector<16xf32>
      %parallel_loop3A_189 = arith.index_cast %parallel_loop3A_184 : i32 to index
      %parallel_loop3A_190 = arith.constant 16 : index
      %parallel_loop3A_191 = tpu.vector_load %arg9[%parallel_loop3A_189, %parallel_loop3A_190] {strides = array<i32>} : memref<200x64xf32, #tpu.memory_space<vmem>>, vector<1x16xf32>,
      %parallel_loop3A_192 = vector.shape_cast %parallel_loop3A_191 : vector<1x16xf32> to vector<16xf32>
      %parallel_loop3A_193 = arith.index_cast %parallel_loop3A_184 : i32 to index
      %parallel_loop3A_194 = arith.constant 32 : index
      %parallel_loop3A_195 = tpu.vector_load %arg9[%parallel_loop3A_193, %parallel_loop3A_194] {strides = array<i32>} : memref<200x64xf32, #tpu.memory_space<vmem>>, vector<1x16xf32>,
      %parallel_loop3A_196 = vector.shape_cast %parallel_loop3A_195 : vector<1x16xf32> to vector<16xf32>
      %parallel_loop3A_197 = arith.index_cast %parallel_loop3A_184 : i32 to index
      %parallel_loop3A_198 = arith.constant 48 : index
      %parallel_loop3A_199 = tpu.vector_load %arg9[%parallel_loop3A_197, %parallel_loop3A_198] {strides = array<i32>} : memref<200x64xf32, #tpu.memory_space<vmem>>, vector<1x16xf32>,
      %parallel_loop3A_200 = vector.shape_cast %parallel_loop3A_199 : vector<1x16xf32> to vector<16xf32>
      %parallel_loop3A_201 = arith.constant 0 : i32
      %parallel_loop3A_202 = arith.addi %parallel_loop3A_201, %parallel_loop3A_184 : i32
      %parallel_loop3A_203 = arith.index_cast %parallel_loop3A_202 : i32 to index
      %parallel_loop3A_204 = arith.constant 0 : index
      %parallel_loop3A_205 = tpu.vector_load %arg7[%parallel_loop3A_203, %parallel_loop3A_204] {strides = array<i32>} : memref<800x64xf32, #tpu.memory_space<vmem>>, vector<1x16xf32>,
      %parallel_loop3A_206 = vector.shape_cast %parallel_loop3A_205 : vector<1x16xf32> to vector<16xf32>
      %parallel_loop3A_207 = arith.addf %parallel_loop3A_206, %parallel_loop3A_188 : vector<16xf32>
      %parallel_loop3A_208 = arith.index_cast %parallel_loop3A_202 : i32 to index
      %parallel_loop3A_209 = arith.constant 0 : index
      %parallel_loop3A_210 = tpu.vector_load %arg7[%parallel_loop3A_208, %parallel_loop3A_209] {strides = array<i32>} : memref<800x64xf32, #tpu.memory_space<vmem>>, vector<1x16xf32>,
      %parallel_loop3A_211 = vector.shape_cast %parallel_loop3A_210 : vector<1x16xf32> to vector<16xf32>
      %parallel_loop3A_212 = vector.shape_cast %parallel_loop3A_207 : vector<16xf32> to vector<1x16xf32>
      tpu.vector_store %arg7[%parallel_loop3A_208, %parallel_loop3A_209], %parallel_loop3A_212 {strides = array<i32>} : memref<800x64xf32, #tpu.memory_space<vmem>>, vector<1x16xf32>,
      %parallel_loop3A_213 = arith.index_cast %parallel_loop3A_202 : i32 to index
      %parallel_loop3A_214 = arith.constant 16 : index
      %parallel_loop3A_215 = tpu.vector_load %arg7[%parallel_loop3A_213, %parallel_loop3A_214] {strides = array<i32>} : memref<800x64xf32, #tpu.memory_space<vmem>>, vector<1x16xf32>,
      %parallel_loop3A_216 = vector.shape_cast %parallel_loop3A_215 : vector<1x16xf32> to vector<16xf32>
      %parallel_loop3A_217 = arith.addf %parallel_loop3A_216, %parallel_loop3A_192 : vector<16xf32>
      %parallel_loop3A_218 = arith.index_cast %parallel_loop3A_202 : i32 to index
      %parallel_loop3A_219 = arith.constant 16 : index
      %parallel_loop3A_220 = tpu.vector_load %arg7[%parallel_loop3A_218, %parallel_loop3A_219] {strides = array<i32>} : memref<800x64xf32, #tpu.memory_space<vmem>>, vector<1x16xf32>,
      %parallel_loop3A_221 = vector.shape_cast %parallel_loop3A_220 : vector<1x16xf32> to vector<16xf32>
      %parallel_loop3A_222 = vector.shape_cast %parallel_loop3A_217 : vector<16xf32> to vector<1x16xf32>
      tpu.vector_store %arg7[%parallel_loop3A_218, %parallel_loop3A_219], %parallel_loop3A_222 {strides = array<i32>} : memref<800x64xf32, #tpu.memory_space<vmem>>, vector<1x16xf32>,
      %parallel_loop3A_223 = arith.index_cast %parallel_loop3A_202 : i32 to index
      %parallel_loop3A_224 = arith.constant 32 : index
      %parallel_loop3A_225 = tpu.vector_load %arg7[%parallel_loop3A_223, %parallel_loop3A_224] {strides = array<i32>} : memref<800x64xf32, #tpu.memory_space<vmem>>, vector<1x16xf32>,
      %parallel_loop3A_226 = vector.shape_cast %parallel_loop3A_225 : vector<1x16xf32> to vector<16xf32>
      %parallel_loop3A_227 = arith.addf %parallel_loop3A_226, %parallel_loop3A_196 : vector<16xf32>
      %parallel_loop3A_228 = arith.index_cast %parallel_loop3A_202 : i32 to index
      %parallel_loop3A_229 = arith.constant 32 : index
      %parallel_loop3A_230 = tpu.vector_load %arg7[%parallel_loop3A_228, %parallel_loop3A_229] {strides = array<i32>} : memref<800x64xf32, #tpu.memory_space<vmem>>, vector<1x16xf32>,
      %parallel_loop3A_231 = vector.shape_cast %parallel_loop3A_230 : vector<1x16xf32> to vector<16xf32>
      %parallel_loop3A_232 = vector.shape_cast %parallel_loop3A_227 : vector<16xf32> to vector<1x16xf32>
      tpu.vector_store %arg7[%parallel_loop3A_228, %parallel_loop3A_229], %parallel_loop3A_232 {strides = array<i32>} : memref<800x64xf32, #tpu.memory_space<vmem>>, vector<1x16xf32>,
      %parallel_loop3A_233 = arith.index_cast %parallel_loop3A_202 : i32 to index
      %parallel_loop3A_234 = arith.constant 48 : index
      %parallel_loop3A_235 = tpu.vector_load %arg7[%parallel_loop3A_233, %parallel_loop3A_234] {strides = array<i32>} : memref<800x64xf32, #tpu.memory_space<vmem>>, vector<1x16xf32>,
      %parallel_loop3A_236 = vector.shape_cast %parallel_loop3A_235 : vector<1x16xf32> to vector<16xf32>
      %parallel_loop3A_237 = arith.addf %parallel_loop3A_236, %parallel_loop3A_200 : vector<16xf32>
      %parallel_loop3A_238 = arith.index_cast %parallel_loop3A_202 : i32 to index
      %parallel_loop3A_239 = arith.constant 48 : index
      %parallel_loop3A_240 = tpu.vector_load %arg7[%parallel_loop3A_238, %parallel_loop3A_239] {strides = array<i32>} : memref<800x64xf32, #tpu.memory_space<vmem>>, vector<1x16xf32>,
      %parallel_loop3A_241 = vector.shape_cast %parallel_loop3A_240 : vector<1x16xf32> to vector<16xf32>
      %parallel_loop3A_242 = vector.shape_cast %parallel_loop3A_237 : vector<16xf32> to vector<1x16xf32>
      tpu.vector_store %arg7[%parallel_loop3A_238, %parallel_loop3A_239], %parallel_loop3A_242 {strides = array<i32>} : memref<800x64xf32, #tpu.memory_space<vmem>>, vector<1x16xf32>,
      %parallel_loop3A_243 = arith.constant 200 : i32
      %parallel_loop3A_244 = arith.addi %parallel_loop3A_243, %parallel_loop3A_184 : i32
      %parallel_loop3A_245 = arith.index_cast %parallel_loop3A_244 : i32 to index
      %parallel_loop3A_246 = arith.constant 0 : index
      %parallel_loop3A_247 = tpu.vector_load %arg7[%parallel_loop3A_245, %parallel_loop3A_246] {strides = array<i32>} : memref<800x64xf32, #tpu.memory_space<vmem>>, vector<1x16xf32>,
      %parallel_loop3A_248 = vector.shape_cast %parallel_loop3A_247 : vector<1x16xf32> to vector<16xf32>
      %parallel_loop3A_249 = arith.addf %parallel_loop3A_248, %parallel_loop3A_188 : vector<16xf32>
      %parallel_loop3A_250 = arith.index_cast %parallel_loop3A_244 : i32 to index
      %parallel_loop3A_251 = arith.constant 0 : index
      %parallel_loop3A_252 = tpu.vector_load %arg7[%parallel_loop3A_250, %parallel_loop3A_251] {strides = array<i32>} : memref<800x64xf32, #tpu.memory_space<vmem>>, vector<1x16xf32>,
      %parallel_loop3A_253 = vector.shape_cast %parallel_loop3A_252 : vector<1x16xf32> to vector<16xf32>
      %parallel_loop3A_254 = vector.shape_cast %parallel_loop3A_249 : vector<16xf32> to vector<1x16xf32>
      tpu.vector_store %arg7[%parallel_loop3A_250, %parallel_loop3A_251], %parallel_loop3A_254 {strides = array<i32>} : memref<800x64xf32, #tpu.memory_space<vmem>>, vector<1x16xf32>,
      %parallel_loop3A_255 = arith.index_cast %parallel_loop3A_244 : i32 to index
      %parallel_loop3A_256 = arith.constant 16 : index
      %parallel_loop3A_257 = tpu.vector_load %arg7[%parallel_loop3A_255, %parallel_loop3A_256] {strides = array<i32>} : memref<800x64xf32, #tpu.memory_space<vmem>>, vector<1x16xf32>,
      %parallel_loop3A_258 = vector.shape_cast %parallel_loop3A_257 : vector<1x16xf32> to vector<16xf32>
      %parallel_loop3A_259 = arith.addf %parallel_loop3A_258, %parallel_loop3A_192 : vector<16xf32>
      %parallel_loop3A_260 = arith.index_cast %parallel_loop3A_244 : i32 to index
      %parallel_loop3A_261 = arith.constant 16 : index
      %parallel_loop3A_262 = tpu.vector_load %arg7[%parallel_loop3A_260, %parallel_loop3A_261] {strides = array<i32>} : memref<800x64xf32, #tpu.memory_space<vmem>>, vector<1x16xf32>,
      %parallel_loop3A_263 = vector.shape_cast %parallel_loop3A_262 : vector<1x16xf32> to vector<16xf32>
      %parallel_loop3A_264 = vector.shape_cast %parallel_loop3A_259 : vector<16xf32> to vector<1x16xf32>
      tpu.vector_store %arg7[%parallel_loop3A_260, %parallel_loop3A_261], %parallel_loop3A_264 {strides = array<i32>} : memref<800x64xf32, #tpu.memory_space<vmem>>, vector<1x16xf32>,
      %parallel_loop3A_265 = arith.index_cast %parallel_loop3A_244 : i32 to index
      %parallel_loop3A_266 = arith.constant 32 : index
      %parallel_loop3A_267 = tpu.vector_load %arg7[%parallel_loop3A_265, %parallel_loop3A_266] {strides = array<i32>} : memref<800x64xf32, #tpu.memory_space<vmem>>, vector<1x16xf32>,
      %parallel_loop3A_268 = vector.shape_cast %parallel_loop3A_267 : vector<1x16xf32> to vector<16xf32>
      %parallel_loop3A_269 = arith.addf %parallel_loop3A_268, %parallel_loop3A_196 : vector<16xf32>
      %parallel_loop3A_270 = arith.index_cast %parallel_loop3A_244 : i32 to index
      %parallel_loop3A_271 = arith.constant 32 : index
      %parallel_loop3A_272 = tpu.vector_load %arg7[%parallel_loop3A_270, %parallel_loop3A_271] {strides = array<i32>} : memref<800x64xf32, #tpu.memory_space<vmem>>, vector<1x16xf32>,
      %parallel_loop3A_273 = vector.shape_cast %parallel_loop3A_272 : vector<1x16xf32> to vector<16xf32>
      %parallel_loop3A_274 = vector.shape_cast %parallel_loop3A_269 : vector<16xf32> to vector<1x16xf32>
      tpu.vector_store %arg7[%parallel_loop3A_270, %parallel_loop3A_271], %parallel_loop3A_274 {strides = array<i32>} : memref<800x64xf32, #tpu.memory_space<vmem>>, vector<1x16xf32>,
      %parallel_loop3A_275 = arith.index_cast %parallel_loop3A_244 : i32 to index
      %parallel_loop3A_276 = arith.constant 48 : index
      %parallel_loop3A_277 = tpu.vector_load %arg7[%parallel_loop3A_275, %parallel_loop3A_276] {strides = array<i32>} : memref<800x64xf32, #tpu.memory_space<vmem>>, vector<1x16xf32>,
      %parallel_loop3A_278 = vector.shape_cast %parallel_loop3A_277 : vector<1x16xf32> to vector<16xf32>
      %parallel_loop3A_279 = arith.addf %parallel_loop3A_278, %parallel_loop3A_200 : vector<16xf32>
      %parallel_loop3A_280 = arith.index_cast %parallel_loop3A_244 : i32 to index
      %parallel_loop3A_281 = arith.constant 48 : index
      %parallel_loop3A_282 = tpu.vector_load %arg7[%parallel_loop3A_280, %parallel_loop3A_281] {strides = array<i32>} : memref<800x64xf32, #tpu.memory_space<vmem>>, vector<1x16xf32>,
      %parallel_loop3A_283 = vector.shape_cast %parallel_loop3A_282 : vector<1x16xf32> to vector<16xf32>
      %parallel_loop3A_284 = vector.shape_cast %parallel_loop3A_279 : vector<16xf32> to vector<1x16xf32>
      tpu.vector_store %arg7[%parallel_loop3A_280, %parallel_loop3A_281], %parallel_loop3A_284 {strides = array<i32>} : memref<800x64xf32, #tpu.memory_space<vmem>>, vector<1x16xf32>,
      %parallel_loop3A_285 = arith.constant 400 : i32
      %parallel_loop3A_286 = arith.addi %parallel_loop3A_285, %parallel_loop3A_184 : i32
      %parallel_loop3A_287 = arith.index_cast %parallel_loop3A_286 : i32 to index
      %parallel_loop3A_288 = arith.constant 0 : index
      %parallel_loop3A_289 = tpu.vector_load %arg7[%parallel_loop3A_287, %parallel_loop3A_288] {strides = array<i32>} : memref<800x64xf32, #tpu.memory_space<vmem>>, vector<1x16xf32>,
      %parallel_loop3A_290 = vector.shape_cast %parallel_loop3A_289 : vector<1x16xf32> to vector<16xf32>
      %parallel_loop3A_291 = arith.addf %parallel_loop3A_290, %parallel_loop3A_188 : vector<16xf32>
      %parallel_loop3A_292 = arith.index_cast %parallel_loop3A_286 : i32 to index
      %parallel_loop3A_293 = arith.constant 0 : index
      %parallel_loop3A_294 = tpu.vector_load %arg7[%parallel_loop3A_292, %parallel_loop3A_293] {strides = array<i32>} : memref<800x64xf32, #tpu.memory_space<vmem>>, vector<1x16xf32>,
      %parallel_loop3A_295 = vector.shape_cast %parallel_loop3A_294 : vector<1x16xf32> to vector<16xf32>
      %parallel_loop3A_296 = vector.shape_cast %parallel_loop3A_291 : vector<16xf32> to vector<1x16xf32>
      tpu.vector_store %arg7[%parallel_loop3A_292, %parallel_loop3A_293], %parallel_loop3A_296 {strides = array<i32>} : memref<800x64xf32, #tpu.memory_space<vmem>>, vector<1x16xf32>,
      %parallel_loop3A_297 = arith.index_cast %parallel_loop3A_286 : i32 to index
      %parallel_loop3A_298 = arith.constant 16 : index
      %parallel_loop3A_299 = tpu.vector_load %arg7[%parallel_loop3A_297, %parallel_loop3A_298] {strides = array<i32>} : memref<800x64xf32, #tpu.memory_space<vmem>>, vector<1x16xf32>,
      %parallel_loop3A_300 = vector.shape_cast %parallel_loop3A_299 : vector<1x16xf32> to vector<16xf32>
      %parallel_loop3A_301 = arith.addf %parallel_loop3A_300, %parallel_loop3A_192 : vector<16xf32>
      %parallel_loop3A_302 = arith.index_cast %parallel_loop3A_286 : i32 to index
      %parallel_loop3A_303 = arith.constant 16 : index
      %parallel_loop3A_304 = tpu.vector_load %arg7[%parallel_loop3A_302, %parallel_loop3A_303] {strides = array<i32>} : memref<800x64xf32, #tpu.memory_space<vmem>>, vector<1x16xf32>,
      %parallel_loop3A_305 = vector.shape_cast %parallel_loop3A_304 : vector<1x16xf32> to vector<16xf32>
      %parallel_loop3A_306 = vector.shape_cast %parallel_loop3A_301 : vector<16xf32> to vector<1x16xf32>
      tpu.vector_store %arg7[%parallel_loop3A_302, %parallel_loop3A_303], %parallel_loop3A_306 {strides = array<i32>} : memref<800x64xf32, #tpu.memory_space<vmem>>, vector<1x16xf32>,
      %parallel_loop3A_307 = arith.index_cast %parallel_loop3A_286 : i32 to index
      %parallel_loop3A_308 = arith.constant 32 : index
      %parallel_loop3A_309 = tpu.vector_load %arg7[%parallel_loop3A_307, %parallel_loop3A_308] {strides = array<i32>} : memref<800x64xf32, #tpu.memory_space<vmem>>, vector<1x16xf32>,
      %parallel_loop3A_310 = vector.shape_cast %parallel_loop3A_309 : vector<1x16xf32> to vector<16xf32>
      %parallel_loop3A_311 = arith.addf %parallel_loop3A_310, %parallel_loop3A_196 : vector<16xf32>
      %parallel_loop3A_312 = arith.index_cast %parallel_loop3A_286 : i32 to index
      %parallel_loop3A_313 = arith.constant 32 : index
      %parallel_loop3A_314 = tpu.vector_load %arg7[%parallel_loop3A_312, %parallel_loop3A_313] {strides = array<i32>} : memref<800x64xf32, #tpu.memory_space<vmem>>, vector<1x16xf32>,
      %parallel_loop3A_315 = vector.shape_cast %parallel_loop3A_314 : vector<1x16xf32> to vector<16xf32>
      %parallel_loop3A_316 = vector.shape_cast %parallel_loop3A_311 : vector<16xf32> to vector<1x16xf32>
      tpu.vector_store %arg7[%parallel_loop3A_312, %parallel_loop3A_313], %parallel_loop3A_316 {strides = array<i32>} : memref<800x64xf32, #tpu.memory_space<vmem>>, vector<1x16xf32>,
      %parallel_loop3A_317 = arith.index_cast %parallel_loop3A_286 : i32 to index
      %parallel_loop3A_318 = arith.constant 48 : index
      %parallel_loop3A_319 = tpu.vector_load %arg7[%parallel_loop3A_317, %parallel_loop3A_318] {strides = array<i32>} : memref<800x64xf32, #tpu.memory_space<vmem>>, vector<1x16xf32>,
      %parallel_loop3A_320 = vector.shape_cast %parallel_loop3A_319 : vector<1x16xf32> to vector<16xf32>
      %parallel_loop3A_321 = arith.addf %parallel_loop3A_320, %parallel_loop3A_200 : vector<16xf32>
      %parallel_loop3A_322 = arith.index_cast %parallel_loop3A_286 : i32 to index
      %parallel_loop3A_323 = arith.constant 48 : index
      %parallel_loop3A_324 = tpu.vector_load %arg7[%parallel_loop3A_322, %parallel_loop3A_323] {strides = array<i32>} : memref<800x64xf32, #tpu.memory_space<vmem>>, vector<1x16xf32>,
      %parallel_loop3A_325 = vector.shape_cast %parallel_loop3A_324 : vector<1x16xf32> to vector<16xf32>
      %parallel_loop3A_326 = vector.shape_cast %parallel_loop3A_321 : vector<16xf32> to vector<1x16xf32>
      tpu.vector_store %arg7[%parallel_loop3A_322, %parallel_loop3A_323], %parallel_loop3A_326 {strides = array<i32>} : memref<800x64xf32, #tpu.memory_space<vmem>>, vector<1x16xf32>,
      %parallel_loop3A_327 = arith.constant 600 : i32
      %parallel_loop3A_328 = arith.addi %parallel_loop3A_327, %parallel_loop3A_184 : i32
      %parallel_loop3A_329 = arith.index_cast %parallel_loop3A_328 : i32 to index
      %parallel_loop3A_330 = arith.constant 0 : index
      %parallel_loop3A_331 = tpu.vector_load %arg7[%parallel_loop3A_329, %parallel_loop3A_330] {strides = array<i32>} : memref<800x64xf32, #tpu.memory_space<vmem>>, vector<1x16xf32>,
      %parallel_loop3A_332 = vector.shape_cast %parallel_loop3A_331 : vector<1x16xf32> to vector<16xf32>
      %parallel_loop3A_333 = arith.addf %parallel_loop3A_332, %parallel_loop3A_188 : vector<16xf32>
      %parallel_loop3A_334 = arith.index_cast %parallel_loop3A_328 : i32 to index
      %parallel_loop3A_335 = arith.constant 0 : index
      %parallel_loop3A_336 = tpu.vector_load %arg7[%parallel_loop3A_334, %parallel_loop3A_335] {strides = array<i32>} : memref<800x64xf32, #tpu.memory_space<vmem>>, vector<1x16xf32>,
      %parallel_loop3A_337 = vector.shape_cast %parallel_loop3A_336 : vector<1x16xf32> to vector<16xf32>
      %parallel_loop3A_338 = vector.shape_cast %parallel_loop3A_333 : vector<16xf32> to vector<1x16xf32>
      tpu.vector_store %arg7[%parallel_loop3A_334, %parallel_loop3A_335], %parallel_loop3A_338 {strides = array<i32>} : memref<800x64xf32, #tpu.memory_space<vmem>>, vector<1x16xf32>,
      %parallel_loop3A_339 = arith.index_cast %parallel_loop3A_328 : i32 to index
      %parallel_loop3A_340 = arith.constant 16 : index
      %parallel_loop3A_341 = tpu.vector_load %arg7[%parallel_loop3A_339, %parallel_loop3A_340] {strides = array<i32>} : memref<800x64xf32, #tpu.memory_space<vmem>>, vector<1x16xf32>,
      %parallel_loop3A_342 = vector.shape_cast %parallel_loop3A_341 : vector<1x16xf32> to vector<16xf32>
      %parallel_loop3A_343 = arith.addf %parallel_loop3A_342, %parallel_loop3A_192 : vector<16xf32>
      %parallel_loop3A_344 = arith.index_cast %parallel_loop3A_328 : i32 to index
      %parallel_loop3A_345 = arith.constant 16 : index
      %parallel_loop3A_346 = tpu.vector_load %arg7[%parallel_loop3A_344, %parallel_loop3A_345] {strides = array<i32>} : memref<800x64xf32, #tpu.memory_space<vmem>>, vector<1x16xf32>,
      %parallel_loop3A_347 = vector.shape_cast %parallel_loop3A_346 : vector<1x16xf32> to vector<16xf32>
      %parallel_loop3A_348 = vector.shape_cast %parallel_loop3A_343 : vector<16xf32> to vector<1x16xf32>
      tpu.vector_store %arg7[%parallel_loop3A_344, %parallel_loop3A_345], %parallel_loop3A_348 {strides = array<i32>} : memref<800x64xf32, #tpu.memory_space<vmem>>, vector<1x16xf32>,
      %parallel_loop3A_349 = arith.index_cast %parallel_loop3A_328 : i32 to index
      %parallel_loop3A_350 = arith.constant 32 : index
      %parallel_loop3A_351 = tpu.vector_load %arg7[%parallel_loop3A_349, %parallel_loop3A_350] {strides = array<i32>} : memref<800x64xf32, #tpu.memory_space<vmem>>, vector<1x16xf32>,
      %parallel_loop3A_352 = vector.shape_cast %parallel_loop3A_351 : vector<1x16xf32> to vector<16xf32>
      %parallel_loop3A_353 = arith.addf %parallel_loop3A_352, %parallel_loop3A_196 : vector<16xf32>
      %parallel_loop3A_354 = arith.index_cast %parallel_loop3A_328 : i32 to index
      %parallel_loop3A_355 = arith.constant 32 : index
      %parallel_loop3A_356 = tpu.vector_load %arg7[%parallel_loop3A_354, %parallel_loop3A_355] {strides = array<i32>} : memref<800x64xf32, #tpu.memory_space<vmem>>, vector<1x16xf32>,
      %parallel_loop3A_357 = vector.shape_cast %parallel_loop3A_356 : vector<1x16xf32> to vector<16xf32>
      %parallel_loop3A_358 = vector.shape_cast %parallel_loop3A_353 : vector<16xf32> to vector<1x16xf32>
      tpu.vector_store %arg7[%parallel_loop3A_354, %parallel_loop3A_355], %parallel_loop3A_358 {strides = array<i32>} : memref<800x64xf32, #tpu.memory_space<vmem>>, vector<1x16xf32>,
      %parallel_loop3A_359 = arith.index_cast %parallel_loop3A_328 : i32 to index
      %parallel_loop3A_360 = arith.constant 48 : index
      %parallel_loop3A_361 = tpu.vector_load %arg7[%parallel_loop3A_359, %parallel_loop3A_360] {strides = array<i32>} : memref<800x64xf32, #tpu.memory_space<vmem>>, vector<1x16xf32>,
      %parallel_loop3A_362 = vector.shape_cast %parallel_loop3A_361 : vector<1x16xf32> to vector<16xf32>
      %parallel_loop3A_363 = arith.addf %parallel_loop3A_362, %parallel_loop3A_200 : vector<16xf32>
      %parallel_loop3A_364 = arith.index_cast %parallel_loop3A_328 : i32 to index
      %parallel_loop3A_365 = arith.constant 48 : index
      %parallel_loop3A_366 = tpu.vector_load %arg7[%parallel_loop3A_364, %parallel_loop3A_365] {strides = array<i32>} : memref<800x64xf32, #tpu.memory_space<vmem>>, vector<1x16xf32>,
      %parallel_loop3A_367 = vector.shape_cast %parallel_loop3A_366 : vector<1x16xf32> to vector<16xf32>
      %parallel_loop3A_368 = vector.shape_cast %parallel_loop3A_363 : vector<16xf32> to vector<1x16xf32>
      tpu.vector_store %arg7[%parallel_loop3A_364, %parallel_loop3A_365], %parallel_loop3A_368 {strides = array<i32>} : memref<800x64xf32, #tpu.memory_space<vmem>>, vector<1x16xf32>,
    } {sc.loop_unroll_factor = 1 : i64, sc.parallel_access}
    %add3A_110 = arith.constant 3200 : i32
    %add3A_111 = arith.addi %mul3A_2, %add3A_110 : i32
    %dma_start3A_112 = arith.constant 0 : i32
    %dma_start3A_113 = tpu.memref_slice %arg5[%add3A_111, %dma_start3A_112] : memref<204800x64xf32, #tpu.memory_space<hbm>> -> memref<800x64xf32, #tpu.memory_space<hbm>>
    %dma_start3A_114 = arith.constant 0 : i32
    %dma_start3A_115 = tpu.memref_slice %arg5[%add3A_111, %dma_start3A_114] : memref<204800x64xf32, #tpu.memory_space<hbm>> -> memref<800x64xf32, #tpu.memory_space<hbm>>
    tpu.enqueue_dma source(%arg7 : memref<800x64xf32, #tpu.memory_space<vmem>>) target(%dma_start3A_115 : memref<800x64xf32, #tpu.memory_space<hbm>>) target_semaphore(%arg11 : memref<!tpu.dma_semaphore, #tpu.memory_space<semaphore_mem>>)
    %dma_wait3A_116 = arith.constant 4000 : i32
    %dma_wait3A_117 = tpu.memref_slice %arg6[%dma_wait3A_116] : memref<6400xi32, #tpu.memory_space<vmem>> -> memref<800xi32, #tpu.memory_space<vmem>>
    %dma_wait3A_118 = arith.constant 0 : i32
    %dma_wait3A_119 = arith.constant 0 : i32
    %dma_wait3A_120 = tpu.memref_slice %arg3[%dma_wait3A_118, %dma_wait3A_119] : memref<1000000x64xf32, #tpu.memory_space<hbm>> -> memref<1000000x64xf32, #tpu.memory_space<hbm>>
    tpu.wait_indirect_dma semaphore(%arg10 : memref<!tpu.dma_semaphore, #tpu.memory_space<semaphore_mem>>) src(%dma_wait3A_120 : memref<1000000x64xf32, #tpu.memory_space<hbm>>) dst(%arg8 : memref<800x64xf32, #tpu.memory_space<vmem>>)
    %dma_wait3A_121 = arith.constant 0 : i32
    %dma_wait3A_122 = tpu.memref_slice %arg5[%add3A_111, %dma_wait3A_121] : memref<204800x64xf32, #tpu.memory_space<hbm>> -> memref<800x64xf32, #tpu.memory_space<hbm>>
    %dma_wait3A_123 = arith.constant 0 : i32
    %dma_wait3A_124 = tpu.memref_slice %arg5[%add3A_111, %dma_wait3A_123] : memref<204800x64xf32, #tpu.memory_space<hbm>> -> memref<800x64xf32, #tpu.memory_space<hbm>>
    tpu.wait_dma2 semaphore(%arg11 : memref<!tpu.dma_semaphore, #tpu.memory_space<semaphore_mem>>) src(%arg7 : memref<800x64xf32, #tpu.memory_space<vmem>>) dst(%dma_wait3A_124 : memref<800x64xf32, #tpu.memory_space<hbm>>)
    %dma_start3A_125 = arith.constant 4800 : i32
    %dma_start3A_126 = tpu.memref_slice %arg6[%dma_start3A_125] : memref<6400xi32, #tpu.memory_space<vmem>> -> memref<800xi32, #tpu.memory_space<vmem>>
    %dma_start3A_127 = arith.constant 0 : i32
    %dma_start3A_128 = arith.constant 0 : i32
    %dma_start3A_129 = tpu.memref_slice %arg3[%dma_start3A_127, %dma_start3A_128] : memref<1000000x64xf32, #tpu.memory_space<hbm>> -> memref<1000000x64xf32, #tpu.memory_space<hbm>>
    tpu.enqueue_indirect_dma source(%dma_start3A_129 : memref<1000000x64xf32, #tpu.memory_space<hbm>>) target(%arg7 : memref<800x64xf32, #tpu.memory_space<vmem>>) offsets(%dma_start3A_126 : memref<800xi32, #tpu.memory_space<vmem>>) semaphore(%arg10 : memref<!tpu.dma_semaphore, #tpu.memory_space<semaphore_mem>>)
    %parallel_loop3A_130 = arith.constant 0 : i32
    %parallel_loop3A_131 = arith.constant 200 : i32
    %parallel_loop3A_132 = arith.constant 1 : i32
    scf.for %parallel_loop3A_184 = %parallel_loop3A_130 to %parallel_loop3A_131 step %parallel_loop3A_132  : i32 {
      %parallel_loop3A_185 = arith.index_cast %parallel_loop3A_184 : i32 to index
      %parallel_loop3A_186 = arith.constant 0 : index
      %parallel_loop3A_187 = tpu.vector_load %arg9[%parallel_loop3A_185, %parallel_loop3A_186] {strides = array<i32>} : memref<200x64xf32, #tpu.memory_space<vmem>>, vector<1x16xf32>,
      %parallel_loop3A_188 = vector.shape_cast %parallel_loop3A_187 : vector<1x16xf32> to vector<16xf32>
      %parallel_loop3A_189 = arith.index_cast %parallel_loop3A_184 : i32 to index
      %parallel_loop3A_190 = arith.constant 16 : index
      %parallel_loop3A_191 = tpu.vector_load %arg9[%parallel_loop3A_189, %parallel_loop3A_190] {strides = array<i32>} : memref<200x64xf32, #tpu.memory_space<vmem>>, vector<1x16xf32>,
      %parallel_loop3A_192 = vector.shape_cast %parallel_loop3A_191 : vector<1x16xf32> to vector<16xf32>
      %parallel_loop3A_193 = arith.index_cast %parallel_loop3A_184 : i32 to index
      %parallel_loop3A_194 = arith.constant 32 : index
      %parallel_loop3A_195 = tpu.vector_load %arg9[%parallel_loop3A_193, %parallel_loop3A_194] {strides = array<i32>} : memref<200x64xf32, #tpu.memory_space<vmem>>, vector<1x16xf32>,
      %parallel_loop3A_196 = vector.shape_cast %parallel_loop3A_195 : vector<1x16xf32> to vector<16xf32>
      %parallel_loop3A_197 = arith.index_cast %parallel_loop3A_184 : i32 to index
      %parallel_loop3A_198 = arith.constant 48 : index
      %parallel_loop3A_199 = tpu.vector_load %arg9[%parallel_loop3A_197, %parallel_loop3A_198] {strides = array<i32>} : memref<200x64xf32, #tpu.memory_space<vmem>>, vector<1x16xf32>,
      %parallel_loop3A_200 = vector.shape_cast %parallel_loop3A_199 : vector<1x16xf32> to vector<16xf32>
      %parallel_loop3A_201 = arith.constant 0 : i32
      %parallel_loop3A_202 = arith.addi %parallel_loop3A_201, %parallel_loop3A_184 : i32
      %parallel_loop3A_203 = arith.index_cast %parallel_loop3A_202 : i32 to index
      %parallel_loop3A_204 = arith.constant 0 : index
      %parallel_loop3A_205 = tpu.vector_load %arg8[%parallel_loop3A_203, %parallel_loop3A_204] {strides = array<i32>} : memref<800x64xf32, #tpu.memory_space<vmem>>, vector<1x16xf32>,
      %parallel_loop3A_206 = vector.shape_cast %parallel_loop3A_205 : vector<1x16xf32> to vector<16xf32>
      %parallel_loop3A_207 = arith.addf %parallel_loop3A_206, %parallel_loop3A_188 : vector<16xf32>
      %parallel_loop3A_208 = arith.index_cast %parallel_loop3A_202 : i32 to index
      %parallel_loop3A_209 = arith.constant 0 : index
      %parallel_loop3A_210 = tpu.vector_load %arg8[%parallel_loop3A_208, %parallel_loop3A_209] {strides = array<i32>} : memref<800x64xf32, #tpu.memory_space<vmem>>, vector<1x16xf32>,
      %parallel_loop3A_211 = vector.shape_cast %parallel_loop3A_210 : vector<1x16xf32> to vector<16xf32>
      %parallel_loop3A_212 = vector.shape_cast %parallel_loop3A_207 : vector<16xf32> to vector<1x16xf32>
      tpu.vector_store %arg8[%parallel_loop3A_208, %parallel_loop3A_209], %parallel_loop3A_212 {strides = array<i32>} : memref<800x64xf32, #tpu.memory_space<vmem>>, vector<1x16xf32>,
      %parallel_loop3A_213 = arith.index_cast %parallel_loop3A_202 : i32 to index
      %parallel_loop3A_214 = arith.constant 16 : index
      %parallel_loop3A_215 = tpu.vector_load %arg8[%parallel_loop3A_213, %parallel_loop3A_214] {strides = array<i32>} : memref<800x64xf32, #tpu.memory_space<vmem>>, vector<1x16xf32>,
      %parallel_loop3A_216 = vector.shape_cast %parallel_loop3A_215 : vector<1x16xf32> to vector<16xf32>
      %parallel_loop3A_217 = arith.addf %parallel_loop3A_216, %parallel_loop3A_192 : vector<16xf32>
      %parallel_loop3A_218 = arith.index_cast %parallel_loop3A_202 : i32 to index
      %parallel_loop3A_219 = arith.constant 16 : index
      %parallel_loop3A_220 = tpu.vector_load %arg8[%parallel_loop3A_218, %parallel_loop3A_219] {strides = array<i32>} : memref<800x64xf32, #tpu.memory_space<vmem>>, vector<1x16xf32>,
      %parallel_loop3A_221 = vector.shape_cast %parallel_loop3A_220 : vector<1x16xf32> to vector<16xf32>
      %parallel_loop3A_222 = vector.shape_cast %parallel_loop3A_217 : vector<16xf32> to vector<1x16xf32>
      tpu.vector_store %arg8[%parallel_loop3A_218, %parallel_loop3A_219], %parallel_loop3A_222 {strides = array<i32>} : memref<800x64xf32, #tpu.memory_space<vmem>>, vector<1x16xf32>,
      %parallel_loop3A_223 = arith.index_cast %parallel_loop3A_202 : i32 to index
      %parallel_loop3A_224 = arith.constant 32 : index
      %parallel_loop3A_225 = tpu.vector_load %arg8[%parallel_loop3A_223, %parallel_loop3A_224] {strides = array<i32>} : memref<800x64xf32, #tpu.memory_space<vmem>>, vector<1x16xf32>,
      %parallel_loop3A_226 = vector.shape_cast %parallel_loop3A_225 : vector<1x16xf32> to vector<16xf32>
      %parallel_loop3A_227 = arith.addf %parallel_loop3A_226, %parallel_loop3A_196 : vector<16xf32>
      %parallel_loop3A_228 = arith.index_cast %parallel_loop3A_202 : i32 to index
      %parallel_loop3A_229 = arith.constant 32 : index
      %parallel_loop3A_230 = tpu.vector_load %arg8[%parallel_loop3A_228, %parallel_loop3A_229] {strides = array<i32>} : memref<800x64xf32, #tpu.memory_space<vmem>>, vector<1x16xf32>,
      %parallel_loop3A_231 = vector.shape_cast %parallel_loop3A_230 : vector<1x16xf32> to vector<16xf32>
      %parallel_loop3A_232 = vector.shape_cast %parallel_loop3A_227 : vector<16xf32> to vector<1x16xf32>
      tpu.vector_store %arg8[%parallel_loop3A_228, %parallel_loop3A_229], %parallel_loop3A_232 {strides = array<i32>} : memref<800x64xf32, #tpu.memory_space<vmem>>, vector<1x16xf32>,
      %parallel_loop3A_233 = arith.index_cast %parallel_loop3A_202 : i32 to index
      %parallel_loop3A_234 = arith.constant 48 : index
      %parallel_loop3A_235 = tpu.vector_load %arg8[%parallel_loop3A_233, %parallel_loop3A_234] {strides = array<i32>} : memref<800x64xf32, #tpu.memory_space<vmem>>, vector<1x16xf32>,
      %parallel_loop3A_236 = vector.shape_cast %parallel_loop3A_235 : vector<1x16xf32> to vector<16xf32>
      %parallel_loop3A_237 = arith.addf %parallel_loop3A_236, %parallel_loop3A_200 : vector<16xf32>
      %parallel_loop3A_238 = arith.index_cast %parallel_loop3A_202 : i32 to index
      %parallel_loop3A_239 = arith.constant 48 : index
      %parallel_loop3A_240 = tpu.vector_load %arg8[%parallel_loop3A_238, %parallel_loop3A_239] {strides = array<i32>} : memref<800x64xf32, #tpu.memory_space<vmem>>, vector<1x16xf32>,
      %parallel_loop3A_241 = vector.shape_cast %parallel_loop3A_240 : vector<1x16xf32> to vector<16xf32>
      %parallel_loop3A_242 = vector.shape_cast %parallel_loop3A_237 : vector<16xf32> to vector<1x16xf32>
      tpu.vector_store %arg8[%parallel_loop3A_238, %parallel_loop3A_239], %parallel_loop3A_242 {strides = array<i32>} : memref<800x64xf32, #tpu.memory_space<vmem>>, vector<1x16xf32>,
      %parallel_loop3A_243 = arith.constant 200 : i32
      %parallel_loop3A_244 = arith.addi %parallel_loop3A_243, %parallel_loop3A_184 : i32
      %parallel_loop3A_245 = arith.index_cast %parallel_loop3A_244 : i32 to index
      %parallel_loop3A_246 = arith.constant 0 : index
      %parallel_loop3A_247 = tpu.vector_load %arg8[%parallel_loop3A_245, %parallel_loop3A_246] {strides = array<i32>} : memref<800x64xf32, #tpu.memory_space<vmem>>, vector<1x16xf32>,
      %parallel_loop3A_248 = vector.shape_cast %parallel_loop3A_247 : vector<1x16xf32> to vector<16xf32>
      %parallel_loop3A_249 = arith.addf %parallel_loop3A_248, %parallel_loop3A_188 : vector<16xf32>
      %parallel_loop3A_250 = arith.index_cast %parallel_loop3A_244 : i32 to index
      %parallel_loop3A_251 = arith.constant 0 : index
      %parallel_loop3A_252 = tpu.vector_load %arg8[%parallel_loop3A_250, %parallel_loop3A_251] {strides = array<i32>} : memref<800x64xf32, #tpu.memory_space<vmem>>, vector<1x16xf32>,
      %parallel_loop3A_253 = vector.shape_cast %parallel_loop3A_252 : vector<1x16xf32> to vector<16xf32>
      %parallel_loop3A_254 = vector.shape_cast %parallel_loop3A_249 : vector<16xf32> to vector<1x16xf32>
      tpu.vector_store %arg8[%parallel_loop3A_250, %parallel_loop3A_251], %parallel_loop3A_254 {strides = array<i32>} : memref<800x64xf32, #tpu.memory_space<vmem>>, vector<1x16xf32>,
      %parallel_loop3A_255 = arith.index_cast %parallel_loop3A_244 : i32 to index
      %parallel_loop3A_256 = arith.constant 16 : index
      %parallel_loop3A_257 = tpu.vector_load %arg8[%parallel_loop3A_255, %parallel_loop3A_256] {strides = array<i32>} : memref<800x64xf32, #tpu.memory_space<vmem>>, vector<1x16xf32>,
      %parallel_loop3A_258 = vector.shape_cast %parallel_loop3A_257 : vector<1x16xf32> to vector<16xf32>
      %parallel_loop3A_259 = arith.addf %parallel_loop3A_258, %parallel_loop3A_192 : vector<16xf32>
      %parallel_loop3A_260 = arith.index_cast %parallel_loop3A_244 : i32 to index
      %parallel_loop3A_261 = arith.constant 16 : index
      %parallel_loop3A_262 = tpu.vector_load %arg8[%parallel_loop3A_260, %parallel_loop3A_261] {strides = array<i32>} : memref<800x64xf32, #tpu.memory_space<vmem>>, vector<1x16xf32>,
      %parallel_loop3A_263 = vector.shape_cast %parallel_loop3A_262 : vector<1x16xf32> to vector<16xf32>
      %parallel_loop3A_264 = vector.shape_cast %parallel_loop3A_259 : vector<16xf32> to vector<1x16xf32>
      tpu.vector_store %arg8[%parallel_loop3A_260, %parallel_loop3A_261], %parallel_loop3A_264 {strides = array<i32>} : memref<800x64xf32, #tpu.memory_space<vmem>>, vector<1x16xf32>,
      %parallel_loop3A_265 = arith.index_cast %parallel_loop3A_244 : i32 to index
      %parallel_loop3A_266 = arith.constant 32 : index
      %parallel_loop3A_267 = tpu.vector_load %arg8[%parallel_loop3A_265, %parallel_loop3A_266] {strides = array<i32>} : memref<800x64xf32, #tpu.memory_space<vmem>>, vector<1x16xf32>,
      %parallel_loop3A_268 = vector.shape_cast %parallel_loop3A_267 : vector<1x16xf32> to vector<16xf32>
      %parallel_loop3A_269 = arith.addf %parallel_loop3A_268, %parallel_loop3A_196 : vector<16xf32>
      %parallel_loop3A_270 = arith.index_cast %parallel_loop3A_244 : i32 to index
      %parallel_loop3A_271 = arith.constant 32 : index
      %parallel_loop3A_272 = tpu.vector_load %arg8[%parallel_loop3A_270, %parallel_loop3A_271] {strides = array<i32>} : memref<800x64xf32, #tpu.memory_space<vmem>>, vector<1x16xf32>,
      %parallel_loop3A_273 = vector.shape_cast %parallel_loop3A_272 : vector<1x16xf32> to vector<16xf32>
      %parallel_loop3A_274 = vector.shape_cast %parallel_loop3A_269 : vector<16xf32> to vector<1x16xf32>
      tpu.vector_store %arg8[%parallel_loop3A_270, %parallel_loop3A_271], %parallel_loop3A_274 {strides = array<i32>} : memref<800x64xf32, #tpu.memory_space<vmem>>, vector<1x16xf32>,
      %parallel_loop3A_275 = arith.index_cast %parallel_loop3A_244 : i32 to index
      %parallel_loop3A_276 = arith.constant 48 : index
      %parallel_loop3A_277 = tpu.vector_load %arg8[%parallel_loop3A_275, %parallel_loop3A_276] {strides = array<i32>} : memref<800x64xf32, #tpu.memory_space<vmem>>, vector<1x16xf32>,
      %parallel_loop3A_278 = vector.shape_cast %parallel_loop3A_277 : vector<1x16xf32> to vector<16xf32>
      %parallel_loop3A_279 = arith.addf %parallel_loop3A_278, %parallel_loop3A_200 : vector<16xf32>
      %parallel_loop3A_280 = arith.index_cast %parallel_loop3A_244 : i32 to index
      %parallel_loop3A_281 = arith.constant 48 : index
      %parallel_loop3A_282 = tpu.vector_load %arg8[%parallel_loop3A_280, %parallel_loop3A_281] {strides = array<i32>} : memref<800x64xf32, #tpu.memory_space<vmem>>, vector<1x16xf32>,
      %parallel_loop3A_283 = vector.shape_cast %parallel_loop3A_282 : vector<1x16xf32> to vector<16xf32>
      %parallel_loop3A_284 = vector.shape_cast %parallel_loop3A_279 : vector<16xf32> to vector<1x16xf32>
      tpu.vector_store %arg8[%parallel_loop3A_280, %parallel_loop3A_281], %parallel_loop3A_284 {strides = array<i32>} : memref<800x64xf32, #tpu.memory_space<vmem>>, vector<1x16xf32>,
      %parallel_loop3A_285 = arith.constant 400 : i32
      %parallel_loop3A_286 = arith.addi %parallel_loop3A_285, %parallel_loop3A_184 : i32
      %parallel_loop3A_287 = arith.index_cast %parallel_loop3A_286 : i32 to index
      %parallel_loop3A_288 = arith.constant 0 : index
      %parallel_loop3A_289 = tpu.vector_load %arg8[%parallel_loop3A_287, %parallel_loop3A_288] {strides = array<i32>} : memref<800x64xf32, #tpu.memory_space<vmem>>, vector<1x16xf32>,
      %parallel_loop3A_290 = vector.shape_cast %parallel_loop3A_289 : vector<1x16xf32> to vector<16xf32>
      %parallel_loop3A_291 = arith.addf %parallel_loop3A_290, %parallel_loop3A_188 : vector<16xf32>
      %parallel_loop3A_292 = arith.index_cast %parallel_loop3A_286 : i32 to index
      %parallel_loop3A_293 = arith.constant 0 : index
      %parallel_loop3A_294 = tpu.vector_load %arg8[%parallel_loop3A_292, %parallel_loop3A_293] {strides = array<i32>} : memref<800x64xf32, #tpu.memory_space<vmem>>, vector<1x16xf32>,
      %parallel_loop3A_295 = vector.shape_cast %parallel_loop3A_294 : vector<1x16xf32> to vector<16xf32>
      %parallel_loop3A_296 = vector.shape_cast %parallel_loop3A_291 : vector<16xf32> to vector<1x16xf32>
      tpu.vector_store %arg8[%parallel_loop3A_292, %parallel_loop3A_293], %parallel_loop3A_296 {strides = array<i32>} : memref<800x64xf32, #tpu.memory_space<vmem>>, vector<1x16xf32>,
      %parallel_loop3A_297 = arith.index_cast %parallel_loop3A_286 : i32 to index
      %parallel_loop3A_298 = arith.constant 16 : index
      %parallel_loop3A_299 = tpu.vector_load %arg8[%parallel_loop3A_297, %parallel_loop3A_298] {strides = array<i32>} : memref<800x64xf32, #tpu.memory_space<vmem>>, vector<1x16xf32>,
      %parallel_loop3A_300 = vector.shape_cast %parallel_loop3A_299 : vector<1x16xf32> to vector<16xf32>
      %parallel_loop3A_301 = arith.addf %parallel_loop3A_300, %parallel_loop3A_192 : vector<16xf32>
      %parallel_loop3A_302 = arith.index_cast %parallel_loop3A_286 : i32 to index
      %parallel_loop3A_303 = arith.constant 16 : index
      %parallel_loop3A_304 = tpu.vector_load %arg8[%parallel_loop3A_302, %parallel_loop3A_303] {strides = array<i32>} : memref<800x64xf32, #tpu.memory_space<vmem>>, vector<1x16xf32>,
      %parallel_loop3A_305 = vector.shape_cast %parallel_loop3A_304 : vector<1x16xf32> to vector<16xf32>
      %parallel_loop3A_306 = vector.shape_cast %parallel_loop3A_301 : vector<16xf32> to vector<1x16xf32>
      tpu.vector_store %arg8[%parallel_loop3A_302, %parallel_loop3A_303], %parallel_loop3A_306 {strides = array<i32>} : memref<800x64xf32, #tpu.memory_space<vmem>>, vector<1x16xf32>,
      %parallel_loop3A_307 = arith.index_cast %parallel_loop3A_286 : i32 to index
      %parallel_loop3A_308 = arith.constant 32 : index
      %parallel_loop3A_309 = tpu.vector_load %arg8[%parallel_loop3A_307, %parallel_loop3A_308] {strides = array<i32>} : memref<800x64xf32, #tpu.memory_space<vmem>>, vector<1x16xf32>,
      %parallel_loop3A_310 = vector.shape_cast %parallel_loop3A_309 : vector<1x16xf32> to vector<16xf32>
      %parallel_loop3A_311 = arith.addf %parallel_loop3A_310, %parallel_loop3A_196 : vector<16xf32>
      %parallel_loop3A_312 = arith.index_cast %parallel_loop3A_286 : i32 to index
      %parallel_loop3A_313 = arith.constant 32 : index
      %parallel_loop3A_314 = tpu.vector_load %arg8[%parallel_loop3A_312, %parallel_loop3A_313] {strides = array<i32>} : memref<800x64xf32, #tpu.memory_space<vmem>>, vector<1x16xf32>,
      %parallel_loop3A_315 = vector.shape_cast %parallel_loop3A_314 : vector<1x16xf32> to vector<16xf32>
      %parallel_loop3A_316 = vector.shape_cast %parallel_loop3A_311 : vector<16xf32> to vector<1x16xf32>
      tpu.vector_store %arg8[%parallel_loop3A_312, %parallel_loop3A_313], %parallel_loop3A_316 {strides = array<i32>} : memref<800x64xf32, #tpu.memory_space<vmem>>, vector<1x16xf32>,
      %parallel_loop3A_317 = arith.index_cast %parallel_loop3A_286 : i32 to index
      %parallel_loop3A_318 = arith.constant 48 : index
      %parallel_loop3A_319 = tpu.vector_load %arg8[%parallel_loop3A_317, %parallel_loop3A_318] {strides = array<i32>} : memref<800x64xf32, #tpu.memory_space<vmem>>, vector<1x16xf32>,
      %parallel_loop3A_320 = vector.shape_cast %parallel_loop3A_319 : vector<1x16xf32> to vector<16xf32>
      %parallel_loop3A_321 = arith.addf %parallel_loop3A_320, %parallel_loop3A_200 : vector<16xf32>
      %parallel_loop3A_322 = arith.index_cast %parallel_loop3A_286 : i32 to index
      %parallel_loop3A_323 = arith.constant 48 : index
      %parallel_loop3A_324 = tpu.vector_load %arg8[%parallel_loop3A_322, %parallel_loop3A_323] {strides = array<i32>} : memref<800x64xf32, #tpu.memory_space<vmem>>, vector<1x16xf32>,
      %parallel_loop3A_325 = vector.shape_cast %parallel_loop3A_324 : vector<1x16xf32> to vector<16xf32>
      %parallel_loop3A_326 = vector.shape_cast %parallel_loop3A_321 : vector<16xf32> to vector<1x16xf32>
      tpu.vector_store %arg8[%parallel_loop3A_322, %parallel_loop3A_323], %parallel_loop3A_326 {strides = array<i32>} : memref<800x64xf32, #tpu.memory_space<vmem>>, vector<1x16xf32>,
      %parallel_loop3A_327 = arith.constant 600 : i32
      %parallel_loop3A_328 = arith.addi %parallel_loop3A_327, %parallel_loop3A_184 : i32
      %parallel_loop3A_329 = arith.index_cast %parallel_loop3A_328 : i32 to index
      %parallel_loop3A_330 = arith.constant 0 : index
      %parallel_loop3A_331 = tpu.vector_load %arg8[%parallel_loop3A_329, %parallel_loop3A_330] {strides = array<i32>} : memref<800x64xf32, #tpu.memory_space<vmem>>, vector<1x16xf32>,
      %parallel_loop3A_332 = vector.shape_cast %parallel_loop3A_331 : vector<1x16xf32> to vector<16xf32>
      %parallel_loop3A_333 = arith.addf %parallel_loop3A_332, %parallel_loop3A_188 : vector<16xf32>
      %parallel_loop3A_334 = arith.index_cast %parallel_loop3A_328 : i32 to index
      %parallel_loop3A_335 = arith.constant 0 : index
      %parallel_loop3A_336 = tpu.vector_load %arg8[%parallel_loop3A_334, %parallel_loop3A_335] {strides = array<i32>} : memref<800x64xf32, #tpu.memory_space<vmem>>, vector<1x16xf32>,
      %parallel_loop3A_337 = vector.shape_cast %parallel_loop3A_336 : vector<1x16xf32> to vector<16xf32>
      %parallel_loop3A_338 = vector.shape_cast %parallel_loop3A_333 : vector<16xf32> to vector<1x16xf32>
      tpu.vector_store %arg8[%parallel_loop3A_334, %parallel_loop3A_335], %parallel_loop3A_338 {strides = array<i32>} : memref<800x64xf32, #tpu.memory_space<vmem>>, vector<1x16xf32>,
      %parallel_loop3A_339 = arith.index_cast %parallel_loop3A_328 : i32 to index
      %parallel_loop3A_340 = arith.constant 16 : index
      %parallel_loop3A_341 = tpu.vector_load %arg8[%parallel_loop3A_339, %parallel_loop3A_340] {strides = array<i32>} : memref<800x64xf32, #tpu.memory_space<vmem>>, vector<1x16xf32>,
      %parallel_loop3A_342 = vector.shape_cast %parallel_loop3A_341 : vector<1x16xf32> to vector<16xf32>
      %parallel_loop3A_343 = arith.addf %parallel_loop3A_342, %parallel_loop3A_192 : vector<16xf32>
      %parallel_loop3A_344 = arith.index_cast %parallel_loop3A_328 : i32 to index
      %parallel_loop3A_345 = arith.constant 16 : index
      %parallel_loop3A_346 = tpu.vector_load %arg8[%parallel_loop3A_344, %parallel_loop3A_345] {strides = array<i32>} : memref<800x64xf32, #tpu.memory_space<vmem>>, vector<1x16xf32>,
      %parallel_loop3A_347 = vector.shape_cast %parallel_loop3A_346 : vector<1x16xf32> to vector<16xf32>
      %parallel_loop3A_348 = vector.shape_cast %parallel_loop3A_343 : vector<16xf32> to vector<1x16xf32>
      tpu.vector_store %arg8[%parallel_loop3A_344, %parallel_loop3A_345], %parallel_loop3A_348 {strides = array<i32>} : memref<800x64xf32, #tpu.memory_space<vmem>>, vector<1x16xf32>,
      %parallel_loop3A_349 = arith.index_cast %parallel_loop3A_328 : i32 to index
      %parallel_loop3A_350 = arith.constant 32 : index
      %parallel_loop3A_351 = tpu.vector_load %arg8[%parallel_loop3A_349, %parallel_loop3A_350] {strides = array<i32>} : memref<800x64xf32, #tpu.memory_space<vmem>>, vector<1x16xf32>,
      %parallel_loop3A_352 = vector.shape_cast %parallel_loop3A_351 : vector<1x16xf32> to vector<16xf32>
      %parallel_loop3A_353 = arith.addf %parallel_loop3A_352, %parallel_loop3A_196 : vector<16xf32>
      %parallel_loop3A_354 = arith.index_cast %parallel_loop3A_328 : i32 to index
      %parallel_loop3A_355 = arith.constant 32 : index
      %parallel_loop3A_356 = tpu.vector_load %arg8[%parallel_loop3A_354, %parallel_loop3A_355] {strides = array<i32>} : memref<800x64xf32, #tpu.memory_space<vmem>>, vector<1x16xf32>,
      %parallel_loop3A_357 = vector.shape_cast %parallel_loop3A_356 : vector<1x16xf32> to vector<16xf32>
      %parallel_loop3A_358 = vector.shape_cast %parallel_loop3A_353 : vector<16xf32> to vector<1x16xf32>
      tpu.vector_store %arg8[%parallel_loop3A_354, %parallel_loop3A_355], %parallel_loop3A_358 {strides = array<i32>} : memref<800x64xf32, #tpu.memory_space<vmem>>, vector<1x16xf32>,
      %parallel_loop3A_359 = arith.index_cast %parallel_loop3A_328 : i32 to index
      %parallel_loop3A_360 = arith.constant 48 : index
      %parallel_loop3A_361 = tpu.vector_load %arg8[%parallel_loop3A_359, %parallel_loop3A_360] {strides = array<i32>} : memref<800x64xf32, #tpu.memory_space<vmem>>, vector<1x16xf32>,
      %parallel_loop3A_362 = vector.shape_cast %parallel_loop3A_361 : vector<1x16xf32> to vector<16xf32>
      %parallel_loop3A_363 = arith.addf %parallel_loop3A_362, %parallel_loop3A_200 : vector<16xf32>
      %parallel_loop3A_364 = arith.index_cast %parallel_loop3A_328 : i32 to index
      %parallel_loop3A_365 = arith.constant 48 : index
      %parallel_loop3A_366 = tpu.vector_load %arg8[%parallel_loop3A_364, %parallel_loop3A_365] {strides = array<i32>} : memref<800x64xf32, #tpu.memory_space<vmem>>, vector<1x16xf32>,
      %parallel_loop3A_367 = vector.shape_cast %parallel_loop3A_366 : vector<1x16xf32> to vector<16xf32>
      %parallel_loop3A_368 = vector.shape_cast %parallel_loop3A_363 : vector<16xf32> to vector<1x16xf32>
      tpu.vector_store %arg8[%parallel_loop3A_364, %parallel_loop3A_365], %parallel_loop3A_368 {strides = array<i32>} : memref<800x64xf32, #tpu.memory_space<vmem>>, vector<1x16xf32>,
    } {sc.loop_unroll_factor = 1 : i64, sc.parallel_access}
    %add3A_133 = arith.constant 4000 : i32
    %add3A_134 = arith.addi %mul3A_2, %add3A_133 : i32
    %dma_start3A_135 = arith.constant 0 : i32
    %dma_start3A_136 = tpu.memref_slice %arg5[%add3A_134, %dma_start3A_135] : memref<204800x64xf32, #tpu.memory_space<hbm>> -> memref<800x64xf32, #tpu.memory_space<hbm>>
    %dma_start3A_137 = arith.constant 0 : i32
    %dma_start3A_138 = tpu.memref_slice %arg5[%add3A_134, %dma_start3A_137] : memref<204800x64xf32, #tpu.memory_space<hbm>> -> memref<800x64xf32, #tpu.memory_space<hbm>>
    tpu.enqueue_dma source(%arg8 : memref<800x64xf32, #tpu.memory_space<vmem>>) target(%dma_start3A_138 : memref<800x64xf32, #tpu.memory_space<hbm>>) target_semaphore(%arg11 : memref<!tpu.dma_semaphore, #tpu.memory_space<semaphore_mem>>)
    %dma_wait3A_139 = arith.constant 4800 : i32
    %dma_wait3A_140 = tpu.memref_slice %arg6[%dma_wait3A_139] : memref<6400xi32, #tpu.memory_space<vmem>> -> memref<800xi32, #tpu.memory_space<vmem>>
    %dma_wait3A_141 = arith.constant 0 : i32
    %dma_wait3A_142 = arith.constant 0 : i32
    %dma_wait3A_143 = tpu.memref_slice %arg3[%dma_wait3A_141, %dma_wait3A_142] : memref<1000000x64xf32, #tpu.memory_space<hbm>> -> memref<1000000x64xf32, #tpu.memory_space<hbm>>
    tpu.wait_indirect_dma semaphore(%arg10 : memref<!tpu.dma_semaphore, #tpu.memory_space<semaphore_mem>>) src(%dma_wait3A_143 : memref<1000000x64xf32, #tpu.memory_space<hbm>>) dst(%arg7 : memref<800x64xf32, #tpu.memory_space<vmem>>)
    %dma_wait3A_144 = arith.constant 0 : i32
    %dma_wait3A_145 = tpu.memref_slice %arg5[%add3A_134, %dma_wait3A_144] : memref<204800x64xf32, #tpu.memory_space<hbm>> -> memref<800x64xf32, #tpu.memory_space<hbm>>
    %dma_wait3A_146 = arith.constant 0 : i32
    %dma_wait3A_147 = tpu.memref_slice %arg5[%add3A_134, %dma_wait3A_146] : memref<204800x64xf32, #tpu.memory_space<hbm>> -> memref<800x64xf32, #tpu.memory_space<hbm>>
    tpu.wait_dma2 semaphore(%arg11 : memref<!tpu.dma_semaphore, #tpu.memory_space<semaphore_mem>>) src(%arg8 : memref<800x64xf32, #tpu.memory_space<vmem>>) dst(%dma_wait3A_147 : memref<800x64xf32, #tpu.memory_space<hbm>>)
    %dma_start3A_148 = arith.constant 5600 : i32
    %dma_start3A_149 = tpu.memref_slice %arg6[%dma_start3A_148] : memref<6400xi32, #tpu.memory_space<vmem>> -> memref<800xi32, #tpu.memory_space<vmem>>
    %dma_start3A_150 = arith.constant 0 : i32
    %dma_start3A_151 = arith.constant 0 : i32
    %dma_start3A_152 = tpu.memref_slice %arg3[%dma_start3A_150, %dma_start3A_151] : memref<1000000x64xf32, #tpu.memory_space<hbm>> -> memref<1000000x64xf32, #tpu.memory_space<hbm>>
    tpu.enqueue_indirect_dma source(%dma_start3A_152 : memref<1000000x64xf32, #tpu.memory_space<hbm>>) target(%arg8 : memref<800x64xf32, #tpu.memory_space<vmem>>) offsets(%dma_start3A_149 : memref<800xi32, #tpu.memory_space<vmem>>) semaphore(%arg10 : memref<!tpu.dma_semaphore, #tpu.memory_space<semaphore_mem>>)
    %parallel_loop3A_153 = arith.constant 0 : i32
    %parallel_loop3A_154 = arith.constant 200 : i32
    %parallel_loop3A_155 = arith.constant 1 : i32
    scf.for %parallel_loop3A_184 = %parallel_loop3A_153 to %parallel_loop3A_154 step %parallel_loop3A_155  : i32 {
      %parallel_loop3A_185 = arith.index_cast %parallel_loop3A_184 : i32 to index
      %parallel_loop3A_186 = arith.constant 0 : index
      %parallel_loop3A_187 = tpu.vector_load %arg9[%parallel_loop3A_185, %parallel_loop3A_186] {strides = array<i32>} : memref<200x64xf32, #tpu.memory_space<vmem>>, vector<1x16xf32>,
      %parallel_loop3A_188 = vector.shape_cast %parallel_loop3A_187 : vector<1x16xf32> to vector<16xf32>
      %parallel_loop3A_189 = arith.index_cast %parallel_loop3A_184 : i32 to index
      %parallel_loop3A_190 = arith.constant 16 : index
      %parallel_loop3A_191 = tpu.vector_load %arg9[%parallel_loop3A_189, %parallel_loop3A_190] {strides = array<i32>} : memref<200x64xf32, #tpu.memory_space<vmem>>, vector<1x16xf32>,
      %parallel_loop3A_192 = vector.shape_cast %parallel_loop3A_191 : vector<1x16xf32> to vector<16xf32>
      %parallel_loop3A_193 = arith.index_cast %parallel_loop3A_184 : i32 to index
      %parallel_loop3A_194 = arith.constant 32 : index
      %parallel_loop3A_195 = tpu.vector_load %arg9[%parallel_loop3A_193, %parallel_loop3A_194] {strides = array<i32>} : memref<200x64xf32, #tpu.memory_space<vmem>>, vector<1x16xf32>,
      %parallel_loop3A_196 = vector.shape_cast %parallel_loop3A_195 : vector<1x16xf32> to vector<16xf32>
      %parallel_loop3A_197 = arith.index_cast %parallel_loop3A_184 : i32 to index
      %parallel_loop3A_198 = arith.constant 48 : index
      %parallel_loop3A_199 = tpu.vector_load %arg9[%parallel_loop3A_197, %parallel_loop3A_198] {strides = array<i32>} : memref<200x64xf32, #tpu.memory_space<vmem>>, vector<1x16xf32>,
      %parallel_loop3A_200 = vector.shape_cast %parallel_loop3A_199 : vector<1x16xf32> to vector<16xf32>
      %parallel_loop3A_201 = arith.constant 0 : i32
      %parallel_loop3A_202 = arith.addi %parallel_loop3A_201, %parallel_loop3A_184 : i32
      %parallel_loop3A_203 = arith.index_cast %parallel_loop3A_202 : i32 to index
      %parallel_loop3A_204 = arith.constant 0 : index
      %parallel_loop3A_205 = tpu.vector_load %arg7[%parallel_loop3A_203, %parallel_loop3A_204] {strides = array<i32>} : memref<800x64xf32, #tpu.memory_space<vmem>>, vector<1x16xf32>,
      %parallel_loop3A_206 = vector.shape_cast %parallel_loop3A_205 : vector<1x16xf32> to vector<16xf32>
      %parallel_loop3A_207 = arith.addf %parallel_loop3A_206, %parallel_loop3A_188 : vector<16xf32>
      %parallel_loop3A_208 = arith.index_cast %parallel_loop3A_202 : i32 to index
      %parallel_loop3A_209 = arith.constant 0 : index
      %parallel_loop3A_210 = tpu.vector_load %arg7[%parallel_loop3A_208, %parallel_loop3A_209] {strides = array<i32>} : memref<800x64xf32, #tpu.memory_space<vmem>>, vector<1x16xf32>,
      %parallel_loop3A_211 = vector.shape_cast %parallel_loop3A_210 : vector<1x16xf32> to vector<16xf32>
      %parallel_loop3A_212 = vector.shape_cast %parallel_loop3A_207 : vector<16xf32> to vector<1x16xf32>
      tpu.vector_store %arg7[%parallel_loop3A_208, %parallel_loop3A_209], %parallel_loop3A_212 {strides = array<i32>} : memref<800x64xf32, #tpu.memory_space<vmem>>, vector<1x16xf32>,
      %parallel_loop3A_213 = arith.index_cast %parallel_loop3A_202 : i32 to index
      %parallel_loop3A_214 = arith.constant 16 : index
      %parallel_loop3A_215 = tpu.vector_load %arg7[%parallel_loop3A_213, %parallel_loop3A_214] {strides = array<i32>} : memref<800x64xf32, #tpu.memory_space<vmem>>, vector<1x16xf32>,
      %parallel_loop3A_216 = vector.shape_cast %parallel_loop3A_215 : vector<1x16xf32> to vector<16xf32>
      %parallel_loop3A_217 = arith.addf %parallel_loop3A_216, %parallel_loop3A_192 : vector<16xf32>
      %parallel_loop3A_218 = arith.index_cast %parallel_loop3A_202 : i32 to index
      %parallel_loop3A_219 = arith.constant 16 : index
      %parallel_loop3A_220 = tpu.vector_load %arg7[%parallel_loop3A_218, %parallel_loop3A_219] {strides = array<i32>} : memref<800x64xf32, #tpu.memory_space<vmem>>, vector<1x16xf32>,
      %parallel_loop3A_221 = vector.shape_cast %parallel_loop3A_220 : vector<1x16xf32> to vector<16xf32>
      %parallel_loop3A_222 = vector.shape_cast %parallel_loop3A_217 : vector<16xf32> to vector<1x16xf32>
      tpu.vector_store %arg7[%parallel_loop3A_218, %parallel_loop3A_219], %parallel_loop3A_222 {strides = array<i32>} : memref<800x64xf32, #tpu.memory_space<vmem>>, vector<1x16xf32>,
      %parallel_loop3A_223 = arith.index_cast %parallel_loop3A_202 : i32 to index
      %parallel_loop3A_224 = arith.constant 32 : index
      %parallel_loop3A_225 = tpu.vector_load %arg7[%parallel_loop3A_223, %parallel_loop3A_224] {strides = array<i32>} : memref<800x64xf32, #tpu.memory_space<vmem>>, vector<1x16xf32>,
      %parallel_loop3A_226 = vector.shape_cast %parallel_loop3A_225 : vector<1x16xf32> to vector<16xf32>
      %parallel_loop3A_227 = arith.addf %parallel_loop3A_226, %parallel_loop3A_196 : vector<16xf32>
      %parallel_loop3A_228 = arith.index_cast %parallel_loop3A_202 : i32 to index
      %parallel_loop3A_229 = arith.constant 32 : index
      %parallel_loop3A_230 = tpu.vector_load %arg7[%parallel_loop3A_228, %parallel_loop3A_229] {strides = array<i32>} : memref<800x64xf32, #tpu.memory_space<vmem>>, vector<1x16xf32>,
      %parallel_loop3A_231 = vector.shape_cast %parallel_loop3A_230 : vector<1x16xf32> to vector<16xf32>
      %parallel_loop3A_232 = vector.shape_cast %parallel_loop3A_227 : vector<16xf32> to vector<1x16xf32>
      tpu.vector_store %arg7[%parallel_loop3A_228, %parallel_loop3A_229], %parallel_loop3A_232 {strides = array<i32>} : memref<800x64xf32, #tpu.memory_space<vmem>>, vector<1x16xf32>,
      %parallel_loop3A_233 = arith.index_cast %parallel_loop3A_202 : i32 to index
      %parallel_loop3A_234 = arith.constant 48 : index
      %parallel_loop3A_235 = tpu.vector_load %arg7[%parallel_loop3A_233, %parallel_loop3A_234] {strides = array<i32>} : memref<800x64xf32, #tpu.memory_space<vmem>>, vector<1x16xf32>,
      %parallel_loop3A_236 = vector.shape_cast %parallel_loop3A_235 : vector<1x16xf32> to vector<16xf32>
      %parallel_loop3A_237 = arith.addf %parallel_loop3A_236, %parallel_loop3A_200 : vector<16xf32>
      %parallel_loop3A_238 = arith.index_cast %parallel_loop3A_202 : i32 to index
      %parallel_loop3A_239 = arith.constant 48 : index
      %parallel_loop3A_240 = tpu.vector_load %arg7[%parallel_loop3A_238, %parallel_loop3A_239] {strides = array<i32>} : memref<800x64xf32, #tpu.memory_space<vmem>>, vector<1x16xf32>,
      %parallel_loop3A_241 = vector.shape_cast %parallel_loop3A_240 : vector<1x16xf32> to vector<16xf32>
      %parallel_loop3A_242 = vector.shape_cast %parallel_loop3A_237 : vector<16xf32> to vector<1x16xf32>
      tpu.vector_store %arg7[%parallel_loop3A_238, %parallel_loop3A_239], %parallel_loop3A_242 {strides = array<i32>} : memref<800x64xf32, #tpu.memory_space<vmem>>, vector<1x16xf32>,
      %parallel_loop3A_243 = arith.constant 200 : i32
      %parallel_loop3A_244 = arith.addi %parallel_loop3A_243, %parallel_loop3A_184 : i32
      %parallel_loop3A_245 = arith.index_cast %parallel_loop3A_244 : i32 to index
      %parallel_loop3A_246 = arith.constant 0 : index
      %parallel_loop3A_247 = tpu.vector_load %arg7[%parallel_loop3A_245, %parallel_loop3A_246] {strides = array<i32>} : memref<800x64xf32, #tpu.memory_space<vmem>>, vector<1x16xf32>,
      %parallel_loop3A_248 = vector.shape_cast %parallel_loop3A_247 : vector<1x16xf32> to vector<16xf32>
      %parallel_loop3A_249 = arith.addf %parallel_loop3A_248, %parallel_loop3A_188 : vector<16xf32>
      %parallel_loop3A_250 = arith.index_cast %parallel_loop3A_244 : i32 to index
      %parallel_loop3A_251 = arith.constant 0 : index
      %parallel_loop3A_252 = tpu.vector_load %arg7[%parallel_loop3A_250, %parallel_loop3A_251] {strides = array<i32>} : memref<800x64xf32, #tpu.memory_space<vmem>>, vector<1x16xf32>,
      %parallel_loop3A_253 = vector.shape_cast %parallel_loop3A_252 : vector<1x16xf32> to vector<16xf32>
      %parallel_loop3A_254 = vector.shape_cast %parallel_loop3A_249 : vector<16xf32> to vector<1x16xf32>
      tpu.vector_store %arg7[%parallel_loop3A_250, %parallel_loop3A_251], %parallel_loop3A_254 {strides = array<i32>} : memref<800x64xf32, #tpu.memory_space<vmem>>, vector<1x16xf32>,
      %parallel_loop3A_255 = arith.index_cast %parallel_loop3A_244 : i32 to index
      %parallel_loop3A_256 = arith.constant 16 : index
      %parallel_loop3A_257 = tpu.vector_load %arg7[%parallel_loop3A_255, %parallel_loop3A_256] {strides = array<i32>} : memref<800x64xf32, #tpu.memory_space<vmem>>, vector<1x16xf32>,
      %parallel_loop3A_258 = vector.shape_cast %parallel_loop3A_257 : vector<1x16xf32> to vector<16xf32>
      %parallel_loop3A_259 = arith.addf %parallel_loop3A_258, %parallel_loop3A_192 : vector<16xf32>
      %parallel_loop3A_260 = arith.index_cast %parallel_loop3A_244 : i32 to index
      %parallel_loop3A_261 = arith.constant 16 : index
      %parallel_loop3A_262 = tpu.vector_load %arg7[%parallel_loop3A_260, %parallel_loop3A_261] {strides = array<i32>} : memref<800x64xf32, #tpu.memory_space<vmem>>, vector<1x16xf32>,
      %parallel_loop3A_263 = vector.shape_cast %parallel_loop3A_262 : vector<1x16xf32> to vector<16xf32>
      %parallel_loop3A_264 = vector.shape_cast %parallel_loop3A_259 : vector<16xf32> to vector<1x16xf32>
      tpu.vector_store %arg7[%parallel_loop3A_260, %parallel_loop3A_261], %parallel_loop3A_264 {strides = array<i32>} : memref<800x64xf32, #tpu.memory_space<vmem>>, vector<1x16xf32>,
      %parallel_loop3A_265 = arith.index_cast %parallel_loop3A_244 : i32 to index
      %parallel_loop3A_266 = arith.constant 32 : index
      %parallel_loop3A_267 = tpu.vector_load %arg7[%parallel_loop3A_265, %parallel_loop3A_266] {strides = array<i32>} : memref<800x64xf32, #tpu.memory_space<vmem>>, vector<1x16xf32>,
      %parallel_loop3A_268 = vector.shape_cast %parallel_loop3A_267 : vector<1x16xf32> to vector<16xf32>
      %parallel_loop3A_269 = arith.addf %parallel_loop3A_268, %parallel_loop3A_196 : vector<16xf32>
      %parallel_loop3A_270 = arith.index_cast %parallel_loop3A_244 : i32 to index
      %parallel_loop3A_271 = arith.constant 32 : index
      %parallel_loop3A_272 = tpu.vector_load %arg7[%parallel_loop3A_270, %parallel_loop3A_271] {strides = array<i32>} : memref<800x64xf32, #tpu.memory_space<vmem>>, vector<1x16xf32>,
      %parallel_loop3A_273 = vector.shape_cast %parallel_loop3A_272 : vector<1x16xf32> to vector<16xf32>
      %parallel_loop3A_274 = vector.shape_cast %parallel_loop3A_269 : vector<16xf32> to vector<1x16xf32>
      tpu.vector_store %arg7[%parallel_loop3A_270, %parallel_loop3A_271], %parallel_loop3A_274 {strides = array<i32>} : memref<800x64xf32, #tpu.memory_space<vmem>>, vector<1x16xf32>,
      %parallel_loop3A_275 = arith.index_cast %parallel_loop3A_244 : i32 to index
      %parallel_loop3A_276 = arith.constant 48 : index
      %parallel_loop3A_277 = tpu.vector_load %arg7[%parallel_loop3A_275, %parallel_loop3A_276] {strides = array<i32>} : memref<800x64xf32, #tpu.memory_space<vmem>>, vector<1x16xf32>,
      %parallel_loop3A_278 = vector.shape_cast %parallel_loop3A_277 : vector<1x16xf32> to vector<16xf32>
      %parallel_loop3A_279 = arith.addf %parallel_loop3A_278, %parallel_loop3A_200 : vector<16xf32>
      %parallel_loop3A_280 = arith.index_cast %parallel_loop3A_244 : i32 to index
      %parallel_loop3A_281 = arith.constant 48 : index
      %parallel_loop3A_282 = tpu.vector_load %arg7[%parallel_loop3A_280, %parallel_loop3A_281] {strides = array<i32>} : memref<800x64xf32, #tpu.memory_space<vmem>>, vector<1x16xf32>,
      %parallel_loop3A_283 = vector.shape_cast %parallel_loop3A_282 : vector<1x16xf32> to vector<16xf32>
      %parallel_loop3A_284 = vector.shape_cast %parallel_loop3A_279 : vector<16xf32> to vector<1x16xf32>
      tpu.vector_store %arg7[%parallel_loop3A_280, %parallel_loop3A_281], %parallel_loop3A_284 {strides = array<i32>} : memref<800x64xf32, #tpu.memory_space<vmem>>, vector<1x16xf32>,
      %parallel_loop3A_285 = arith.constant 400 : i32
      %parallel_loop3A_286 = arith.addi %parallel_loop3A_285, %parallel_loop3A_184 : i32
      %parallel_loop3A_287 = arith.index_cast %parallel_loop3A_286 : i32 to index
      %parallel_loop3A_288 = arith.constant 0 : index
      %parallel_loop3A_289 = tpu.vector_load %arg7[%parallel_loop3A_287, %parallel_loop3A_288] {strides = array<i32>} : memref<800x64xf32, #tpu.memory_space<vmem>>, vector<1x16xf32>,
      %parallel_loop3A_290 = vector.shape_cast %parallel_loop3A_289 : vector<1x16xf32> to vector<16xf32>
      %parallel_loop3A_291 = arith.addf %parallel_loop3A_290, %parallel_loop3A_188 : vector<16xf32>
      %parallel_loop3A_292 = arith.index_cast %parallel_loop3A_286 : i32 to index
      %parallel_loop3A_293 = arith.constant 0 : index
      %parallel_loop3A_294 = tpu.vector_load %arg7[%parallel_loop3A_292, %parallel_loop3A_293] {strides = array<i32>} : memref<800x64xf32, #tpu.memory_space<vmem>>, vector<1x16xf32>,
      %parallel_loop3A_295 = vector.shape_cast %parallel_loop3A_294 : vector<1x16xf32> to vector<16xf32>
      %parallel_loop3A_296 = vector.shape_cast %parallel_loop3A_291 : vector<16xf32> to vector<1x16xf32>
      tpu.vector_store %arg7[%parallel_loop3A_292, %parallel_loop3A_293], %parallel_loop3A_296 {strides = array<i32>} : memref<800x64xf32, #tpu.memory_space<vmem>>, vector<1x16xf32>,
      %parallel_loop3A_297 = arith.index_cast %parallel_loop3A_286 : i32 to index
      %parallel_loop3A_298 = arith.constant 16 : index
      %parallel_loop3A_299 = tpu.vector_load %arg7[%parallel_loop3A_297, %parallel_loop3A_298] {strides = array<i32>} : memref<800x64xf32, #tpu.memory_space<vmem>>, vector<1x16xf32>,
      %parallel_loop3A_300 = vector.shape_cast %parallel_loop3A_299 : vector<1x16xf32> to vector<16xf32>
      %parallel_loop3A_301 = arith.addf %parallel_loop3A_300, %parallel_loop3A_192 : vector<16xf32>
      %parallel_loop3A_302 = arith.index_cast %parallel_loop3A_286 : i32 to index
      %parallel_loop3A_303 = arith.constant 16 : index
      %parallel_loop3A_304 = tpu.vector_load %arg7[%parallel_loop3A_302, %parallel_loop3A_303] {strides = array<i32>} : memref<800x64xf32, #tpu.memory_space<vmem>>, vector<1x16xf32>,
      %parallel_loop3A_305 = vector.shape_cast %parallel_loop3A_304 : vector<1x16xf32> to vector<16xf32>
      %parallel_loop3A_306 = vector.shape_cast %parallel_loop3A_301 : vector<16xf32> to vector<1x16xf32>
      tpu.vector_store %arg7[%parallel_loop3A_302, %parallel_loop3A_303], %parallel_loop3A_306 {strides = array<i32>} : memref<800x64xf32, #tpu.memory_space<vmem>>, vector<1x16xf32>,
      %parallel_loop3A_307 = arith.index_cast %parallel_loop3A_286 : i32 to index
      %parallel_loop3A_308 = arith.constant 32 : index
      %parallel_loop3A_309 = tpu.vector_load %arg7[%parallel_loop3A_307, %parallel_loop3A_308] {strides = array<i32>} : memref<800x64xf32, #tpu.memory_space<vmem>>, vector<1x16xf32>,
      %parallel_loop3A_310 = vector.shape_cast %parallel_loop3A_309 : vector<1x16xf32> to vector<16xf32>
      %parallel_loop3A_311 = arith.addf %parallel_loop3A_310, %parallel_loop3A_196 : vector<16xf32>
      %parallel_loop3A_312 = arith.index_cast %parallel_loop3A_286 : i32 to index
      %parallel_loop3A_313 = arith.constant 32 : index
      %parallel_loop3A_314 = tpu.vector_load %arg7[%parallel_loop3A_312, %parallel_loop3A_313] {strides = array<i32>} : memref<800x64xf32, #tpu.memory_space<vmem>>, vector<1x16xf32>,
      %parallel_loop3A_315 = vector.shape_cast %parallel_loop3A_314 : vector<1x16xf32> to vector<16xf32>
      %parallel_loop3A_316 = vector.shape_cast %parallel_loop3A_311 : vector<16xf32> to vector<1x16xf32>
      tpu.vector_store %arg7[%parallel_loop3A_312, %parallel_loop3A_313], %parallel_loop3A_316 {strides = array<i32>} : memref<800x64xf32, #tpu.memory_space<vmem>>, vector<1x16xf32>,
      %parallel_loop3A_317 = arith.index_cast %parallel_loop3A_286 : i32 to index
      %parallel_loop3A_318 = arith.constant 48 : index
      %parallel_loop3A_319 = tpu.vector_load %arg7[%parallel_loop3A_317, %parallel_loop3A_318] {strides = array<i32>} : memref<800x64xf32, #tpu.memory_space<vmem>>, vector<1x16xf32>,
      %parallel_loop3A_320 = vector.shape_cast %parallel_loop3A_319 : vector<1x16xf32> to vector<16xf32>
      %parallel_loop3A_321 = arith.addf %parallel_loop3A_320, %parallel_loop3A_200 : vector<16xf32>
      %parallel_loop3A_322 = arith.index_cast %parallel_loop3A_286 : i32 to index
      %parallel_loop3A_323 = arith.constant 48 : index
      %parallel_loop3A_324 = tpu.vector_load %arg7[%parallel_loop3A_322, %parallel_loop3A_323] {strides = array<i32>} : memref<800x64xf32, #tpu.memory_space<vmem>>, vector<1x16xf32>,
      %parallel_loop3A_325 = vector.shape_cast %parallel_loop3A_324 : vector<1x16xf32> to vector<16xf32>
      %parallel_loop3A_326 = vector.shape_cast %parallel_loop3A_321 : vector<16xf32> to vector<1x16xf32>
      tpu.vector_store %arg7[%parallel_loop3A_322, %parallel_loop3A_323], %parallel_loop3A_326 {strides = array<i32>} : memref<800x64xf32, #tpu.memory_space<vmem>>, vector<1x16xf32>,
      %parallel_loop3A_327 = arith.constant 600 : i32
      %parallel_loop3A_328 = arith.addi %parallel_loop3A_327, %parallel_loop3A_184 : i32
      %parallel_loop3A_329 = arith.index_cast %parallel_loop3A_328 : i32 to index
      %parallel_loop3A_330 = arith.constant 0 : index
      %parallel_loop3A_331 = tpu.vector_load %arg7[%parallel_loop3A_329, %parallel_loop3A_330] {strides = array<i32>} : memref<800x64xf32, #tpu.memory_space<vmem>>, vector<1x16xf32>,
      %parallel_loop3A_332 = vector.shape_cast %parallel_loop3A_331 : vector<1x16xf32> to vector<16xf32>
      %parallel_loop3A_333 = arith.addf %parallel_loop3A_332, %parallel_loop3A_188 : vector<16xf32>
      %parallel_loop3A_334 = arith.index_cast %parallel_loop3A_328 : i32 to index
      %parallel_loop3A_335 = arith.constant 0 : index
      %parallel_loop3A_336 = tpu.vector_load %arg7[%parallel_loop3A_334, %parallel_loop3A_335] {strides = array<i32>} : memref<800x64xf32, #tpu.memory_space<vmem>>, vector<1x16xf32>,
      %parallel_loop3A_337 = vector.shape_cast %parallel_loop3A_336 : vector<1x16xf32> to vector<16xf32>
      %parallel_loop3A_338 = vector.shape_cast %parallel_loop3A_333 : vector<16xf32> to vector<1x16xf32>
      tpu.vector_store %arg7[%parallel_loop3A_334, %parallel_loop3A_335], %parallel_loop3A_338 {strides = array<i32>} : memref<800x64xf32, #tpu.memory_space<vmem>>, vector<1x16xf32>,
      %parallel_loop3A_339 = arith.index_cast %parallel_loop3A_328 : i32 to index
      %parallel_loop3A_340 = arith.constant 16 : index
      %parallel_loop3A_341 = tpu.vector_load %arg7[%parallel_loop3A_339, %parallel_loop3A_340] {strides = array<i32>} : memref<800x64xf32, #tpu.memory_space<vmem>>, vector<1x16xf32>,
      %parallel_loop3A_342 = vector.shape_cast %parallel_loop3A_341 : vector<1x16xf32> to vector<16xf32>
      %parallel_loop3A_343 = arith.addf %parallel_loop3A_342, %parallel_loop3A_192 : vector<16xf32>
      %parallel_loop3A_344 = arith.index_cast %parallel_loop3A_328 : i32 to index
      %parallel_loop3A_345 = arith.constant 16 : index
      %parallel_loop3A_346 = tpu.vector_load %arg7[%parallel_loop3A_344, %parallel_loop3A_345] {strides = array<i32>} : memref<800x64xf32, #tpu.memory_space<vmem>>, vector<1x16xf32>,
      %parallel_loop3A_347 = vector.shape_cast %parallel_loop3A_346 : vector<1x16xf32> to vector<16xf32>
      %parallel_loop3A_348 = vector.shape_cast %parallel_loop3A_343 : vector<16xf32> to vector<1x16xf32>
      tpu.vector_store %arg7[%parallel_loop3A_344, %parallel_loop3A_345], %parallel_loop3A_348 {strides = array<i32>} : memref<800x64xf32, #tpu.memory_space<vmem>>, vector<1x16xf32>,
      %parallel_loop3A_349 = arith.index_cast %parallel_loop3A_328 : i32 to index
      %parallel_loop3A_350 = arith.constant 32 : index
      %parallel_loop3A_351 = tpu.vector_load %arg7[%parallel_loop3A_349, %parallel_loop3A_350] {strides = array<i32>} : memref<800x64xf32, #tpu.memory_space<vmem>>, vector<1x16xf32>,
      %parallel_loop3A_352 = vector.shape_cast %parallel_loop3A_351 : vector<1x16xf32> to vector<16xf32>
      %parallel_loop3A_353 = arith.addf %parallel_loop3A_352, %parallel_loop3A_196 : vector<16xf32>
      %parallel_loop3A_354 = arith.index_cast %parallel_loop3A_328 : i32 to index
      %parallel_loop3A_355 = arith.constant 32 : index
      %parallel_loop3A_356 = tpu.vector_load %arg7[%parallel_loop3A_354, %parallel_loop3A_355] {strides = array<i32>} : memref<800x64xf32, #tpu.memory_space<vmem>>, vector<1x16xf32>,
      %parallel_loop3A_357 = vector.shape_cast %parallel_loop3A_356 : vector<1x16xf32> to vector<16xf32>
      %parallel_loop3A_358 = vector.shape_cast %parallel_loop3A_353 : vector<16xf32> to vector<1x16xf32>
      tpu.vector_store %arg7[%parallel_loop3A_354, %parallel_loop3A_355], %parallel_loop3A_358 {strides = array<i32>} : memref<800x64xf32, #tpu.memory_space<vmem>>, vector<1x16xf32>,
      %parallel_loop3A_359 = arith.index_cast %parallel_loop3A_328 : i32 to index
      %parallel_loop3A_360 = arith.constant 48 : index
      %parallel_loop3A_361 = tpu.vector_load %arg7[%parallel_loop3A_359, %parallel_loop3A_360] {strides = array<i32>} : memref<800x64xf32, #tpu.memory_space<vmem>>, vector<1x16xf32>,
      %parallel_loop3A_362 = vector.shape_cast %parallel_loop3A_361 : vector<1x16xf32> to vector<16xf32>
      %parallel_loop3A_363 = arith.addf %parallel_loop3A_362, %parallel_loop3A_200 : vector<16xf32>
      %parallel_loop3A_364 = arith.index_cast %parallel_loop3A_328 : i32 to index
      %parallel_loop3A_365 = arith.constant 48 : index
      %parallel_loop3A_366 = tpu.vector_load %arg7[%parallel_loop3A_364, %parallel_loop3A_365] {strides = array<i32>} : memref<800x64xf32, #tpu.memory_space<vmem>>, vector<1x16xf32>,
      %parallel_loop3A_367 = vector.shape_cast %parallel_loop3A_366 : vector<1x16xf32> to vector<16xf32>
      %parallel_loop3A_368 = vector.shape_cast %parallel_loop3A_363 : vector<16xf32> to vector<1x16xf32>
      tpu.vector_store %arg7[%parallel_loop3A_364, %parallel_loop3A_365], %parallel_loop3A_368 {strides = array<i32>} : memref<800x64xf32, #tpu.memory_space<vmem>>, vector<1x16xf32>,
    } {sc.loop_unroll_factor = 1 : i64, sc.parallel_access}
    %add3A_156 = arith.constant 4800 : i32
    %add3A_157 = arith.addi %mul3A_2, %add3A_156 : i32
    %dma_start3A_158 = arith.constant 0 : i32
    %dma_start3A_159 = tpu.memref_slice %arg5[%add3A_157, %dma_start3A_158] : memref<204800x64xf32, #tpu.memory_space<hbm>> -> memref<800x64xf32, #tpu.memory_space<hbm>>
    %dma_start3A_160 = arith.constant 0 : i32
    %dma_start3A_161 = tpu.memref_slice %arg5[%add3A_157, %dma_start3A_160] : memref<204800x64xf32, #tpu.memory_space<hbm>> -> memref<800x64xf32, #tpu.memory_space<hbm>>
    tpu.enqueue_dma source(%arg7 : memref<800x64xf32, #tpu.memory_space<vmem>>) target(%dma_start3A_161 : memref<800x64xf32, #tpu.memory_space<hbm>>) target_semaphore(%arg11 : memref<!tpu.dma_semaphore, #tpu.memory_space<semaphore_mem>>)
    %dma_wait3A_162 = arith.constant 5600 : i32
    %dma_wait3A_163 = tpu.memref_slice %arg6[%dma_wait3A_162] : memref<6400xi32, #tpu.memory_space<vmem>> -> memref<800xi32, #tpu.memory_space<vmem>>
    %dma_wait3A_164 = arith.constant 0 : i32
    %dma_wait3A_165 = arith.constant 0 : i32
    %dma_wait3A_166 = tpu.memref_slice %arg3[%dma_wait3A_164, %dma_wait3A_165] : memref<1000000x64xf32, #tpu.memory_space<hbm>> -> memref<1000000x64xf32, #tpu.memory_space<hbm>>
    tpu.wait_indirect_dma semaphore(%arg10 : memref<!tpu.dma_semaphore, #tpu.memory_space<semaphore_mem>>) src(%dma_wait3A_166 : memref<1000000x64xf32, #tpu.memory_space<hbm>>) dst(%arg8 : memref<800x64xf32, #tpu.memory_space<vmem>>)
    %parallel_loop3A_167 = arith.constant 0 : i32
    %parallel_loop3A_168 = arith.constant 200 : i32
    %parallel_loop3A_169 = arith.constant 1 : i32
    scf.for %parallel_loop3A_184 = %parallel_loop3A_167 to %parallel_loop3A_168 step %parallel_loop3A_169  : i32 {
      %parallel_loop3A_185 = arith.index_cast %parallel_loop3A_184 : i32 to index
      %parallel_loop3A_186 = arith.constant 0 : index
      %parallel_loop3A_187 = tpu.vector_load %arg9[%parallel_loop3A_185, %parallel_loop3A_186] {strides = array<i32>} : memref<200x64xf32, #tpu.memory_space<vmem>>, vector<1x16xf32>,
      %parallel_loop3A_188 = vector.shape_cast %parallel_loop3A_187 : vector<1x16xf32> to vector<16xf32>
      %parallel_loop3A_189 = arith.index_cast %parallel_loop3A_184 : i32 to index
      %parallel_loop3A_190 = arith.constant 16 : index
      %parallel_loop3A_191 = tpu.vector_load %arg9[%parallel_loop3A_189, %parallel_loop3A_190] {strides = array<i32>} : memref<200x64xf32, #tpu.memory_space<vmem>>, vector<1x16xf32>,
      %parallel_loop3A_192 = vector.shape_cast %parallel_loop3A_191 : vector<1x16xf32> to vector<16xf32>
      %parallel_loop3A_193 = arith.index_cast %parallel_loop3A_184 : i32 to index
      %parallel_loop3A_194 = arith.constant 32 : index
      %parallel_loop3A_195 = tpu.vector_load %arg9[%parallel_loop3A_193, %parallel_loop3A_194] {strides = array<i32>} : memref<200x64xf32, #tpu.memory_space<vmem>>, vector<1x16xf32>,
      %parallel_loop3A_196 = vector.shape_cast %parallel_loop3A_195 : vector<1x16xf32> to vector<16xf32>
      %parallel_loop3A_197 = arith.index_cast %parallel_loop3A_184 : i32 to index
      %parallel_loop3A_198 = arith.constant 48 : index
      %parallel_loop3A_199 = tpu.vector_load %arg9[%parallel_loop3A_197, %parallel_loop3A_198] {strides = array<i32>} : memref<200x64xf32, #tpu.memory_space<vmem>>, vector<1x16xf32>,
      %parallel_loop3A_200 = vector.shape_cast %parallel_loop3A_199 : vector<1x16xf32> to vector<16xf32>
      %parallel_loop3A_201 = arith.constant 0 : i32
      %parallel_loop3A_202 = arith.addi %parallel_loop3A_201, %parallel_loop3A_184 : i32
      %parallel_loop3A_203 = arith.index_cast %parallel_loop3A_202 : i32 to index
      %parallel_loop3A_204 = arith.constant 0 : index
      %parallel_loop3A_205 = tpu.vector_load %arg8[%parallel_loop3A_203, %parallel_loop3A_204] {strides = array<i32>} : memref<800x64xf32, #tpu.memory_space<vmem>>, vector<1x16xf32>,
      %parallel_loop3A_206 = vector.shape_cast %parallel_loop3A_205 : vector<1x16xf32> to vector<16xf32>
      %parallel_loop3A_207 = arith.addf %parallel_loop3A_206, %parallel_loop3A_188 : vector<16xf32>
      %parallel_loop3A_208 = arith.index_cast %parallel_loop3A_202 : i32 to index
      %parallel_loop3A_209 = arith.constant 0 : index
      %parallel_loop3A_210 = tpu.vector_load %arg8[%parallel_loop3A_208, %parallel_loop3A_209] {strides = array<i32>} : memref<800x64xf32, #tpu.memory_space<vmem>>, vector<1x16xf32>,
      %parallel_loop3A_211 = vector.shape_cast %parallel_loop3A_210 : vector<1x16xf32> to vector<16xf32>
      %parallel_loop3A_212 = vector.shape_cast %parallel_loop3A_207 : vector<16xf32> to vector<1x16xf32>
      tpu.vector_store %arg8[%parallel_loop3A_208, %parallel_loop3A_209], %parallel_loop3A_212 {strides = array<i32>} : memref<800x64xf32, #tpu.memory_space<vmem>>, vector<1x16xf32>,
      %parallel_loop3A_213 = arith.index_cast %parallel_loop3A_202 : i32 to index
      %parallel_loop3A_214 = arith.constant 16 : index
      %parallel_loop3A_215 = tpu.vector_load %arg8[%parallel_loop3A_213, %parallel_loop3A_214] {strides = array<i32>} : memref<800x64xf32, #tpu.memory_space<vmem>>, vector<1x16xf32>,
      %parallel_loop3A_216 = vector.shape_cast %parallel_loop3A_215 : vector<1x16xf32> to vector<16xf32>
      %parallel_loop3A_217 = arith.addf %parallel_loop3A_216, %parallel_loop3A_192 : vector<16xf32>
      %parallel_loop3A_218 = arith.index_cast %parallel_loop3A_202 : i32 to index
      %parallel_loop3A_219 = arith.constant 16 : index
      %parallel_loop3A_220 = tpu.vector_load %arg8[%parallel_loop3A_218, %parallel_loop3A_219] {strides = array<i32>} : memref<800x64xf32, #tpu.memory_space<vmem>>, vector<1x16xf32>,
      %parallel_loop3A_221 = vector.shape_cast %parallel_loop3A_220 : vector<1x16xf32> to vector<16xf32>
      %parallel_loop3A_222 = vector.shape_cast %parallel_loop3A_217 : vector<16xf32> to vector<1x16xf32>
      tpu.vector_store %arg8[%parallel_loop3A_218, %parallel_loop3A_219], %parallel_loop3A_222 {strides = array<i32>} : memref<800x64xf32, #tpu.memory_space<vmem>>, vector<1x16xf32>,
      %parallel_loop3A_223 = arith.index_cast %parallel_loop3A_202 : i32 to index
      %parallel_loop3A_224 = arith.constant 32 : index
      %parallel_loop3A_225 = tpu.vector_load %arg8[%parallel_loop3A_223, %parallel_loop3A_224] {strides = array<i32>} : memref<800x64xf32, #tpu.memory_space<vmem>>, vector<1x16xf32>,
      %parallel_loop3A_226 = vector.shape_cast %parallel_loop3A_225 : vector<1x16xf32> to vector<16xf32>
      %parallel_loop3A_227 = arith.addf %parallel_loop3A_226, %parallel_loop3A_196 : vector<16xf32>
      %parallel_loop3A_228 = arith.index_cast %parallel_loop3A_202 : i32 to index
      %parallel_loop3A_229 = arith.constant 32 : index
      %parallel_loop3A_230 = tpu.vector_load %arg8[%parallel_loop3A_228, %parallel_loop3A_229] {strides = array<i32>} : memref<800x64xf32, #tpu.memory_space<vmem>>, vector<1x16xf32>,
      %parallel_loop3A_231 = vector.shape_cast %parallel_loop3A_230 : vector<1x16xf32> to vector<16xf32>
      %parallel_loop3A_232 = vector.shape_cast %parallel_loop3A_227 : vector<16xf32> to vector<1x16xf32>
      tpu.vector_store %arg8[%parallel_loop3A_228, %parallel_loop3A_229], %parallel_loop3A_232 {strides = array<i32>} : memref<800x64xf32, #tpu.memory_space<vmem>>, vector<1x16xf32>,
      %parallel_loop3A_233 = arith.index_cast %parallel_loop3A_202 : i32 to index
      %parallel_loop3A_234 = arith.constant 48 : index
      %parallel_loop3A_235 = tpu.vector_load %arg8[%parallel_loop3A_233, %parallel_loop3A_234] {strides = array<i32>} : memref<800x64xf32, #tpu.memory_space<vmem>>, vector<1x16xf32>,
      %parallel_loop3A_236 = vector.shape_cast %parallel_loop3A_235 : vector<1x16xf32> to vector<16xf32>
      %parallel_loop3A_237 = arith.addf %parallel_loop3A_236, %parallel_loop3A_200 : vector<16xf32>
      %parallel_loop3A_238 = arith.index_cast %parallel_loop3A_202 : i32 to index
      %parallel_loop3A_239 = arith.constant 48 : index
      %parallel_loop3A_240 = tpu.vector_load %arg8[%parallel_loop3A_238, %parallel_loop3A_239] {strides = array<i32>} : memref<800x64xf32, #tpu.memory_space<vmem>>, vector<1x16xf32>,
      %parallel_loop3A_241 = vector.shape_cast %parallel_loop3A_240 : vector<1x16xf32> to vector<16xf32>
      %parallel_loop3A_242 = vector.shape_cast %parallel_loop3A_237 : vector<16xf32> to vector<1x16xf32>
      tpu.vector_store %arg8[%parallel_loop3A_238, %parallel_loop3A_239], %parallel_loop3A_242 {strides = array<i32>} : memref<800x64xf32, #tpu.memory_space<vmem>>, vector<1x16xf32>,
      %parallel_loop3A_243 = arith.constant 200 : i32
      %parallel_loop3A_244 = arith.addi %parallel_loop3A_243, %parallel_loop3A_184 : i32
      %parallel_loop3A_245 = arith.index_cast %parallel_loop3A_244 : i32 to index
      %parallel_loop3A_246 = arith.constant 0 : index
      %parallel_loop3A_247 = tpu.vector_load %arg8[%parallel_loop3A_245, %parallel_loop3A_246] {strides = array<i32>} : memref<800x64xf32, #tpu.memory_space<vmem>>, vector<1x16xf32>,
      %parallel_loop3A_248 = vector.shape_cast %parallel_loop3A_247 : vector<1x16xf32> to vector<16xf32>
      %parallel_loop3A_249 = arith.addf %parallel_loop3A_248, %parallel_loop3A_188 : vector<16xf32>
      %parallel_loop3A_250 = arith.index_cast %parallel_loop3A_244 : i32 to index
      %parallel_loop3A_251 = arith.constant 0 : index
      %parallel_loop3A_252 = tpu.vector_load %arg8[%parallel_loop3A_250, %parallel_loop3A_251] {strides = array<i32>} : memref<800x64xf32, #tpu.memory_space<vmem>>, vector<1x16xf32>,
      %parallel_loop3A_253 = vector.shape_cast %parallel_loop3A_252 : vector<1x16xf32> to vector<16xf32>
      %parallel_loop3A_254 = vector.shape_cast %parallel_loop3A_249 : vector<16xf32> to vector<1x16xf32>
      tpu.vector_store %arg8[%parallel_loop3A_250, %parallel_loop3A_251], %parallel_loop3A_254 {strides = array<i32>} : memref<800x64xf32, #tpu.memory_space<vmem>>, vector<1x16xf32>,
      %parallel_loop3A_255 = arith.index_cast %parallel_loop3A_244 : i32 to index
      %parallel_loop3A_256 = arith.constant 16 : index
      %parallel_loop3A_257 = tpu.vector_load %arg8[%parallel_loop3A_255, %parallel_loop3A_256] {strides = array<i32>} : memref<800x64xf32, #tpu.memory_space<vmem>>, vector<1x16xf32>,
      %parallel_loop3A_258 = vector.shape_cast %parallel_loop3A_257 : vector<1x16xf32> to vector<16xf32>
      %parallel_loop3A_259 = arith.addf %parallel_loop3A_258, %parallel_loop3A_192 : vector<16xf32>
      %parallel_loop3A_260 = arith.index_cast %parallel_loop3A_244 : i32 to index
      %parallel_loop3A_261 = arith.constant 16 : index
      %parallel_loop3A_262 = tpu.vector_load %arg8[%parallel_loop3A_260, %parallel_loop3A_261] {strides = array<i32>} : memref<800x64xf32, #tpu.memory_space<vmem>>, vector<1x16xf32>,
      %parallel_loop3A_263 = vector.shape_cast %parallel_loop3A_262 : vector<1x16xf32> to vector<16xf32>
      %parallel_loop3A_264 = vector.shape_cast %parallel_loop3A_259 : vector<16xf32> to vector<1x16xf32>
      tpu.vector_store %arg8[%parallel_loop3A_260, %parallel_loop3A_261], %parallel_loop3A_264 {strides = array<i32>} : memref<800x64xf32, #tpu.memory_space<vmem>>, vector<1x16xf32>,
      %parallel_loop3A_265 = arith.index_cast %parallel_loop3A_244 : i32 to index
      %parallel_loop3A_266 = arith.constant 32 : index
      %parallel_loop3A_267 = tpu.vector_load %arg8[%parallel_loop3A_265, %parallel_loop3A_266] {strides = array<i32>} : memref<800x64xf32, #tpu.memory_space<vmem>>, vector<1x16xf32>,
      %parallel_loop3A_268 = vector.shape_cast %parallel_loop3A_267 : vector<1x16xf32> to vector<16xf32>
      %parallel_loop3A_269 = arith.addf %parallel_loop3A_268, %parallel_loop3A_196 : vector<16xf32>
      %parallel_loop3A_270 = arith.index_cast %parallel_loop3A_244 : i32 to index
      %parallel_loop3A_271 = arith.constant 32 : index
      %parallel_loop3A_272 = tpu.vector_load %arg8[%parallel_loop3A_270, %parallel_loop3A_271] {strides = array<i32>} : memref<800x64xf32, #tpu.memory_space<vmem>>, vector<1x16xf32>,
      %parallel_loop3A_273 = vector.shape_cast %parallel_loop3A_272 : vector<1x16xf32> to vector<16xf32>
      %parallel_loop3A_274 = vector.shape_cast %parallel_loop3A_269 : vector<16xf32> to vector<1x16xf32>
      tpu.vector_store %arg8[%parallel_loop3A_270, %parallel_loop3A_271], %parallel_loop3A_274 {strides = array<i32>} : memref<800x64xf32, #tpu.memory_space<vmem>>, vector<1x16xf32>,
      %parallel_loop3A_275 = arith.index_cast %parallel_loop3A_244 : i32 to index
      %parallel_loop3A_276 = arith.constant 48 : index
      %parallel_loop3A_277 = tpu.vector_load %arg8[%parallel_loop3A_275, %parallel_loop3A_276] {strides = array<i32>} : memref<800x64xf32, #tpu.memory_space<vmem>>, vector<1x16xf32>,
      %parallel_loop3A_278 = vector.shape_cast %parallel_loop3A_277 : vector<1x16xf32> to vector<16xf32>
      %parallel_loop3A_279 = arith.addf %parallel_loop3A_278, %parallel_loop3A_200 : vector<16xf32>
      %parallel_loop3A_280 = arith.index_cast %parallel_loop3A_244 : i32 to index
      %parallel_loop3A_281 = arith.constant 48 : index
      %parallel_loop3A_282 = tpu.vector_load %arg8[%parallel_loop3A_280, %parallel_loop3A_281] {strides = array<i32>} : memref<800x64xf32, #tpu.memory_space<vmem>>, vector<1x16xf32>,
      %parallel_loop3A_283 = vector.shape_cast %parallel_loop3A_282 : vector<1x16xf32> to vector<16xf32>
      %parallel_loop3A_284 = vector.shape_cast %parallel_loop3A_279 : vector<16xf32> to vector<1x16xf32>
      tpu.vector_store %arg8[%parallel_loop3A_280, %parallel_loop3A_281], %parallel_loop3A_284 {strides = array<i32>} : memref<800x64xf32, #tpu.memory_space<vmem>>, vector<1x16xf32>,
      %parallel_loop3A_285 = arith.constant 400 : i32
      %parallel_loop3A_286 = arith.addi %parallel_loop3A_285, %parallel_loop3A_184 : i32
      %parallel_loop3A_287 = arith.index_cast %parallel_loop3A_286 : i32 to index
      %parallel_loop3A_288 = arith.constant 0 : index
      %parallel_loop3A_289 = tpu.vector_load %arg8[%parallel_loop3A_287, %parallel_loop3A_288] {strides = array<i32>} : memref<800x64xf32, #tpu.memory_space<vmem>>, vector<1x16xf32>,
      %parallel_loop3A_290 = vector.shape_cast %parallel_loop3A_289 : vector<1x16xf32> to vector<16xf32>
      %parallel_loop3A_291 = arith.addf %parallel_loop3A_290, %parallel_loop3A_188 : vector<16xf32>
      %parallel_loop3A_292 = arith.index_cast %parallel_loop3A_286 : i32 to index
      %parallel_loop3A_293 = arith.constant 0 : index
      %parallel_loop3A_294 = tpu.vector_load %arg8[%parallel_loop3A_292, %parallel_loop3A_293] {strides = array<i32>} : memref<800x64xf32, #tpu.memory_space<vmem>>, vector<1x16xf32>,
      %parallel_loop3A_295 = vector.shape_cast %parallel_loop3A_294 : vector<1x16xf32> to vector<16xf32>
      %parallel_loop3A_296 = vector.shape_cast %parallel_loop3A_291 : vector<16xf32> to vector<1x16xf32>
      tpu.vector_store %arg8[%parallel_loop3A_292, %parallel_loop3A_293], %parallel_loop3A_296 {strides = array<i32>} : memref<800x64xf32, #tpu.memory_space<vmem>>, vector<1x16xf32>,
      %parallel_loop3A_297 = arith.index_cast %parallel_loop3A_286 : i32 to index
      %parallel_loop3A_298 = arith.constant 16 : index
      %parallel_loop3A_299 = tpu.vector_load %arg8[%parallel_loop3A_297, %parallel_loop3A_298] {strides = array<i32>} : memref<800x64xf32, #tpu.memory_space<vmem>>, vector<1x16xf32>,
      %parallel_loop3A_300 = vector.shape_cast %parallel_loop3A_299 : vector<1x16xf32> to vector<16xf32>
      %parallel_loop3A_301 = arith.addf %parallel_loop3A_300, %parallel_loop3A_192 : vector<16xf32>
      %parallel_loop3A_302 = arith.index_cast %parallel_loop3A_286 : i32 to index
      %parallel_loop3A_303 = arith.constant 16 : index
      %parallel_loop3A_304 = tpu.vector_load %arg8[%parallel_loop3A_302, %parallel_loop3A_303] {strides = array<i32>} : memref<800x64xf32, #tpu.memory_space<vmem>>, vector<1x16xf32>,
      %parallel_loop3A_305 = vector.shape_cast %parallel_loop3A_304 : vector<1x16xf32> to vector<16xf32>
      %parallel_loop3A_306 = vector.shape_cast %parallel_loop3A_301 : vector<16xf32> to vector<1x16xf32>
      tpu.vector_store %arg8[%parallel_loop3A_302, %parallel_loop3A_303], %parallel_loop3A_306 {strides = array<i32>} : memref<800x64xf32, #tpu.memory_space<vmem>>, vector<1x16xf32>,
      %parallel_loop3A_307 = arith.index_cast %parallel_loop3A_286 : i32 to index
      %parallel_loop3A_308 = arith.constant 32 : index
      %parallel_loop3A_309 = tpu.vector_load %arg8[%parallel_loop3A_307, %parallel_loop3A_308] {strides = array<i32>} : memref<800x64xf32, #tpu.memory_space<vmem>>, vector<1x16xf32>,
      %parallel_loop3A_310 = vector.shape_cast %parallel_loop3A_309 : vector<1x16xf32> to vector<16xf32>
      %parallel_loop3A_311 = arith.addf %parallel_loop3A_310, %parallel_loop3A_196 : vector<16xf32>
      %parallel_loop3A_312 = arith.index_cast %parallel_loop3A_286 : i32 to index
      %parallel_loop3A_313 = arith.constant 32 : index
      %parallel_loop3A_314 = tpu.vector_load %arg8[%parallel_loop3A_312, %parallel_loop3A_313] {strides = array<i32>} : memref<800x64xf32, #tpu.memory_space<vmem>>, vector<1x16xf32>,
      %parallel_loop3A_315 = vector.shape_cast %parallel_loop3A_314 : vector<1x16xf32> to vector<16xf32>
      %parallel_loop3A_316 = vector.shape_cast %parallel_loop3A_311 : vector<16xf32> to vector<1x16xf32>
      tpu.vector_store %arg8[%parallel_loop3A_312, %parallel_loop3A_313], %parallel_loop3A_316 {strides = array<i32>} : memref<800x64xf32, #tpu.memory_space<vmem>>, vector<1x16xf32>,
      %parallel_loop3A_317 = arith.index_cast %parallel_loop3A_286 : i32 to index
      %parallel_loop3A_318 = arith.constant 48 : index
      %parallel_loop3A_319 = tpu.vector_load %arg8[%parallel_loop3A_317, %parallel_loop3A_318] {strides = array<i32>} : memref<800x64xf32, #tpu.memory_space<vmem>>, vector<1x16xf32>,
      %parallel_loop3A_320 = vector.shape_cast %parallel_loop3A_319 : vector<1x16xf32> to vector<16xf32>
      %parallel_loop3A_321 = arith.addf %parallel_loop3A_320, %parallel_loop3A_200 : vector<16xf32>
      %parallel_loop3A_322 = arith.index_cast %parallel_loop3A_286 : i32 to index
      %parallel_loop3A_323 = arith.constant 48 : index
      %parallel_loop3A_324 = tpu.vector_load %arg8[%parallel_loop3A_322, %parallel_loop3A_323] {strides = array<i32>} : memref<800x64xf32, #tpu.memory_space<vmem>>, vector<1x16xf32>,
      %parallel_loop3A_325 = vector.shape_cast %parallel_loop3A_324 : vector<1x16xf32> to vector<16xf32>
      %parallel_loop3A_326 = vector.shape_cast %parallel_loop3A_321 : vector<16xf32> to vector<1x16xf32>
      tpu.vector_store %arg8[%parallel_loop3A_322, %parallel_loop3A_323], %parallel_loop3A_326 {strides = array<i32>} : memref<800x64xf32, #tpu.memory_space<vmem>>, vector<1x16xf32>,
      %parallel_loop3A_327 = arith.constant 600 : i32
      %parallel_loop3A_328 = arith.addi %parallel_loop3A_327, %parallel_loop3A_184 : i32
      %parallel_loop3A_329 = arith.index_cast %parallel_loop3A_328 : i32 to index
      %parallel_loop3A_330 = arith.constant 0 : index
      %parallel_loop3A_331 = tpu.vector_load %arg8[%parallel_loop3A_329, %parallel_loop3A_330] {strides = array<i32>} : memref<800x64xf32, #tpu.memory_space<vmem>>, vector<1x16xf32>,
      %parallel_loop3A_332 = vector.shape_cast %parallel_loop3A_331 : vector<1x16xf32> to vector<16xf32>
      %parallel_loop3A_333 = arith.addf %parallel_loop3A_332, %parallel_loop3A_188 : vector<16xf32>
      %parallel_loop3A_334 = arith.index_cast %parallel_loop3A_328 : i32 to index
      %parallel_loop3A_335 = arith.constant 0 : index
      %parallel_loop3A_336 = tpu.vector_load %arg8[%parallel_loop3A_334, %parallel_loop3A_335] {strides = array<i32>} : memref<800x64xf32, #tpu.memory_space<vmem>>, vector<1x16xf32>,
      %parallel_loop3A_337 = vector.shape_cast %parallel_loop3A_336 : vector<1x16xf32> to vector<16xf32>
      %parallel_loop3A_338 = vector.shape_cast %parallel_loop3A_333 : vector<16xf32> to vector<1x16xf32>
      tpu.vector_store %arg8[%parallel_loop3A_334, %parallel_loop3A_335], %parallel_loop3A_338 {strides = array<i32>} : memref<800x64xf32, #tpu.memory_space<vmem>>, vector<1x16xf32>,
      %parallel_loop3A_339 = arith.index_cast %parallel_loop3A_328 : i32 to index
      %parallel_loop3A_340 = arith.constant 16 : index
      %parallel_loop3A_341 = tpu.vector_load %arg8[%parallel_loop3A_339, %parallel_loop3A_340] {strides = array<i32>} : memref<800x64xf32, #tpu.memory_space<vmem>>, vector<1x16xf32>,
      %parallel_loop3A_342 = vector.shape_cast %parallel_loop3A_341 : vector<1x16xf32> to vector<16xf32>
      %parallel_loop3A_343 = arith.addf %parallel_loop3A_342, %parallel_loop3A_192 : vector<16xf32>
      %parallel_loop3A_344 = arith.index_cast %parallel_loop3A_328 : i32 to index
      %parallel_loop3A_345 = arith.constant 16 : index
      %parallel_loop3A_346 = tpu.vector_load %arg8[%parallel_loop3A_344, %parallel_loop3A_345] {strides = array<i32>} : memref<800x64xf32, #tpu.memory_space<vmem>>, vector<1x16xf32>,
      %parallel_loop3A_347 = vector.shape_cast %parallel_loop3A_346 : vector<1x16xf32> to vector<16xf32>
      %parallel_loop3A_348 = vector.shape_cast %parallel_loop3A_343 : vector<16xf32> to vector<1x16xf32>
      tpu.vector_store %arg8[%parallel_loop3A_344, %parallel_loop3A_345], %parallel_loop3A_348 {strides = array<i32>} : memref<800x64xf32, #tpu.memory_space<vmem>>, vector<1x16xf32>,
      %parallel_loop3A_349 = arith.index_cast %parallel_loop3A_328 : i32 to index
      %parallel_loop3A_350 = arith.constant 32 : index
      %parallel_loop3A_351 = tpu.vector_load %arg8[%parallel_loop3A_349, %parallel_loop3A_350] {strides = array<i32>} : memref<800x64xf32, #tpu.memory_space<vmem>>, vector<1x16xf32>,
      %parallel_loop3A_352 = vector.shape_cast %parallel_loop3A_351 : vector<1x16xf32> to vector<16xf32>
      %parallel_loop3A_353 = arith.addf %parallel_loop3A_352, %parallel_loop3A_196 : vector<16xf32>
      %parallel_loop3A_354 = arith.index_cast %parallel_loop3A_328 : i32 to index
      %parallel_loop3A_355 = arith.constant 32 : index
      %parallel_loop3A_356 = tpu.vector_load %arg8[%parallel_loop3A_354, %parallel_loop3A_355] {strides = array<i32>} : memref<800x64xf32, #tpu.memory_space<vmem>>, vector<1x16xf32>,
      %parallel_loop3A_357 = vector.shape_cast %parallel_loop3A_356 : vector<1x16xf32> to vector<16xf32>
      %parallel_loop3A_358 = vector.shape_cast %parallel_loop3A_353 : vector<16xf32> to vector<1x16xf32>
      tpu.vector_store %arg8[%parallel_loop3A_354, %parallel_loop3A_355], %parallel_loop3A_358 {strides = array<i32>} : memref<800x64xf32, #tpu.memory_space<vmem>>, vector<1x16xf32>,
      %parallel_loop3A_359 = arith.index_cast %parallel_loop3A_328 : i32 to index
      %parallel_loop3A_360 = arith.constant 48 : index
      %parallel_loop3A_361 = tpu.vector_load %arg8[%parallel_loop3A_359, %parallel_loop3A_360] {strides = array<i32>} : memref<800x64xf32, #tpu.memory_space<vmem>>, vector<1x16xf32>,
      %parallel_loop3A_362 = vector.shape_cast %parallel_loop3A_361 : vector<1x16xf32> to vector<16xf32>
      %parallel_loop3A_363 = arith.addf %parallel_loop3A_362, %parallel_loop3A_200 : vector<16xf32>
      %parallel_loop3A_364 = arith.index_cast %parallel_loop3A_328 : i32 to index
      %parallel_loop3A_365 = arith.constant 48 : index
      %parallel_loop3A_366 = tpu.vector_load %arg8[%parallel_loop3A_364, %parallel_loop3A_365] {strides = array<i32>} : memref<800x64xf32, #tpu.memory_space<vmem>>, vector<1x16xf32>,
      %parallel_loop3A_367 = vector.shape_cast %parallel_loop3A_366 : vector<1x16xf32> to vector<16xf32>
      %parallel_loop3A_368 = vector.shape_cast %parallel_loop3A_363 : vector<16xf32> to vector<1x16xf32>
      tpu.vector_store %arg8[%parallel_loop3A_364, %parallel_loop3A_365], %parallel_loop3A_368 {strides = array<i32>} : memref<800x64xf32, #tpu.memory_space<vmem>>, vector<1x16xf32>,
    } {sc.loop_unroll_factor = 1 : i64, sc.parallel_access}
    %add3A_170 = arith.constant 5600 : i32
    %add3A_171 = arith.addi %mul3A_2, %add3A_170 : i32
    %dma_start3A_172 = arith.constant 0 : i32
    %dma_start3A_173 = tpu.memref_slice %arg5[%add3A_171, %dma_start3A_172] : memref<204800x64xf32, #tpu.memory_space<hbm>> -> memref<800x64xf32, #tpu.memory_space<hbm>>
    %dma_start3A_174 = arith.constant 0 : i32
    %dma_start3A_175 = tpu.memref_slice %arg5[%add3A_171, %dma_start3A_174] : memref<204800x64xf32, #tpu.memory_space<hbm>> -> memref<800x64xf32, #tpu.memory_space<hbm>>
    tpu.enqueue_dma source(%arg8 : memref<800x64xf32, #tpu.memory_space<vmem>>) target(%dma_start3A_175 : memref<800x64xf32, #tpu.memory_space<hbm>>) target_semaphore(%arg11 : memref<!tpu.dma_semaphore, #tpu.memory_space<semaphore_mem>>)
    %dma_wait3A_176 = arith.constant 0 : i32
    %dma_wait3A_177 = tpu.memref_slice %arg5[%add3A_157, %dma_wait3A_176] : memref<204800x64xf32, #tpu.memory_space<hbm>> -> memref<800x64xf32, #tpu.memory_space<hbm>>
    %dma_wait3A_178 = arith.constant 0 : i32
    %dma_wait3A_179 = tpu.memref_slice %arg5[%add3A_157, %dma_wait3A_178] : memref<204800x64xf32, #tpu.memory_space<hbm>> -> memref<800x64xf32, #tpu.memory_space<hbm>>
    tpu.wait_dma2 semaphore(%arg11 : memref<!tpu.dma_semaphore, #tpu.memory_space<semaphore_mem>>) src(%arg7 : memref<800x64xf32, #tpu.memory_space<vmem>>) dst(%dma_wait3A_179 : memref<800x64xf32, #tpu.memory_space<hbm>>)
    %dma_wait3A_180 = arith.constant 0 : i32
    %dma_wait3A_181 = tpu.memref_slice %arg5[%add3A_171, %dma_wait3A_180] : memref<204800x64xf32, #tpu.memory_space<hbm>> -> memref<800x64xf32, #tpu.memory_space<hbm>>
    %dma_wait3A_182 = arith.constant 0 : i32
    %dma_wait3A_183 = tpu.memref_slice %arg5[%add3A_171, %dma_wait3A_182] : memref<204800x64xf32, #tpu.memory_space<hbm>> -> memref<800x64xf32, #tpu.memory_space<hbm>>
    tpu.wait_dma2 semaphore(%arg11 : memref<!tpu.dma_semaphore, #tpu.memory_space<semaphore_mem>>) src(%arg8 : memref<800x64xf32, #tpu.memory_space<vmem>>) dst(%dma_wait3A_183 : memref<800x64xf32, #tpu.memory_space<hbm>>)
    return
  }
}

</mosaic_0001>

<sc_bundles>
// kernel: kernel.3.cloned.1.call-start
scs
__scs_entry_jumppad:
0x0: {  	(pc) =	sbr.rel $0x88, $3  }
0x1: {  	(tag) =	ssettag $0x0;
	lr =	simm.s32 $0x1  }
0x2: {  	[smem:$0x3F9E] =	sst lr;
	_ =	strace $0xD0000000  }
0x3: {  	_ = 	snop  }
0x4: {  	_ = 	snop  }
0x5: {  	_ = 	snop  }
0x6: {  	_ = 	snop  }
0x7: {  	_ = 	snop  }
__scs_overlays_trampoline_lowered:
0x8: {  	[smem:$0x3FAD] =	sst s0  }
0x9: {  	[smem:$0x3FAE] =	sst s1  }
0xa: {  	[smem:$0x3FAF] =	sst s2  }
0xb: {  	[smem:$0x3FB0] =	sst s3  }
0xc: {  	[smem:$0x3FB1] =	sst s4  }
0xd: {  	[smem:$0x3FB2] =	sst s5  }
0xe: {  	[smem:$0x3FB3] =	sst s6  }
0xf: {  	[smem:$0x3FB4] =	sst s7  }
0x10: {  	[smem:$0x3FB5] =	sst s8  }
0x11: {  	[smem:$0x3FB6] =	sst s9;
	s0 =	simm.s32 @!p0 $0x0  }
0x12: {  	s1 =	sld [smem:$0x3F9C];
	s0 =	simm.s32 @p0 $0x1  }
0x13: {  	[smem:$0x3FB7] =	sst s0;
	s0 =	simm.s32 @!p1 $0x0  }
0x14: {  	s2 =	sld [smem:$0x3F9B];
	s0 =	simm.s32 @p1 $0x1  }
0x15: {  	[smem:$0x3FB8] =	sst s0;
	s0 =	simm.s32 @!p2 $0x0  }
0x16: {  	s3 =	sld [smem:$0x3FDB];
	s0 =	simm.s32 @p2 $0x1  }
0x17: {  	s4 =	simm.s32 $0x1BF5;
	[smem:$0x3FBA] =	sst s0  }
0x18: {  	s0 =	sld [smem:$0x3F9D];
	_ =	swait.ge [sflag:s4], $0x0  }
0x19: {  	s7 =	sld [smem:$0x3F9E]  }
0x1a: {  	s8 =	sadd.s32 $0xFFFFE003, lr  }
0x1b: {  	s9 =	sadd.s32 $0xFFFFFEF7, lr;
	s5 =	simm.s32 $0xFFFFFFFF;
	p2 =	slt.u32 s8, $0xFFFFF086  }
0x1c: {  	p1 =	slt.u32 s9, $0xF7A;
	s5 =	simm.s32 @!p2 $0x0  }
0x1d: {  	s5 =	simm.s32 @p1 $0x1;
	p0 =	seq.s32 s7, s2  }
0x1e: {  	s7 =	smul.u32 @!p0 $0xF7A, s2;
	p2 =	seq.s32 @!p0 s5, $0x0  }
0x1f: {  	s9 =	smul.u32 $0xF7A, s1;
	s8 =	simm.s32 @!p0 $0x1BF5;
	p2 =	por !p2, p0  }
0x20: {  	[sflag:s8] =	ssyncset.s32 @!p0 $0xFFFFF086;
	s6 =	sadd.s32 @!p0 s3, s7;
	s7 =	simm.s32 @!p0 $0x108  }
0x21: {  	s3 =	sadd.s32 s3, s9;
	s6 =	sadd.s32 @!p0 $0x88, s6;
	s7 =	simm.s32 @p2 $0x1082  }
0x22: {  	[simem:s7], [sflag:s8] =	dma.local @!p0 [hbm:s6], $0xF7A  }
0x23: {  	s9 =	sor.u32 $0xD0000000, s2;
	s6 =	simm.s32 $0x108;
	_ =	swait.ge @!p0 [sflag:s8], $0x0  }
0x24: {  	s3 =	sadd.s32 $0x88, s3;
	s6 =	simm.s32 @!p1 $0x1082;
	[sflag:s4] =	ssyncset.s32 $0xFFFFF086  }
0x25: {  	[simem:s6], [sflag:s4] =	dma.local [hbm:s3], $0xF7A  }
0x26: {  	[smem:$0x3F9E] =	sst s1;
	(tag) =	ssettag s2;
	_ =	strace s9  }
0x27: {  	s1 =	sld [smem:$0x3FAE]  }
0x28: {  	s2 =	sld [smem:$0x3FAF]  }
0x29: {  	s4 =	sld [smem:$0x3FB1]  }
0x2a: {  	p0 =	seq.s32 s5, $0x0;
	s5 =	sld [smem:$0x3FB2]  }
0x2b: {  	s6 =	sld [smem:$0x3FB3]  }
0x2c: {  	s7 =	sld [smem:$0x3FB4]  }
0x2d: {  	s3 =	simm.s32 $0x108;
	s8 =	sld [smem:$0x3FB5]  }
0x2e: {  	s3 =	simm.s32 @!p0 $0x1082;
	s9 =	sld [smem:$0x3FB6]  }
0x2f: {  	lr =	sadd.s32 s0, s3;
	s0 =	sld [smem:$0x3FAD]  }
0x30: {  	s3 =	sld [smem:$0x3FB0]  }
0x31: {  	[smem:$0x3FB9] =	sst s10  }
0x32: {  	s10 =	sld [smem:$0x3FB7];
	_ =	sdelay $0x3  }
0x33: {  	p0 =	seq.s32 s10, $0x1;
	s10 =	sld [smem:$0x3FB9];
	_ =	sdelay $0x3  }
0x34: {  	[smem:$0x3FB9] =	sst s10  }
0x35: {  	s10 =	sld [smem:$0x3FB8];
	_ =	sdelay $0x3  }
0x36: {  	p1 =	seq.s32 s10, $0x1;
	s10 =	sld [smem:$0x3FB9];
	_ =	sdelay $0x3  }
0x37: {  	[smem:$0x3FB9] =	sst s10  }
0x38: {  	s10 =	sld [smem:$0x3FBA]  }
0x39: {  	_ = 	snop;
	(pc) =	sbr.ind lr, $3  }
0x3a: {  	_ = 	snop  }
0x3b: {  	_ = 	snop  }
0x3c: {  	p2 =	seq.s32 s10, $0x1;
	s10 =	sld [smem:$0x3FB9]  }
0x3d: {  	_ =	shalt  }
0x3e: {  	_ =	shalt  }
0x3f: {  	_ =	shalt  }
0x40: {  	_ =	shalt  }
0x41: {  	_ =	shalt  }
0x42: {  	_ =	shalt  }
0x43: {  	_ =	shalt  }
0x44: {  	_ =	shalt  }
0x45: {  	_ =	shalt  }
0x46: {  	_ =	shalt  }
0x47: {  	_ =	shalt  }
0x48: {  	_ =	shalt  }
0x49: {  	_ =	shalt  }
0x4a: {  	_ =	shalt  }
0x4b: {  	_ =	shalt  }
0x4c: {  	_ =	shalt  }
0x4d: {  	_ =	shalt  }
0x4e: {  	_ =	shalt  }
0x4f: {  	_ =	shalt  }
0x50: {  	_ =	shalt  }
0x51: {  	_ =	shalt  }
0x52: {  	_ =	shalt  }
0x53: {  	_ =	shalt  }
0x54: {  	_ =	shalt  }
0x55: {  	_ =	shalt  }
0x56: {  	_ =	shalt  }
0x57: {  	_ =	shalt  }
0x58: {  	_ =	shalt  }
0x59: {  	_ =	shalt  }
0x5a: {  	_ =	shalt  }
0x5b: {  	_ =	shalt  }
0x5c: {  	_ =	shalt  }
0x5d: {  	_ =	shalt  }
0x5e: {  	_ =	shalt  }
0x5f: {  	_ =	shalt  }
0x60: {  	_ =	shalt  }
0x61: {  	_ =	shalt  }
0x62: {  	_ =	shalt  }
0x63: {  	_ =	shalt  }
0x64: {  	_ =	shalt  }
0x65: {  	_ =	shalt  }
0x66: {  	_ =	shalt  }
0x67: {  	_ =	shalt  }
0x68: {  	_ =	shalt  }
0x69: {  	_ =	shalt  }
0x6a: {  	_ =	shalt  }
0x6b: {  	_ =	shalt  }
0x6c: {  	_ =	shalt  }
0x6d: {  	_ =	shalt  }
0x6e: {  	_ =	shalt  }
0x6f: {  	_ =	shalt  }
0x70: {  	_ =	shalt  }
0x71: {  	_ =	shalt  }
0x72: {  	_ =	shalt  }
0x73: {  	_ =	shalt  }
0x74: {  	_ =	shalt  }
0x75: {  	_ =	shalt  }
0x76: {  	_ =	shalt  }
0x77: {  	_ =	shalt  }
0x78: {  	_ =	shalt  }
0x79: {  	_ =	shalt  }
0x7a: {  	_ =	shalt  }
0x7b: {  	_ =	shalt  }
0x7c: {  	_ =	shalt  }
0x7d: {  	_ =	shalt  }
0x7e: {  	_ =	shalt  }
0x7f: {  	_ =	shalt  }
0x80: {  	_ =	shalt  }
0x81: {  	_ =	shalt  }
0x82: {  	_ =	shalt  }
0x83: {  	_ =	shalt  }
0x84: {  	_ =	shalt  }
0x85: {  	_ =	shalt  }
0x86: {  	_ =	shalt  }
0x87: {  	_ =	shalt  }
.Lfunc_end0:
.L_simem_size_0:
called_computation.1_lowered:
.L_overlay_start_0:
0x88: {  	s2 =	sld [smem:$0x3FD9]  }
0x89: {  	s3 =	sld [smem:$0x3FFE];
	_ =	sdelay $0x1  }
0x8a: {  	s1 =	srdreg.scid  }
0x8b: {  	s0 =	sand.u32 $0x1, s1  }
0x8c: {  	s17 =	sshll.u32 s0, $0xA;
	s2 =	sadd.s32 s3, s2  }
0x8d: {  	s2 =	sadd.s32 s2, s17  }
0x8e: {  	[smem:$0x3FC5] =	sst s2  }
0x8f: {  	_ = 	snop  }
0x90: {  	s2 =	sld [smem:$0x3FD0];
	(tm) =	ssettm $0x1  }
0x91: {  	s18 =	sld [smem:$0x3FFB];
	_ =	sdelay $0x3  }
0x92: {  	_ =	strace s18  }
0x93: {  	s3 =	sld [smem:$0x3FFC];
	_ =	sdelay $0x3  }
0x94: {  	_ =	strace s3  }
0x95: {  	s3 =	sld [smem:$0x3FFD];
	_ =	sdelay $0x3  }
0x96: {  	_ =	strace s3  }
0x97: {  	_ =	strace $0x8FFFFFFF  }
0x98: {  	s19 =	sld [smem:$0x3FDB];
	_ =	sdelay $0x1  }
0x99: {  	s4 =	simm.s32 $_scs_section_size  }
0x9a: {  	s5 =	simm.s32 $_size__tile_overlayer_lowered;
	s6 =	simm.s32 $_tile_overlayer_lowered  }
0x9b: {  	s22 =	simm.s32 $0x1BFF;
	s21 =	sshll.u32 s6, $0x1;
	s3 =	sadd.s32 s4, s19  }
0x9c: {  	s7 =	simm.s32 $0x0;
	s20 =	sshll.u32 s5, $0x1;
	s5 =	sadd.s32 s21, s3  }
0x9d: {  	[timem:s7], [sflag:s22] =	dma.local [hbm:s5], s20  }
0x9e: {  	_ =	swait.ge [sflag:s22], s20  }
0x9f: {  	s4 =	ssub.s32 $0x0, s20;
	[sflag:s22] =	ssyncset.done $0x0  }
0xa0: {  	[sflag:s22] =	ssyncadd.s32 s4;
	_ =	sdelay $0x1  }
0xa1: {  	s23 =	simm.s32 $0x1B8B  }
0xa2: {  	_ =	swait.ge [sflag:s23], $0x1  }
0xa3: {  	[sflag:s23] =	ssyncset.done $0x0  }
0xa4: {  	s25 =	simm.s32 $0x1B8E;
	s24 =	sld [smem:$0x3FFE];
	[sflag:s23] =	ssyncadd.s32 $0xFFFFFFFF  }
0xa5: {  	s26 =	simm.s32 $execute0_lowered;
	[smem:$0x3FD2] =	sst s25  }
0xa6: {  	s5 =	sshll.u32 s26, $0x1;
	_ =	strace $0x80000046;
	[dreg:$0x1] =	wrdreg $0xFFFFFFFF  }
0xa7: {  	s28 =	simm.s32 $_size_execute0_lowered;
	s3 =	sadd.s32 s3, s5;
	[dreg:$0x0] =	wrdreg $0x0  }
0xa8: {  	s5 =	sshll.u32 s28, $0x1;
	[dreg:$0x2] =	wrdreg s3  }
0xa9: {  	[dreg:$0x3] =	wrdreg s5  }
0xaa: {  	[dreg:$0x4] =	wrdreg $0xC0  }
0xab: {  	_ =	task [dreg:s7], $0x5FFFF  }
0xac: {  	[dreg:$0x1] =	wrdreg $0xFFFFFFFF  }
0xad: {  	[dreg:$0x0] =	wrdreg $0x60  }
0xae: {  	[dreg:$0x2] =	wrdreg s24  }
0xaf: {  	[dreg:$0x3] =	wrdreg s2  }
0xb0: {  	[dreg:$0x4] =	wrdreg $0x9  }
0xb1: {  	_ =	task.clear_ibuf [dreg:s7], $0x5FFFF;
	_ =	strace $0x90000046  }
0xb2: {  	s29 =	simm.s32 $0x9;
	_ =	strace $0x80000048  }
0xb3: {  	_ =	swait.ge [sflag:s29], $0x1  }
0xb4: {  	[sflag:s29] =	ssyncadd.s32 $0xFFFFFFFF  }
0xb5: {  	_ =	strace $0x90000048  }
0xb6: {  	_ =	sfence  }
0xb7: {  	s30 =	sld [smem:$0x0];
	_ =	sdelay $0x2  }
0xb8: {  	s31 =	sshll.u32 s1, $0xD;
	s1 =	sshrl.u32 s1, $0x2  }
0xb9: {  	s3 =	sand.u32 $0x4000, s31;
	s1 =	sadd.s32 s1, s30  }
0xba: {  	s0 =	sor.u32 s3, s0;
	s1 =	sshll.u32 s1, $0x11  }
0xbb: {  	s0 =	sor.u32 s1, s0  }
0xbc: {  	s0 =	sadd.s32 $0x8F2B, s0  }
0xbd: {  	[sflag:s0] =	ssyncadd.remote.s32 $0x1  }
0xbe: {  	_ =	sfence.sel $0xFFFF  }
0xbf: {  	[dreg:$0x0] =	wrdreg $0xFFFFFFFF;
	(pc) =	sbr.abs _section_cstart, $3  }
0xc0: {  	[dreg:$0x1] =	wrdreg $0xFFFFFFFF  }
0xc1: {  	_ =	task.clear_ibuf [dreg:s7], $0x2FFFF;
	_ =	strace $0x9FFFFFFF  }
0xc2: {  	(tm) =	ssettm $0x7FFFFFFF  }
0xc3: {  	_ =	shalt  }
tec
execute0_lowered:
.L_overlay_start_1:
0x0: {  	(tag) =	ssettag $0x1  }
0x1: {  	s1 =	rddreg [dreg:$0x0]  }
0x2: {  	s2 =	srdreg.scid;
	s0 =	stileid.u32  }
0x3: {  	s6 =	rddreg [dreg:$0x1];
	s15 =	simm.s32 $0x1A900;
	s16 =	simm.s32 $0x3  }
0x4: {  	s17 =	simm.s32 $0x320;
	s18 =	simm.s32 $0x1900;
	s19 =	simm.s32 $0x1  }
0x5: {  	s20 =	simm.s32 $0xE100;
	s21 =	simm.s32 $0x2;
	s22 =	simm.s32 $0x640  }
0x6: {  	s23 =	simm.s32 $0x960;
	s24 =	simm.s32 $0xC80;
	s25 =	simm.s32 $0xFA0  }
0x7: {  	s26 =	simm.s32 $0x12C0;
	s4 =	sand.u32 $0x1, s2;
	s3 =	sshll.u32 s0, $0x1  }
0x8: {  	s28 =	simm.s32 $0x15E0;
	s2 =	simm.s32 $0x0;
	s5 =	sor.u32 s4, s3  }
0x9: {  	s29 =	simm.s32 $0x0;
	[smem:$0x7FF] =	sst s2;
	s3 =	smul.u32 $0x320, s5  }
0xa: {  	s9 =	ssub.s32 $0x2, s4;
	s4 =	sadd.s32 $0x7000, s1;
	s7 =	smul.u32 $0x64000, s5  }
0xb: {  	_ =	strace $0x80000047;
	s10 =	sshrl.u32 s9, $0x1;
	s11 =	smul.u32 $0xC800, s5  }
0xc: {  	s31 =	ssub.s32 s9, s10;
	s8 =	sadd.s32 s3, s1;
	s30 =	sshrl.u32 s7, $0x3  }
0xd: {  	s3 =	sadd.s32 $0xF43000, s1;
	s14 =	smax.u32 s31, $0x1;
	s13 =	sadd.s32 s6, s30  }
0xe: {  	s5 =	sadd.s32 $0xC00, s8;
	s6 =	sadd.s32 s6, s11;
	s7 =	sadd.s32 $0x1900, s13  }
0xf: {  	s8 =	sadd.s32 $0x3200, s13;
	s9 =	sadd.s32 $0x4B00, s13;
	s10 =	sadd.s32 $0x6400, s13  }
0x10: {  	s11 =	sadd.s32 $0x7D00, s13;
	s12 =	sadd.s32 $0x9600, s13;
	s13 =	sadd.s32 $0xAF00, s13  }
.LBB2_1:
0x11: {  	[tilespmem:s15], [sflag:$0x3] =	stream.linear.gather [hbm4b:s4+s2], $0x3200, $0x38;
	[tilespmem:$0x1DB00] =	vst v63  }
0x12: {  	_ =	swait.ge [sflag:s16], $0x3200  }
0x13: {  	[sflag:s16] =	ssyncset.done $0x0  }
0x14: {  	[sflag:s16] =	ssyncadd.s32 $0xFFFFCE00  }
0x15: {  	[tilespmem:s2], [sflag:$0x3] =	stream.linear.gather [hbm4b:s5+s2], $0x1900, $0x38;
	[tilespmem:$0x1DB00] =	vst v63  }
0x16: {  	_ =	swait.ge [sflag:s16], $0x1900  }
0x17: {  	[sflag:s16] =	ssyncset.done $0x0  }
0x18: {  	[sflag:s16] =	ssyncadd.s32 $0xFFFFE700  }
0x19: {  	[tilespmem:s18], [sflag:$0x1] =	stream.indirect.gather [hbm4b:s3+s17], $0x40, s2, s17, $0xb8;
	[tilespmem:$0x1DB00] =	vst v63  }
0x1a: {  	_ =	swait.ge [sflag:s19], $0xC800  }
0x1b: {  	[sflag:s19] =	ssyncset.done $0x0  }
0x1c: {  	s30 =	simm.s32 $0x0;
	[sflag:s19] =	ssyncadd.s32 $0xFFFF3800  }
0x1d: {  	[tilespmem:s20], [sflag:$0x1] =	stream.indirect.gather [hbm4b:s3+s17], $0x40, s17, s17, $0xb8;
	[tilespmem:$0x1DB00] =	vst v63  }
0x1e: {  	v3 =	vld [tilespmem:s30+$0x1A930]  }
0x1f: {  	v4 =	vld [tilespmem:s30+$0xAF30]  }
0x20: {  	v2 =	vld [tilespmem:s30+$0x1A900]  }
0x21: {  	v1 =	vld [tilespmem:s30+$0x1A910]  }
0x22: {  	v5 =	vld [tilespmem:s30+$0x1900]  }
0x23: {  	v0 =	vld [tilespmem:s30+$0x1A920]  }
0x24: {  	v6 =	vld [tilespmem:s30+$0x1910]  }
0x25: {  	v7 =	vld [tilespmem:s30+$0x1920]  }
0x26: {  	v8 =	vld [tilespmem:s30+$0x1930];
	v4 =	vadd.f32 v4, v3  }
0x27: {  	v9 =	vld [tilespmem:s30+$0x4B10];
	v5 =	vadd.f32 v5, v2  }
0x28: {  	[tilespmem:s30+$0xAF30] =	vst v4;
	v4 =	vld [tilespmem:s30+$0x4B00]  }
0x29: {  	v6 =	vadd.f32 v6, v1;
	[tilespmem:s30+$0x1900] =	vst v5;
	v5 =	vld [tilespmem:s30+$0x4B30]  }
0x2a: {  	v10 =	vld [tilespmem:s30+$0x4B20];
	v7 =	vadd.f32 v7, v0  }
0x2b: {  	v8 =	vadd.f32 v8, v3;
	[tilespmem:s30+$0x1910] =	vst v6;
	v6 =	vld [tilespmem:s30+$0x7D00]  }
0x2c: {  	v11 =	vld [tilespmem:s30+$0x7D10];
	[tilespmem:s30+$0x1920] =	vst v7;
	v7 =	vadd.f32 v9, v1  }
0x2d: {  	v12 =	vld [tilespmem:s30+$0x7D20];
	[tilespmem:s30+$0x1930] =	vst v8;
	v4 =	vadd.f32 v4, v2  }
0x2e: {  	v8 =	vld [tilespmem:s30+$0x7D30];
	[tilespmem:s30+$0x4B10] =	vst v7;
	v9 =	vadd.f32 v5, v3  }
0x2f: {  	v7 =	vld [tilespmem:s30+$0xAF00];
	[tilespmem:s30+$0x4B00] =	vst v4;
	v4 =	vadd.f32 v10, v0  }
0x30: {  	v5 =	vld [tilespmem:s30+$0xAF10];
	v10 =	vadd.f32 v6, v2;
	[tilespmem:s30+$0x4B30] =	vst v9  }
0x31: {  	s31 =	simm.s32 $0x40;
	v6 =	vld [tilespmem:s30+$0xAF20];
	v9 =	vadd.f32 v11, v1;
	[tilespmem:s30+$0x4B20] =	vst v4  }
0x32: {  	s1 =	simm.s32 $0x200;
	v4 =	vld [tilespmem:s31+$0x1A930];
	[tilespmem:s30+$0x7D00] =	vst v10;
	v10 =	vadd.f32 v12, v0  }
.LBB2_2:
0x33: {  	p0 =	sne.s32 s1, $0xC700;
	v11 =	vld [tilespmem:s31+$0xAF30];
	[tilespmem:s30+$0x7D10] =	vst v9;
	v3 =	vadd.f32 v8, v3  }
0x34: {  	[tilespmem:s30+$0x7D20] =	vst v10;
	v7 =	vadd.f32 v7, v2;
	v2 =	vld [tilespmem:s31+$0x1A900]  }
0x35: {  	[tilespmem:s30+$0x7D30] =	vst v3;
	v8 =	vadd.f32 v5, v1;
	v1 =	vld [tilespmem:s31+$0x1A910]  }
0x36: {  	[tilespmem:s30+$0xAF00] =	vst v7;
	v5 =	vadd.f32 v6, v0;
	v0 =	vld [tilespmem:s31+$0x1A920]  }
0x37: {  	v6 =	vld [tilespmem:s31+$0x1900];
	[tilespmem:s30+$0xAF10] =	vst v8;
	v3 =	vmov v4  }
0x38: {  	v4 =	vld [tilespmem:s31+$0x1910];
	v7 =	vadd.f32 v11, v3;
	[tilespmem:s30+$0xAF20] =	vst v5;
	s30 =	smov.u32 s31  }
0x39: {  	v5 =	vld [tilespmem:s30+$0x1920]  }
0x3a: {  	v8 =	vld [tilespmem:s30+$0x1930];
	[tilespmem:s30+$0xAF30] =	vst v7  }
0x3b: {  	v7 =	vld [tilespmem:s30+$0x4B00]  }
0x3c: {  	v6 =	vadd.f32 v6, v2;
	v9 =	vld [tilespmem:s30+$0x4B10]  }
0x3d: {  	v4 =	vadd.f32 v4, v1;
	v10 =	vld [tilespmem:s30+$0x4B20]  }
0x3e: {  	[tilespmem:s30+$0x1900] =	vst v6;
	v5 =	vadd.f32 v5, v0;
	v6 =	vld [tilespmem:s30+$0x4B30]  }
0x3f: {  	[tilespmem:s30+$0x1910] =	vst v4;
	v4 =	vadd.f32 v8, v3;
	v11 =	vld [tilespmem:s30+$0x7D00]  }
0x40: {  	[tilespmem:s30+$0x1920] =	vst v5;
	v5 =	vadd.f32 v7, v2;
	v12 =	vld [tilespmem:s30+$0x7D10]  }
0x41: {  	[tilespmem:s30+$0x1930] =	vst v4;
	v4 =	vadd.f32 v9, v1;
	v13 =	vld [tilespmem:s30+$0x7D20]  }
.Ltmp0:
0x42: {  	[tilespmem:s30+$0x4B00] =	vst v5;
	v5 =	vadd.f32 v10, v0;
	v8 =	vld [tilespmem:s30+$0x7D30];
	(pc) =	sbr.rel @p0 .LBB2_2-.Ltmp0, $4  }
0x43: {  	[tilespmem:s30+$0x4B10] =	vst v4;
	v4 =	vadd.f32 v6, v3;
	v7 =	vld [tilespmem:s30+$0xAF00]  }
0x44: {  	[tilespmem:s30+$0x4B20] =	vst v5;
	v10 =	vadd.f32 v11, v2;
	v5 =	vld [tilespmem:s30+$0xAF10]  }
0x45: {  	s31 =	sshra.s32 s1, $0x2;
	[tilespmem:s30+$0x4B30] =	vst v4;
	v9 =	vadd.f32 v12, v1;
	v6 =	vld [tilespmem:s30+$0xAF20]  }
0x46: {  	s1 =	sadd.s32 $0x100, s1;
	v4 =	vld [tilespmem:s31+$0x1A930];
	[tilespmem:s30+$0x7D00] =	vst v10;
	v10 =	vadd.f32 v13, v0  }
0x47: {  	v11 =	vld [tilespmem:s31+$0xAF30]  }
0x48: {  	v12 =	vld [tilespmem:s31+$0x1A900]  }
0x49: {  	v13 =	vld [tilespmem:s31+$0x1A910]  }
0x4a: {  	v14 =	vld [tilespmem:s31+$0x1A920]  }
0x4b: {  	v15 =	vld [tilespmem:s31+$0x1900];
	[tilespmem:s30+$0x7D10] =	vst v9;
	v3 =	vadd.f32 v8, v3  }
0x4c: {  	v16 =	vld [tilespmem:s31+$0x1910];
	[tilespmem:s30+$0x7D20] =	vst v10;
	v2 =	vadd.f32 v7, v2  }
0x4d: {  	v17 =	vld [tilespmem:s31+$0x1920];
	[tilespmem:s30+$0x7D30] =	vst v3;
	v1 =	vadd.f32 v5, v1  }
0x4e: {  	v18 =	vld [tilespmem:s31+$0x1930];
	[tilespmem:s30+$0xAF00] =	vst v2;
	v0 =	vadd.f32 v6, v0  }
0x4f: {  	v19 =	vld [tilespmem:s31+$0x4B10];
	[tilespmem:s30+$0xAF10] =	vst v1;
	v11 =	vadd.f32 v11, v4  }
0x50: {  	v20 =	vld [tilespmem:s31+$0x4B20];
	v15 =	vadd.f32 v15, v12;
	[tilespmem:s30+$0xAF20] =	vst v0  }
0x51: {  	v60 =	vld [tilespmem:s31+$0x4B30];
	v16 =	vadd.f32 v16, v13;
	[tilespmem:s31+$0xAF30] =	vst v11  }
0x52: {  	v61 =	vld [tilespmem:s31+$0x7D00];
	v17 =	vadd.f32 v17, v14;
	[tilespmem:s31+$0x1900] =	vst v15  }
0x53: {  	v9 =	vld [tilespmem:s31+$0x7D10];
	v62 =	vadd.f32 v18, v4;
	[tilespmem:s31+$0x1910] =	vst v16  }
0x54: {  	v8 =	vld [tilespmem:s31+$0x7D20];
	v10 =	vadd.f32 v19, v13;
	[tilespmem:s31+$0x1920] =	vst v17  }
0x55: {  	v3 =	vld [tilespmem:s31+$0x7D30];
	v7 =	vadd.f32 v20, v14;
	[tilespmem:s31+$0x1930] =	vst v62  }
0x56: {  	v2 =	vld [tilespmem:s31+$0xAF00];
	v5 =	vadd.f32 v60, v4;
	[tilespmem:s31+$0x4B10] =	vst v10  }
0x57: {  	v1 =	vld [tilespmem:s31+$0xAF10];
	v6 =	vadd.f32 v61, v12;
	[tilespmem:s31+$0x4B20] =	vst v7  }
0x58: {  	v0 =	vadd.f32 v9, v13;
	v11 =	vld [tilespmem:s31+$0x4B00];
	[tilespmem:s31+$0x4B30] =	vst v5  }
0x59: {  	v5 =	vld [tilespmem:s31+$0xAF20];
	[tilespmem:s31+$0x7D00] =	vst v6;
	v6 =	vadd.f32 v8, v14  }
0x5a: {  	[tilespmem:s31+$0x7D10] =	vst v0;
	v0 =	vadd.f32 v3, v4  }
0x5b: {  	v2 =	vadd.f32 v2, v12;
	[tilespmem:s31+$0x7D20] =	vst v6  }
0x5c: {  	[tilespmem:s31+$0x7D30] =	vst v0;
	v0 =	vadd.f32 v1, v13  }
0x5d: {  	[tilespmem:s31+$0xAF00] =	vst v2;
	v11 =	vadd.f32 v11, v12  }
0x5e: {  	[tilespmem:s31+$0xAF10] =	vst v0;
	v1 =	vadd.f32 v5, v14  }
0x5f: {  	[tilespmem:s31+$0x4B00] =	vst v11  }
0x60: {  	s1 =	simm.s32 $0x0;
	[tilespmem:s31+$0xAF20] =	vst v1  }
0x61: {  	[hbm4b:s6+s1] =	stream.linear.scatter [tilespmem:s18], [sflag:$0x2], $0xC800, $0x38;
	[tilespmem:$0x1DB00] =	vst v63  }
0x62: {  	_ =	swait.ge [sflag:s19], $0xC800  }
0x63: {  	[sflag:s19] =	ssyncset.done $0x0  }
0x64: {  	[sflag:s19] =	ssyncadd.s32 $0xFFFF3800  }
0x65: {  	_ =	swait.ge [sflag:s21], $0xC800  }
0x66: {  	[sflag:s21] =	ssyncset.done $0x0  }
0x67: {  	s30 =	simm.s32 $0x0;
	[sflag:s21] =	ssyncadd.s32 $0xFFFF3800  }
0x68: {  	[tilespmem:s18], [sflag:$0x1] =	stream.indirect.gather [hbm4b:s3+s17], $0x40, s22, s17, $0xb8;
	[tilespmem:$0x1DB00] =	vst v63  }
0x69: {  	v3 =	vld [tilespmem:s30+$0x1A930]  }
0x6a: {  	v4 =	vld [tilespmem:s30+$0x17730]  }
0x6b: {  	v2 =	vld [tilespmem:s30+$0x1A900]  }
0x6c: {  	v1 =	vld [tilespmem:s30+$0x1A910]  }
0x6d: {  	v5 =	vld [tilespmem:s30+$0xE100]  }
0x6e: {  	v0 =	vld [tilespmem:s30+$0x1A920]  }
0x6f: {  	v6 =	vld [tilespmem:s30+$0xE110]  }
0x70: {  	v7 =	vld [tilespmem:s30+$0xE120]  }
0x71: {  	v8 =	vld [tilespmem:s30+$0xE130];
	v4 =	vadd.f32 v4, v3  }
0x72: {  	v9 =	vld [tilespmem:s30+$0x11310];
	v5 =	vadd.f32 v5, v2  }
0x73: {  	[tilespmem:s30+$0x17730] =	vst v4;
	v4 =	vld [tilespmem:s30+$0x11300]  }
0x74: {  	v6 =	vadd.f32 v6, v1;
	[tilespmem:s30+$0xE100] =	vst v5;
	v5 =	vld [tilespmem:s30+$0x11330]  }
0x75: {  	v10 =	vld [tilespmem:s30+$0x11320];
	v7 =	vadd.f32 v7, v0  }
0x76: {  	v8 =	vadd.f32 v8, v3;
	[tilespmem:s30+$0xE110] =	vst v6;
	v6 =	vld [tilespmem:s30+$0x14500]  }
0x77: {  	v11 =	vld [tilespmem:s30+$0x14510];
	[tilespmem:s30+$0xE120] =	vst v7;
	v7 =	vadd.f32 v9, v1  }
0x78: {  	v63 =	vld [tilespmem:s30+$0x14520];
	[tilespmem:s30+$0xE130] =	vst v8;
	v4 =	vadd.f32 v4, v2  }
0x79: {  	v8 =	vld [tilespmem:s30+$0x14530];
	[tilespmem:s30+$0x11310] =	vst v7;
	v9 =	vadd.f32 v5, v3  }
0x7a: {  	v7 =	vld [tilespmem:s30+$0x17700];
	[tilespmem:s30+$0x11300] =	vst v4;
	v4 =	vadd.f32 v10, v0  }
0x7b: {  	v5 =	vld [tilespmem:s30+$0x17710];
	v10 =	vadd.f32 v6, v2;
	[tilespmem:s30+$0x11330] =	vst v9  }
0x7c: {  	s31 =	simm.s32 $0x40;
	v6 =	vld [tilespmem:s30+$0x17720];
	v9 =	vadd.f32 v11, v1;
	[tilespmem:s30+$0x11320] =	vst v4  }
0x7d: {  	s1 =	simm.s32 $0x200;
	v4 =	vld [tilespmem:s31+$0x1A930];
	[tilespmem:s30+$0x14500] =	vst v10;
	v10 =	vadd.f32 v63, v0  }
.LBB2_4:
0x7e: {  	p0 =	sne.s32 s1, $0xC700;
	v11 =	vld [tilespmem:s31+$0x17730];
	[tilespmem:s30+$0x14510] =	vst v9;
	v3 =	vadd.f32 v8, v3  }
0x7f: {  	[tilespmem:s30+$0x14520] =	vst v10;
	v7 =	vadd.f32 v7, v2;
	v2 =	vld [tilespmem:s31+$0x1A900]  }
0x80: {  	[tilespmem:s30+$0x14530] =	vst v3;
	v8 =	vadd.f32 v5, v1;
	v1 =	vld [tilespmem:s31+$0x1A910]  }
0x81: {  	[tilespmem:s30+$0x17700] =	vst v7;
	v5 =	vadd.f32 v6, v0;
	v0 =	vld [tilespmem:s31+$0x1A920]  }
0x82: {  	v6 =	vld [tilespmem:s31+$0xE100];
	[tilespmem:s30+$0x17710] =	vst v8;
	v3 =	vmov v4  }
0x83: {  	v4 =	vld [tilespmem:s31+$0xE110];
	v7 =	vadd.f32 v11, v3;
	[tilespmem:s30+$0x17720] =	vst v5;
	s30 =	smov.u32 s31  }
0x84: {  	v5 =	vld [tilespmem:s30+$0xE120]  }
0x85: {  	v8 =	vld [tilespmem:s30+$0xE130];
	[tilespmem:s30+$0x17730] =	vst v7  }
0x86: {  	v7 =	vld [tilespmem:s30+$0x11300]  }
0x87: {  	v6 =	vadd.f32 v6, v2;
	v9 =	vld [tilespmem:s30+$0x11310]  }
0x88: {  	v4 =	vadd.f32 v4, v1;
	v10 =	vld [tilespmem:s30+$0x11320]  }
0x89: {  	[tilespmem:s30+$0xE100] =	vst v6;
	v5 =	vadd.f32 v5, v0;
	v6 =	vld [tilespmem:s30+$0x11330]  }
0x8a: {  	[tilespmem:s30+$0xE110] =	vst v4;
	v4 =	vadd.f32 v8, v3;
	v11 =	vld [tilespmem:s30+$0x14500]  }
0x8b: {  	[tilespmem:s30+$0xE120] =	vst v5;
	v5 =	vadd.f32 v7, v2;
	v12 =	vld [tilespmem:s30+$0x14510]  }
0x8c: {  	[tilespmem:s30+$0xE130] =	vst v4;
	v4 =	vadd.f32 v9, v1;
	v13 =	vld [tilespmem:s30+$0x14520]  }
.Ltmp1:
0x8d: {  	[tilespmem:s30+$0x11300] =	vst v5;
	v5 =	vadd.f32 v10, v0;
	v8 =	vld [tilespmem:s30+$0x14530];
	(pc) =	sbr.rel @p0 .LBB2_4-.Ltmp1, $4  }
0x8e: {  	[tilespmem:s30+$0x11310] =	vst v4;
	v4 =	vadd.f32 v6, v3;
	v7 =	vld [tilespmem:s30+$0x17700]  }
0x8f: {  	[tilespmem:s30+$0x11320] =	vst v5;
	v10 =	vadd.f32 v11, v2;
	v5 =	vld [tilespmem:s30+$0x17710]  }
0x90: {  	s31 =	sshra.s32 s1, $0x2;
	[tilespmem:s30+$0x11330] =	vst v4;
	v9 =	vadd.f32 v12, v1;
	v6 =	vld [tilespmem:s30+$0x17720]  }
0x91: {  	s1 =	sadd.s32 $0x100, s1;
	v4 =	vld [tilespmem:s31+$0x1A930];
	[tilespmem:s30+$0x14500] =	vst v10;
	v10 =	vadd.f32 v13, v0  }
0x92: {  	v11 =	vld [tilespmem:s31+$0x17730]  }
0x93: {  	v12 =	vld [tilespmem:s31+$0x1A900]  }
0x94: {  	v13 =	vld [tilespmem:s31+$0x1A910]  }
0x95: {  	v14 =	vld [tilespmem:s31+$0x1A920]  }
0x96: {  	v15 =	vld [tilespmem:s31+$0xE100];
	[tilespmem:s30+$0x14510] =	vst v9;
	v3 =	vadd.f32 v8, v3  }
0x97: {  	v16 =	vld [tilespmem:s31+$0xE110];
	[tilespmem:s30+$0x14520] =	vst v10;
	v2 =	vadd.f32 v7, v2  }
0x98: {  	v17 =	vld [tilespmem:s31+$0xE120];
	[tilespmem:s30+$0x14530] =	vst v3;
	v1 =	vadd.f32 v5, v1  }
0x99: {  	v18 =	vld [tilespmem:s31+$0xE130];
	[tilespmem:s30+$0x17700] =	vst v2;
	v0 =	vadd.f32 v6, v0  }
0x9a: {  	v19 =	vld [tilespmem:s31+$0x11310];
	[tilespmem:s30+$0x17710] =	vst v1;
	v11 =	vadd.f32 v11, v4  }
0x9b: {  	v20 =	vld [tilespmem:s31+$0x11320];
	v15 =	vadd.f32 v15, v12;
	[tilespmem:s30+$0x17720] =	vst v0  }
0x9c: {  	v60 =	vld [tilespmem:s31+$0x11330];
	v16 =	vadd.f32 v16, v13;
	[tilespmem:s31+$0x17730] =	vst v11  }
0x9d: {  	v61 =	vld [tilespmem:s31+$0x14500];
	v17 =	vadd.f32 v17, v14;
	[tilespmem:s31+$0xE100] =	vst v15  }
0x9e: {  	v9 =	vld [tilespmem:s31+$0x14510];
	v62 =	vadd.f32 v18, v4;
	[tilespmem:s31+$0xE110] =	vst v16  }
0x9f: {  	v8 =	vld [tilespmem:s31+$0x14520];
	v10 =	vadd.f32 v19, v13;
	[tilespmem:s31+$0xE120] =	vst v17  }
0xa0: {  	v3 =	vld [tilespmem:s31+$0x14530];
	v7 =	vadd.f32 v20, v14;
	[tilespmem:s31+$0xE130] =	vst v62  }
0xa1: {  	v2 =	vld [tilespmem:s31+$0x17700];
	v5 =	vadd.f32 v60, v4;
	[tilespmem:s31+$0x11310] =	vst v10  }
0xa2: {  	v1 =	vld [tilespmem:s31+$0x17710];
	v6 =	vadd.f32 v61, v12;
	[tilespmem:s31+$0x11320] =	vst v7  }
0xa3: {  	v0 =	vadd.f32 v9, v13;
	v11 =	vld [tilespmem:s31+$0x11300];
	[tilespmem:s31+$0x11330] =	vst v5  }
0xa4: {  	v5 =	vld [tilespmem:s31+$0x17720];
	[tilespmem:s31+$0x14500] =	vst v6;
	v6 =	vadd.f32 v8, v14  }
0xa5: {  	[tilespmem:s31+$0x14510] =	vst v0;
	v0 =	vadd.f32 v3, v4  }
0xa6: {  	v2 =	vadd.f32 v2, v12;
	[tilespmem:s31+$0x14520] =	vst v6  }
0xa7: {  	[tilespmem:s31+$0x14530] =	vst v0;
	v0 =	vadd.f32 v1, v13  }
0xa8: {  	[tilespmem:s31+$0x17700] =	vst v2;
	v11 =	vadd.f32 v11, v12  }
0xa9: {  	[tilespmem:s31+$0x17710] =	vst v0;
	v1 =	vadd.f32 v5, v14  }
0xaa: {  	[tilespmem:s31+$0x11300] =	vst v11  }
0xab: {  	s1 =	simm.s32 $0x0;
	[tilespmem:s31+$0x17720] =	vst v1  }
0xac: {  	[hbm4b:s7+s1] =	stream.linear.scatter [tilespmem:s20], [sflag:$0x2], $0xC800, $0x38;
	[tilespmem:$0x1DB00] =	vst v63  }
0xad: {  	_ =	swait.ge [sflag:s19], $0xC800  }
0xae: {  	[sflag:s19] =	ssyncset.done $0x0  }
0xaf: {  	[sflag:s19] =	ssyncadd.s32 $0xFFFF3800  }
0xb0: {  	_ =	swait.ge [sflag:s21], $0xC800  }
0xb1: {  	[sflag:s21] =	ssyncset.done $0x0  }
0xb2: {  	s30 =	simm.s32 $0x0;
	[sflag:s21] =	ssyncadd.s32 $0xFFFF3800  }
0xb3: {  	[tilespmem:s20], [sflag:$0x1] =	stream.indirect.gather [hbm4b:s3+s17], $0x40, s23, s17, $0xb8;
	[tilespmem:$0x1DB00] =	vst v63  }
0xb4: {  	v3 =	vld [tilespmem:s30+$0x1A930]  }
0xb5: {  	v4 =	vld [tilespmem:s30+$0xAF30]  }
0xb6: {  	v2 =	vld [tilespmem:s30+$0x1A900]  }
0xb7: {  	v1 =	vld [tilespmem:s30+$0x1A910]  }
0xb8: {  	v5 =	vld [tilespmem:s30+$0x1900]  }
0xb9: {  	v0 =	vld [tilespmem:s30+$0x1A920]  }
0xba: {  	v6 =	vld [tilespmem:s30+$0x1910]  }
0xbb: {  	v7 =	vld [tilespmem:s30+$0x1920]  }
0xbc: {  	v8 =	vld [tilespmem:s30+$0x1930];
	v4 =	vadd.f32 v4, v3  }
0xbd: {  	v9 =	vld [tilespmem:s30+$0x4B10];
	v5 =	vadd.f32 v5, v2  }
0xbe: {  	[tilespmem:s30+$0xAF30] =	vst v4;
	v4 =	vld [tilespmem:s30+$0x4B00]  }
0xbf: {  	v6 =	vadd.f32 v6, v1;
	[tilespmem:s30+$0x1900] =	vst v5;
	v5 =	vld [tilespmem:s30+$0x4B30]  }
0xc0: {  	v10 =	vld [tilespmem:s30+$0x4B20];
	v7 =	vadd.f32 v7, v0  }
0xc1: {  	v8 =	vadd.f32 v8, v3;
	[tilespmem:s30+$0x1910] =	vst v6;
	v6 =	vld [tilespmem:s30+$0x7D00]  }
0xc2: {  	v11 =	vld [tilespmem:s30+$0x7D10];
	[tilespmem:s30+$0x1920] =	vst v7;
	v7 =	vadd.f32 v9, v1  }
0xc3: {  	v63 =	vld [tilespmem:s30+$0x7D20];
	[tilespmem:s30+$0x1930] =	vst v8;
	v4 =	vadd.f32 v4, v2  }
0xc4: {  	v8 =	vld [tilespmem:s30+$0x7D30];
	[tilespmem:s30+$0x4B10] =	vst v7;
	v9 =	vadd.f32 v5, v3  }
0xc5: {  	v7 =	vld [tilespmem:s30+$0xAF00];
	[tilespmem:s30+$0x4B00] =	vst v4;
	v4 =	vadd.f32 v10, v0  }
0xc6: {  	v5 =	vld [tilespmem:s30+$0xAF10];
	v10 =	vadd.f32 v6, v2;
	[tilespmem:s30+$0x4B30] =	vst v9  }
0xc7: {  	s31 =	simm.s32 $0x40;
	v6 =	vld [tilespmem:s30+$0xAF20];
	v9 =	vadd.f32 v11, v1;
	[tilespmem:s30+$0x4B20] =	vst v4  }
0xc8: {  	s1 =	simm.s32 $0x200;
	v4 =	vld [tilespmem:s31+$0x1A930];
	[tilespmem:s30+$0x7D00] =	vst v10;
	v10 =	vadd.f32 v63, v0  }
.LBB2_6:
0xc9: {  	p0 =	sne.s32 s1, $0xC700;
	v11 =	vld [tilespmem:s31+$0xAF30];
	[tilespmem:s30+$0x7D10] =	vst v9;
	v3 =	vadd.f32 v8, v3  }
0xca: {  	[tilespmem:s30+$0x7D20] =	vst v10;
	v7 =	vadd.f32 v7, v2;
	v2 =	vld [tilespmem:s31+$0x1A900]  }
0xcb: {  	[tilespmem:s30+$0x7D30] =	vst v3;
	v8 =	vadd.f32 v5, v1;
	v1 =	vld [tilespmem:s31+$0x1A910]  }
0xcc: {  	[tilespmem:s30+$0xAF00] =	vst v7;
	v5 =	vadd.f32 v6, v0;
	v0 =	vld [tilespmem:s31+$0x1A920]  }
0xcd: {  	v6 =	vld [tilespmem:s31+$0x1900];
	[tilespmem:s30+$0xAF10] =	vst v8;
	v3 =	vmov v4  }
0xce: {  	v4 =	vld [tilespmem:s31+$0x1910];
	v7 =	vadd.f32 v11, v3;
	[tilespmem:s30+$0xAF20] =	vst v5;
	s30 =	smov.u32 s31  }
0xcf: {  	v5 =	vld [tilespmem:s30+$0x1920]  }
0xd0: {  	v8 =	vld [tilespmem:s30+$0x1930];
	[tilespmem:s30+$0xAF30] =	vst v7  }
0xd1: {  	v7 =	vld [tilespmem:s30+$0x4B00]  }
0xd2: {  	v6 =	vadd.f32 v6, v2;
	v9 =	vld [tilespmem:s30+$0x4B10]  }
0xd3: {  	v4 =	vadd.f32 v4, v1;
	v10 =	vld [tilespmem:s30+$0x4B20]  }
0xd4: {  	[tilespmem:s30+$0x1900] =	vst v6;
	v5 =	vadd.f32 v5, v0;
	v6 =	vld [tilespmem:s30+$0x4B30]  }
0xd5: {  	[tilespmem:s30+$0x1910] =	vst v4;
	v4 =	vadd.f32 v8, v3;
	v11 =	vld [tilespmem:s30+$0x7D00]  }
0xd6: {  	[tilespmem:s30+$0x1920] =	vst v5;
	v5 =	vadd.f32 v7, v2;
	v12 =	vld [tilespmem:s30+$0x7D10]  }
0xd7: {  	[tilespmem:s30+$0x1930] =	vst v4;
	v4 =	vadd.f32 v9, v1;
	v13 =	vld [tilespmem:s30+$0x7D20]  }
.Ltmp2:
0xd8: {  	[tilespmem:s30+$0x4B00] =	vst v5;
	v5 =	vadd.f32 v10, v0;
	v8 =	vld [tilespmem:s30+$0x7D30];
	(pc) =	sbr.rel @p0 .LBB2_6-.Ltmp2, $4  }
0xd9: {  	[tilespmem:s30+$0x4B10] =	vst v4;
	v4 =	vadd.f32 v6, v3;
	v7 =	vld [tilespmem:s30+$0xAF00]  }
0xda: {  	[tilespmem:s30+$0x4B20] =	vst v5;
	v10 =	vadd.f32 v11, v2;
	v5 =	vld [tilespmem:s30+$0xAF10]  }
0xdb: {  	s31 =	sshra.s32 s1, $0x2;
	[tilespmem:s30+$0x4B30] =	vst v4;
	v9 =	vadd.f32 v12, v1;
	v6 =	vld [tilespmem:s30+$0xAF20]  }
0xdc: {  	s1 =	sadd.s32 $0x100, s1;
	v4 =	vld [tilespmem:s31+$0x1A930];
	[tilespmem:s30+$0x7D00] =	vst v10;
	v10 =	vadd.f32 v13, v0  }
0xdd: {  	v11 =	vld [tilespmem:s31+$0xAF30]  }
0xde: {  	v12 =	vld [tilespmem:s31+$0x1A900]  }
0xdf: {  	v13 =	vld [tilespmem:s31+$0x1A910]  }
0xe0: {  	v14 =	vld [tilespmem:s31+$0x1A920]  }
0xe1: {  	v15 =	vld [tilespmem:s31+$0x1900];
	[tilespmem:s30+$0x7D10] =	vst v9;
	v3 =	vadd.f32 v8, v3  }
0xe2: {  	v16 =	vld [tilespmem:s31+$0x1910];
	[tilespmem:s30+$0x7D20] =	vst v10;
	v2 =	vadd.f32 v7, v2  }
0xe3: {  	v17 =	vld [tilespmem:s31+$0x1920];
	[tilespmem:s30+$0x7D30] =	vst v3;
	v1 =	vadd.f32 v5, v1  }
0xe4: {  	v18 =	vld [tilespmem:s31+$0x1930];
	[tilespmem:s30+$0xAF00] =	vst v2;
	v0 =	vadd.f32 v6, v0  }
0xe5: {  	v19 =	vld [tilespmem:s31+$0x4B10];
	[tilespmem:s30+$0xAF10] =	vst v1;
	v11 =	vadd.f32 v11, v4  }
0xe6: {  	v20 =	vld [tilespmem:s31+$0x4B20];
	v15 =	vadd.f32 v15, v12;
	[tilespmem:s30+$0xAF20] =	vst v0  }
0xe7: {  	v60 =	vld [tilespmem:s31+$0x4B30];
	v16 =	vadd.f32 v16, v13;
	[tilespmem:s31+$0xAF30] =	vst v11  }
0xe8: {  	v61 =	vld [tilespmem:s31+$0x7D00];
	v17 =	vadd.f32 v17, v14;
	[tilespmem:s31+$0x1900] =	vst v15  }
0xe9: {  	v9 =	vld [tilespmem:s31+$0x7D10];
	v62 =	vadd.f32 v18, v4;
	[tilespmem:s31+$0x1910] =	vst v16  }
0xea: {  	v8 =	vld [tilespmem:s31+$0x7D20];
	v10 =	vadd.f32 v19, v13;
	[tilespmem:s31+$0x1920] =	vst v17  }
0xeb: {  	v3 =	vld [tilespmem:s31+$0x7D30];
	v7 =	vadd.f32 v20, v14;
	[tilespmem:s31+$0x1930] =	vst v62  }
0xec: {  	v2 =	vld [tilespmem:s31+$0xAF00];
	v5 =	vadd.f32 v60, v4;
	[tilespmem:s31+$0x4B10] =	vst v10  }
0xed: {  	v1 =	vld [tilespmem:s31+$0xAF10];
	v6 =	vadd.f32 v61, v12;
	[tilespmem:s31+$0x4B20] =	vst v7  }
0xee: {  	v0 =	vadd.f32 v9, v13;
	v11 =	vld [tilespmem:s31+$0x4B00];
	[tilespmem:s31+$0x4B30] =	vst v5  }
0xef: {  	v5 =	vld [tilespmem:s31+$0xAF20];
	[tilespmem:s31+$0x7D00] =	vst v6;
	v6 =	vadd.f32 v8, v14  }
0xf0: {  	[tilespmem:s31+$0x7D10] =	vst v0;
	v0 =	vadd.f32 v3, v4  }
0xf1: {  	v2 =	vadd.f32 v2, v12;
	[tilespmem:s31+$0x7D20] =	vst v6  }
0xf2: {  	[tilespmem:s31+$0x7D30] =	vst v0;
	v0 =	vadd.f32 v1, v13  }
0xf3: {  	[tilespmem:s31+$0xAF00] =	vst v2;
	v11 =	vadd.f32 v11, v12  }
0xf4: {  	[tilespmem:s31+$0xAF10] =	vst v0;
	v1 =	vadd.f32 v5, v14  }
0xf5: {  	[tilespmem:s31+$0x4B00] =	vst v11  }
0xf6: {  	s1 =	simm.s32 $0x0;
	[tilespmem:s31+$0xAF20] =	vst v1  }
0xf7: {  	[hbm4b:s8+s1] =	stream.linear.scatter [tilespmem:s18], [sflag:$0x2], $0xC800, $0x38;
	[tilespmem:$0x1DB00] =	vst v63  }
0xf8: {  	_ =	swait.ge [sflag:s19], $0xC800  }
0xf9: {  	[sflag:s19] =	ssyncset.done $0x0  }
0xfa: {  	[sflag:s19] =	ssyncadd.s32 $0xFFFF3800  }
0xfb: {  	_ =	swait.ge [sflag:s21], $0xC800  }
0xfc: {  	[sflag:s21] =	ssyncset.done $0x0  }
0xfd: {  	s30 =	simm.s32 $0x0;
	[sflag:s21] =	ssyncadd.s32 $0xFFFF3800  }
0xfe: {  	[tilespmem:s18], [sflag:$0x1] =	stream.indirect.gather [hbm4b:s3+s17], $0x40, s24, s17, $0xb8;
	[tilespmem:$0x1DB00] =	vst v63  }
0xff: {  	v3 =	vld [tilespmem:s30+$0x1A930]  }
0x100: {  	v4 =	vld [tilespmem:s30+$0x17730]  }
0x101: {  	v2 =	vld [tilespmem:s30+$0x1A900]  }
0x102: {  	v1 =	vld [tilespmem:s30+$0x1A910]  }
0x103: {  	v5 =	vld [tilespmem:s30+$0xE100]  }
0x104: {  	v0 =	vld [tilespmem:s30+$0x1A920]  }
0x105: {  	v6 =	vld [tilespmem:s30+$0xE110]  }
0x106: {  	v7 =	vld [tilespmem:s30+$0xE120]  }
0x107: {  	v8 =	vld [tilespmem:s30+$0xE130];
	v4 =	vadd.f32 v4, v3  }
0x108: {  	v9 =	vld [tilespmem:s30+$0x11310];
	v5 =	vadd.f32 v5, v2  }
0x109: {  	[tilespmem:s30+$0x17730] =	vst v4;
	v4 =	vld [tilespmem:s30+$0x11300]  }
0x10a: {  	v6 =	vadd.f32 v6, v1;
	[tilespmem:s30+$0xE100] =	vst v5;
	v5 =	vld [tilespmem:s30+$0x11330]  }
0x10b: {  	v10 =	vld [tilespmem:s30+$0x11320];
	v7 =	vadd.f32 v7, v0  }
0x10c: {  	v8 =	vadd.f32 v8, v3;
	[tilespmem:s30+$0xE110] =	vst v6;
	v6 =	vld [tilespmem:s30+$0x14500]  }
0x10d: {  	v11 =	vld [tilespmem:s30+$0x14510];
	[tilespmem:s30+$0xE120] =	vst v7;
	v7 =	vadd.f32 v9, v1  }
0x10e: {  	v63 =	vld [tilespmem:s30+$0x14520];
	[tilespmem:s30+$0xE130] =	vst v8;
	v4 =	vadd.f32 v4, v2  }
0x10f: {  	v8 =	vld [tilespmem:s30+$0x14530];
	[tilespmem:s30+$0x11310] =	vst v7;
	v9 =	vadd.f32 v5, v3  }
0x110: {  	v7 =	vld [tilespmem:s30+$0x17700];
	[tilespmem:s30+$0x11300] =	vst v4;
	v4 =	vadd.f32 v10, v0  }
0x111: {  	v5 =	vld [tilespmem:s30+$0x17710];
	v10 =	vadd.f32 v6, v2;
	[tilespmem:s30+$0x11330] =	vst v9  }
0x112: {  	s31 =	simm.s32 $0x40;
	v6 =	vld [tilespmem:s30+$0x17720];
	v9 =	vadd.f32 v11, v1;
	[tilespmem:s30+$0x11320] =	vst v4  }
0x113: {  	s1 =	simm.s32 $0x200;
	v4 =	vld [tilespmem:s31+$0x1A930];
	[tilespmem:s30+$0x14500] =	vst v10;
	v10 =	vadd.f32 v63, v0  }
.LBB2_8:
0x114: {  	p0 =	sne.s32 s1, $0xC700;
	v11 =	vld [tilespmem:s31+$0x17730];
	[tilespmem:s30+$0x14510] =	vst v9;
	v3 =	vadd.f32 v8, v3  }
0x115: {  	[tilespmem:s30+$0x14520] =	vst v10;
	v7 =	vadd.f32 v7, v2;
	v2 =	vld [tilespmem:s31+$0x1A900]  }
0x116: {  	[tilespmem:s30+$0x14530] =	vst v3;
	v8 =	vadd.f32 v5, v1;
	v1 =	vld [tilespmem:s31+$0x1A910]  }
0x117: {  	[tilespmem:s30+$0x17700] =	vst v7;
	v5 =	vadd.f32 v6, v0;
	v0 =	vld [tilespmem:s31+$0x1A920]  }
0x118: {  	v6 =	vld [tilespmem:s31+$0xE100];
	[tilespmem:s30+$0x17710] =	vst v8;
	v3 =	vmov v4  }
0x119: {  	v4 =	vld [tilespmem:s31+$0xE110];
	v7 =	vadd.f32 v11, v3;
	[tilespmem:s30+$0x17720] =	vst v5;
	s30 =	smov.u32 s31  }
0x11a: {  	v5 =	vld [tilespmem:s30+$0xE120]  }
0x11b: {  	v8 =	vld [tilespmem:s30+$0xE130];
	[tilespmem:s30+$0x17730] =	vst v7  }
0x11c: {  	v7 =	vld [tilespmem:s30+$0x11300]  }
0x11d: {  	v6 =	vadd.f32 v6, v2;
	v9 =	vld [tilespmem:s30+$0x11310]  }
0x11e: {  	v4 =	vadd.f32 v4, v1;
	v10 =	vld [tilespmem:s30+$0x11320]  }
0x11f: {  	[tilespmem:s30+$0xE100] =	vst v6;
	v5 =	vadd.f32 v5, v0;
	v6 =	vld [tilespmem:s30+$0x11330]  }
0x120: {  	[tilespmem:s30+$0xE110] =	vst v4;
	v4 =	vadd.f32 v8, v3;
	v11 =	vld [tilespmem:s30+$0x14500]  }
0x121: {  	[tilespmem:s30+$0xE120] =	vst v5;
	v5 =	vadd.f32 v7, v2;
	v12 =	vld [tilespmem:s30+$0x14510]  }
0x122: {  	[tilespmem:s30+$0xE130] =	vst v4;
	v4 =	vadd.f32 v9, v1;
	v13 =	vld [tilespmem:s30+$0x14520]  }
.Ltmp3:
0x123: {  	[tilespmem:s30+$0x11300] =	vst v5;
	v5 =	vadd.f32 v10, v0;
	v8 =	vld [tilespmem:s30+$0x14530];
	(pc) =	sbr.rel @p0 .LBB2_8-.Ltmp3, $4  }
0x124: {  	[tilespmem:s30+$0x11310] =	vst v4;
	v4 =	vadd.f32 v6, v3;
	v7 =	vld [tilespmem:s30+$0x17700]  }
0x125: {  	[tilespmem:s30+$0x11320] =	vst v5;
	v10 =	vadd.f32 v11, v2;
	v5 =	vld [tilespmem:s30+$0x17710]  }
0x126: {  	s31 =	sshra.s32 s1, $0x2;
	[tilespmem:s30+$0x11330] =	vst v4;
	v9 =	vadd.f32 v12, v1;
	v6 =	vld [tilespmem:s30+$0x17720]  }
0x127: {  	s1 =	sadd.s32 $0x100, s1;
	v4 =	vld [tilespmem:s31+$0x1A930];
	[tilespmem:s30+$0x14500] =	vst v10;
	v10 =	vadd.f32 v13, v0  }
0x128: {  	v11 =	vld [tilespmem:s31+$0x17730]  }
0x129: {  	v12 =	vld [tilespmem:s31+$0x1A900]  }
0x12a: {  	v13 =	vld [tilespmem:s31+$0x1A910]  }
0x12b: {  	v14 =	vld [tilespmem:s31+$0x1A920]  }
0x12c: {  	v15 =	vld [tilespmem:s31+$0xE100];
	[tilespmem:s30+$0x14510] =	vst v9;
	v3 =	vadd.f32 v8, v3  }
0x12d: {  	v16 =	vld [tilespmem:s31+$0xE110];
	[tilespmem:s30+$0x14520] =	vst v10;
	v2 =	vadd.f32 v7, v2  }
0x12e: {  	v17 =	vld [tilespmem:s31+$0xE120];
	[tilespmem:s30+$0x14530] =	vst v3;
	v1 =	vadd.f32 v5, v1  }
0x12f: {  	v18 =	vld [tilespmem:s31+$0xE130];
	[tilespmem:s30+$0x17700] =	vst v2;
	v0 =	vadd.f32 v6, v0  }
0x130: {  	v19 =	vld [tilespmem:s31+$0x11310];
	[tilespmem:s30+$0x17710] =	vst v1;
	v11 =	vadd.f32 v11, v4  }
0x131: {  	v20 =	vld [tilespmem:s31+$0x11320];
	v15 =	vadd.f32 v15, v12;
	[tilespmem:s30+$0x17720] =	vst v0  }
0x132: {  	v60 =	vld [tilespmem:s31+$0x11330];
	v16 =	vadd.f32 v16, v13;
	[tilespmem:s31+$0x17730] =	vst v11  }
0x133: {  	v61 =	vld [tilespmem:s31+$0x14500];
	v17 =	vadd.f32 v17, v14;
	[tilespmem:s31+$0xE100] =	vst v15  }
0x134: {  	v9 =	vld [tilespmem:s31+$0x14510];
	v62 =	vadd.f32 v18, v4;
	[tilespmem:s31+$0xE110] =	vst v16  }
0x135: {  	v8 =	vld [tilespmem:s31+$0x14520];
	v10 =	vadd.f32 v19, v13;
	[tilespmem:s31+$0xE120] =	vst v17  }
0x136: {  	v3 =	vld [tilespmem:s31+$0x14530];
	v7 =	vadd.f32 v20, v14;
	[tilespmem:s31+$0xE130] =	vst v62  }
0x137: {  	v2 =	vld [tilespmem:s31+$0x17700];
	v5 =	vadd.f32 v60, v4;
	[tilespmem:s31+$0x11310] =	vst v10  }
0x138: {  	v1 =	vld [tilespmem:s31+$0x17710];
	v6 =	vadd.f32 v61, v12;
	[tilespmem:s31+$0x11320] =	vst v7  }
0x139: {  	v0 =	vadd.f32 v9, v13;
	v11 =	vld [tilespmem:s31+$0x11300];
	[tilespmem:s31+$0x11330] =	vst v5  }
0x13a: {  	v5 =	vld [tilespmem:s31+$0x17720];
	[tilespmem:s31+$0x14500] =	vst v6;
	v6 =	vadd.f32 v8, v14  }
0x13b: {  	[tilespmem:s31+$0x14510] =	vst v0;
	v0 =	vadd.f32 v3, v4  }
0x13c: {  	v2 =	vadd.f32 v2, v12;
	[tilespmem:s31+$0x14520] =	vst v6  }
0x13d: {  	[tilespmem:s31+$0x14530] =	vst v0;
	v0 =	vadd.f32 v1, v13  }
0x13e: {  	[tilespmem:s31+$0x17700] =	vst v2;
	v11 =	vadd.f32 v11, v12  }
0x13f: {  	[tilespmem:s31+$0x17710] =	vst v0;
	v1 =	vadd.f32 v5, v14  }
0x140: {  	[tilespmem:s31+$0x11300] =	vst v11  }
0x141: {  	s1 =	simm.s32 $0x0;
	[tilespmem:s31+$0x17720] =	vst v1  }
0x142: {  	[hbm4b:s9+s1] =	stream.linear.scatter [tilespmem:s20], [sflag:$0x2], $0xC800, $0x38;
	[tilespmem:$0x1DB00] =	vst v63  }
0x143: {  	_ =	swait.ge [sflag:s19], $0xC800  }
0x144: {  	[sflag:s19] =	ssyncset.done $0x0  }
0x145: {  	[sflag:s19] =	ssyncadd.s32 $0xFFFF3800  }
0x146: {  	_ =	swait.ge [sflag:s21], $0xC800  }
0x147: {  	[sflag:s21] =	ssyncset.done $0x0  }
0x148: {  	s30 =	simm.s32 $0x0;
	[sflag:s21] =	ssyncadd.s32 $0xFFFF3800  }
0x149: {  	[tilespmem:s20], [sflag:$0x1] =	stream.indirect.gather [hbm4b:s3+s17], $0x40, s25, s17, $0xb8;
	[tilespmem:$0x1DB00] =	vst v63  }
0x14a: {  	v3 =	vld [tilespmem:s30+$0x1A930]  }
0x14b: {  	v4 =	vld [tilespmem:s30+$0xAF30]  }
0x14c: {  	v2 =	vld [tilespmem:s30+$0x1A900]  }
0x14d: {  	v1 =	vld [tilespmem:s30+$0x1A910]  }
0x14e: {  	v5 =	vld [tilespmem:s30+$0x1900]  }
0x14f: {  	v0 =	vld [tilespmem:s30+$0x1A920]  }
0x150: {  	v6 =	vld [tilespmem:s30+$0x1910]  }
0x151: {  	v7 =	vld [tilespmem:s30+$0x1920]  }
0x152: {  	v8 =	vld [tilespmem:s30+$0x1930];
	v4 =	vadd.f32 v4, v3  }
0x153: {  	v9 =	vld [tilespmem:s30+$0x4B10];
	v5 =	vadd.f32 v5, v2  }
0x154: {  	[tilespmem:s30+$0xAF30] =	vst v4;
	v4 =	vld [tilespmem:s30+$0x4B00]  }
0x155: {  	v6 =	vadd.f32 v6, v1;
	[tilespmem:s30+$0x1900] =	vst v5;
	v5 =	vld [tilespmem:s30+$0x4B30]  }
0x156: {  	v10 =	vld [tilespmem:s30+$0x4B20];
	v7 =	vadd.f32 v7, v0  }
0x157: {  	v8 =	vadd.f32 v8, v3;
	[tilespmem:s30+$0x1910] =	vst v6;
	v6 =	vld [tilespmem:s30+$0x7D00]  }
0x158: {  	v11 =	vld [tilespmem:s30+$0x7D10];
	[tilespmem:s30+$0x1920] =	vst v7;
	v7 =	vadd.f32 v9, v1  }
0x159: {  	v63 =	vld [tilespmem:s30+$0x7D20];
	[tilespmem:s30+$0x1930] =	vst v8;
	v4 =	vadd.f32 v4, v2  }
0x15a: {  	v8 =	vld [tilespmem:s30+$0x7D30];
	[tilespmem:s30+$0x4B10] =	vst v7;
	v9 =	vadd.f32 v5, v3  }
0x15b: {  	v7 =	vld [tilespmem:s30+$0xAF00];
	[tilespmem:s30+$0x4B00] =	vst v4;
	v4 =	vadd.f32 v10, v0  }
0x15c: {  	v5 =	vld [tilespmem:s30+$0xAF10];
	v10 =	vadd.f32 v6, v2;
	[tilespmem:s30+$0x4B30] =	vst v9  }
0x15d: {  	s31 =	simm.s32 $0x40;
	v6 =	vld [tilespmem:s30+$0xAF20];
	v9 =	vadd.f32 v11, v1;
	[tilespmem:s30+$0x4B20] =	vst v4  }
0x15e: {  	s1 =	simm.s32 $0x200;
	v4 =	vld [tilespmem:s31+$0x1A930];
	[tilespmem:s30+$0x7D00] =	vst v10;
	v10 =	vadd.f32 v63, v0  }
.LBB2_10:
0x15f: {  	p0 =	sne.s32 s1, $0xC700;
	v11 =	vld [tilespmem:s31+$0xAF30];
	[tilespmem:s30+$0x7D10] =	vst v9;
	v3 =	vadd.f32 v8, v3  }
0x160: {  	[tilespmem:s30+$0x7D20] =	vst v10;
	v7 =	vadd.f32 v7, v2;
	v2 =	vld [tilespmem:s31+$0x1A900]  }
0x161: {  	[tilespmem:s30+$0x7D30] =	vst v3;
	v8 =	vadd.f32 v5, v1;
	v1 =	vld [tilespmem:s31+$0x1A910]  }
0x162: {  	[tilespmem:s30+$0xAF00] =	vst v7;
	v5 =	vadd.f32 v6, v0;
	v0 =	vld [tilespmem:s31+$0x1A920]  }
0x163: {  	v6 =	vld [tilespmem:s31+$0x1900];
	[tilespmem:s30+$0xAF10] =	vst v8;
	v3 =	vmov v4  }
0x164: {  	v4 =	vld [tilespmem:s31+$0x1910];
	v7 =	vadd.f32 v11, v3;
	[tilespmem:s30+$0xAF20] =	vst v5;
	s30 =	smov.u32 s31  }
0x165: {  	v5 =	vld [tilespmem:s30+$0x1920]  }
0x166: {  	v8 =	vld [tilespmem:s30+$0x1930];
	[tilespmem:s30+$0xAF30] =	vst v7  }
0x167: {  	v7 =	vld [tilespmem:s30+$0x4B00]  }
0x168: {  	v6 =	vadd.f32 v6, v2;
	v9 =	vld [tilespmem:s30+$0x4B10]  }
0x169: {  	v4 =	vadd.f32 v4, v1;
	v10 =	vld [tilespmem:s30+$0x4B20]  }
0x16a: {  	[tilespmem:s30+$0x1900] =	vst v6;
	v5 =	vadd.f32 v5, v0;
	v6 =	vld [tilespmem:s30+$0x4B30]  }
0x16b: {  	[tilespmem:s30+$0x1910] =	vst v4;
	v4 =	vadd.f32 v8, v3;
	v11 =	vld [tilespmem:s30+$0x7D00]  }
0x16c: {  	[tilespmem:s30+$0x1920] =	vst v5;
	v5 =	vadd.f32 v7, v2;
	v12 =	vld [tilespmem:s30+$0x7D10]  }
0x16d: {  	[tilespmem:s30+$0x1930] =	vst v4;
	v4 =	vadd.f32 v9, v1;
	v13 =	vld [tilespmem:s30+$0x7D20]  }
.Ltmp4:
0x16e: {  	[tilespmem:s30+$0x4B00] =	vst v5;
	v5 =	vadd.f32 v10, v0;
	v8 =	vld [tilespmem:s30+$0x7D30];
	(pc) =	sbr.rel @p0 .LBB2_10-.Ltmp4, $4  }
0x16f: {  	[tilespmem:s30+$0x4B10] =	vst v4;
	v4 =	vadd.f32 v6, v3;
	v7 =	vld [tilespmem:s30+$0xAF00]  }
0x170: {  	[tilespmem:s30+$0x4B20] =	vst v5;
	v10 =	vadd.f32 v11, v2;
	v5 =	vld [tilespmem:s30+$0xAF10]  }
0x171: {  	s31 =	sshra.s32 s1, $0x2;
	[tilespmem:s30+$0x4B30] =	vst v4;
	v9 =	vadd.f32 v12, v1;
	v6 =	vld [tilespmem:s30+$0xAF20]  }
0x172: {  	s1 =	sadd.s32 $0x100, s1;
	v4 =	vld [tilespmem:s31+$0x1A930];
	[tilespmem:s30+$0x7D00] =	vst v10;
	v10 =	vadd.f32 v13, v0  }
0x173: {  	v11 =	vld [tilespmem:s31+$0xAF30]  }
0x174: {  	v12 =	vld [tilespmem:s31+$0x1A900]  }
0x175: {  	v13 =	vld [tilespmem:s31+$0x1A910]  }
0x176: {  	v14 =	vld [tilespmem:s31+$0x1A920]  }
0x177: {  	v15 =	vld [tilespmem:s31+$0x1900];
	[tilespmem:s30+$0x7D10] =	vst v9;
	v3 =	vadd.f32 v8, v3  }
0x178: {  	v16 =	vld [tilespmem:s31+$0x1910];
	[tilespmem:s30+$0x7D20] =	vst v10;
	v2 =	vadd.f32 v7, v2  }
0x179: {  	v17 =	vld [tilespmem:s31+$0x1920];
	[tilespmem:s30+$0x7D30] =	vst v3;
	v1 =	vadd.f32 v5, v1  }
0x17a: {  	v18 =	vld [tilespmem:s31+$0x1930];
	[tilespmem:s30+$0xAF00] =	vst v2;
	v0 =	vadd.f32 v6, v0  }
0x17b: {  	v19 =	vld [tilespmem:s31+$0x4B10];
	[tilespmem:s30+$0xAF10] =	vst v1;
	v11 =	vadd.f32 v11, v4  }
0x17c: {  	v20 =	vld [tilespmem:s31+$0x4B20];
	v15 =	vadd.f32 v15, v12;
	[tilespmem:s30+$0xAF20] =	vst v0  }
0x17d: {  	v60 =	vld [tilespmem:s31+$0x4B30];
	v16 =	vadd.f32 v16, v13;
	[tilespmem:s31+$0xAF30] =	vst v11  }
0x17e: {  	v61 =	vld [tilespmem:s31+$0x7D00];
	v17 =	vadd.f32 v17, v14;
	[tilespmem:s31+$0x1900] =	vst v15  }
0x17f: {  	v9 =	vld [tilespmem:s31+$0x7D10];
	v62 =	vadd.f32 v18, v4;
	[tilespmem:s31+$0x1910] =	vst v16  }
0x180: {  	v8 =	vld [tilespmem:s31+$0x7D20];
	v10 =	vadd.f32 v19, v13;
	[tilespmem:s31+$0x1920] =	vst v17  }
0x181: {  	v3 =	vld [tilespmem:s31+$0x7D30];
	v7 =	vadd.f32 v20, v14;
	[tilespmem:s31+$0x1930] =	vst v62  }
0x182: {  	v2 =	vld [tilespmem:s31+$0xAF00];
	v5 =	vadd.f32 v60, v4;
	[tilespmem:s31+$0x4B10] =	vst v10  }
0x183: {  	v1 =	vld [tilespmem:s31+$0xAF10];
	v6 =	vadd.f32 v61, v12;
	[tilespmem:s31+$0x4B20] =	vst v7  }
0x184: {  	v0 =	vadd.f32 v9, v13;
	v11 =	vld [tilespmem:s31+$0x4B00];
	[tilespmem:s31+$0x4B30] =	vst v5  }
0x185: {  	v5 =	vld [tilespmem:s31+$0xAF20];
	[tilespmem:s31+$0x7D00] =	vst v6;
	v6 =	vadd.f32 v8, v14  }
0x186: {  	[tilespmem:s31+$0x7D10] =	vst v0;
	v0 =	vadd.f32 v3, v4  }
0x187: {  	v2 =	vadd.f32 v2, v12;
	[tilespmem:s31+$0x7D20] =	vst v6  }
0x188: {  	[tilespmem:s31+$0x7D30] =	vst v0;
	v0 =	vadd.f32 v1, v13  }
0x189: {  	[tilespmem:s31+$0xAF00] =	vst v2;
	v11 =	vadd.f32 v11, v12  }
0x18a: {  	[tilespmem:s31+$0xAF10] =	vst v0;
	v1 =	vadd.f32 v5, v14  }
0x18b: {  	[tilespmem:s31+$0x4B00] =	vst v11  }
0x18c: {  	s1 =	simm.s32 $0x0;
	[tilespmem:s31+$0xAF20] =	vst v1  }
0x18d: {  	[hbm4b:s10+s1] =	stream.linear.scatter [tilespmem:s18], [sflag:$0x2], $0xC800, $0x38;
	[tilespmem:$0x1DB00] =	vst v63  }
0x18e: {  	_ =	swait.ge [sflag:s19], $0xC800  }
0x18f: {  	[sflag:s19] =	ssyncset.done $0x0  }
0x190: {  	[sflag:s19] =	ssyncadd.s32 $0xFFFF3800  }
0x191: {  	_ =	swait.ge [sflag:s21], $0xC800  }
0x192: {  	[sflag:s21] =	ssyncset.done $0x0  }
0x193: {  	s30 =	simm.s32 $0x0;
	[sflag:s21] =	ssyncadd.s32 $0xFFFF3800  }
0x194: {  	[tilespmem:s18], [sflag:$0x1] =	stream.indirect.gather [hbm4b:s3+s17], $0x40, s26, s17, $0xb8;
	[tilespmem:$0x1DB00] =	vst v63  }
0x195: {  	v3 =	vld [tilespmem:s30+$0x1A930]  }
0x196: {  	v4 =	vld [tilespmem:s30+$0x17730]  }
0x197: {  	v2 =	vld [tilespmem:s30+$0x1A900]  }
0x198: {  	v1 =	vld [tilespmem:s30+$0x1A910]  }
0x199: {  	v5 =	vld [tilespmem:s30+$0xE100]  }
0x19a: {  	v0 =	vld [tilespmem:s30+$0x1A920]  }
0x19b: {  	v6 =	vld [tilespmem:s30+$0xE110]  }
0x19c: {  	v7 =	vld [tilespmem:s30+$0xE120]  }
0x19d: {  	v8 =	vld [tilespmem:s30+$0xE130];
	v4 =	vadd.f32 v4, v3  }
0x19e: {  	v9 =	vld [tilespmem:s30+$0x11310];
	v5 =	vadd.f32 v5, v2  }
0x19f: {  	[tilespmem:s30+$0x17730] =	vst v4;
	v4 =	vld [tilespmem:s30+$0x11300]  }
0x1a0: {  	v6 =	vadd.f32 v6, v1;
	[tilespmem:s30+$0xE100] =	vst v5;
	v5 =	vld [tilespmem:s30+$0x11330]  }
0x1a1: {  	v10 =	vld [tilespmem:s30+$0x11320];
	v7 =	vadd.f32 v7, v0  }
0x1a2: {  	v8 =	vadd.f32 v8, v3;
	[tilespmem:s30+$0xE110] =	vst v6;
	v6 =	vld [tilespmem:s30+$0x14500]  }
0x1a3: {  	v11 =	vld [tilespmem:s30+$0x14510];
	[tilespmem:s30+$0xE120] =	vst v7;
	v7 =	vadd.f32 v9, v1  }
0x1a4: {  	v63 =	vld [tilespmem:s30+$0x14520];
	[tilespmem:s30+$0xE130] =	vst v8;
	v4 =	vadd.f32 v4, v2  }
0x1a5: {  	v8 =	vld [tilespmem:s30+$0x14530];
	[tilespmem:s30+$0x11310] =	vst v7;
	v9 =	vadd.f32 v5, v3  }
0x1a6: {  	v7 =	vld [tilespmem:s30+$0x17700];
	[tilespmem:s30+$0x11300] =	vst v4;
	v4 =	vadd.f32 v10, v0  }
0x1a7: {  	v5 =	vld [tilespmem:s30+$0x17710];
	v10 =	vadd.f32 v6, v2;
	[tilespmem:s30+$0x11330] =	vst v9  }
0x1a8: {  	s31 =	simm.s32 $0x40;
	v6 =	vld [tilespmem:s30+$0x17720];
	v9 =	vadd.f32 v11, v1;
	[tilespmem:s30+$0x11320] =	vst v4  }
0x1a9: {  	s1 =	simm.s32 $0x200;
	v4 =	vld [tilespmem:s31+$0x1A930];
	[tilespmem:s30+$0x14500] =	vst v10;
	v10 =	vadd.f32 v63, v0  }
.LBB2_12:
0x1aa: {  	p0 =	sne.s32 s1, $0xC700;
	v11 =	vld [tilespmem:s31+$0x17730];
	[tilespmem:s30+$0x14510] =	vst v9;
	v3 =	vadd.f32 v8, v3  }
0x1ab: {  	[tilespmem:s30+$0x14520] =	vst v10;
	v7 =	vadd.f32 v7, v2;
	v2 =	vld [tilespmem:s31+$0x1A900]  }
0x1ac: {  	[tilespmem:s30+$0x14530] =	vst v3;
	v8 =	vadd.f32 v5, v1;
	v1 =	vld [tilespmem:s31+$0x1A910]  }
0x1ad: {  	[tilespmem:s30+$0x17700] =	vst v7;
	v5 =	vadd.f32 v6, v0;
	v0 =	vld [tilespmem:s31+$0x1A920]  }
0x1ae: {  	v6 =	vld [tilespmem:s31+$0xE100];
	[tilespmem:s30+$0x17710] =	vst v8;
	v3 =	vmov v4  }
0x1af: {  	v4 =	vld [tilespmem:s31+$0xE110];
	v7 =	vadd.f32 v11, v3;
	[tilespmem:s30+$0x17720] =	vst v5;
	s30 =	smov.u32 s31  }
0x1b0: {  	v5 =	vld [tilespmem:s30+$0xE120]  }
0x1b1: {  	v8 =	vld [tilespmem:s30+$0xE130];
	[tilespmem:s30+$0x17730] =	vst v7  }
0x1b2: {  	v7 =	vld [tilespmem:s30+$0x11300]  }
0x1b3: {  	v6 =	vadd.f32 v6, v2;
	v9 =	vld [tilespmem:s30+$0x11310]  }
0x1b4: {  	v4 =	vadd.f32 v4, v1;
	v10 =	vld [tilespmem:s30+$0x11320]  }
0x1b5: {  	[tilespmem:s30+$0xE100] =	vst v6;
	v5 =	vadd.f32 v5, v0;
	v6 =	vld [tilespmem:s30+$0x11330]  }
0x1b6: {  	[tilespmem:s30+$0xE110] =	vst v4;
	v4 =	vadd.f32 v8, v3;
	v11 =	vld [tilespmem:s30+$0x14500]  }
0x1b7: {  	[tilespmem:s30+$0xE120] =	vst v5;
	v5 =	vadd.f32 v7, v2;
	v12 =	vld [tilespmem:s30+$0x14510]  }
0x1b8: {  	[tilespmem:s30+$0xE130] =	vst v4;
	v4 =	vadd.f32 v9, v1;
	v13 =	vld [tilespmem:s30+$0x14520]  }
.Ltmp5:
0x1b9: {  	[tilespmem:s30+$0x11300] =	vst v5;
	v5 =	vadd.f32 v10, v0;
	v8 =	vld [tilespmem:s30+$0x14530];
	(pc) =	sbr.rel @p0 .LBB2_12-.Ltmp5, $4  }
0x1ba: {  	[tilespmem:s30+$0x11310] =	vst v4;
	v4 =	vadd.f32 v6, v3;
	v7 =	vld [tilespmem:s30+$0x17700]  }
0x1bb: {  	[tilespmem:s30+$0x11320] =	vst v5;
	v10 =	vadd.f32 v11, v2;
	v5 =	vld [tilespmem:s30+$0x17710]  }
0x1bc: {  	s31 =	sshra.s32 s1, $0x2;
	[tilespmem:s30+$0x11330] =	vst v4;
	v9 =	vadd.f32 v12, v1;
	v6 =	vld [tilespmem:s30+$0x17720]  }
0x1bd: {  	s1 =	sadd.s32 $0x100, s1;
	v4 =	vld [tilespmem:s31+$0x1A930];
	[tilespmem:s30+$0x14500] =	vst v10;
	v10 =	vadd.f32 v13, v0  }
0x1be: {  	v11 =	vld [tilespmem:s31+$0x17730]  }
0x1bf: {  	v12 =	vld [tilespmem:s31+$0x1A900]  }
0x1c0: {  	v13 =	vld [tilespmem:s31+$0x1A910]  }
0x1c1: {  	v14 =	vld [tilespmem:s31+$0x1A920]  }
0x1c2: {  	v15 =	vld [tilespmem:s31+$0xE100];
	[tilespmem:s30+$0x14510] =	vst v9;
	v3 =	vadd.f32 v8, v3  }
0x1c3: {  	v16 =	vld [tilespmem:s31+$0xE110];
	[tilespmem:s30+$0x14520] =	vst v10;
	v2 =	vadd.f32 v7, v2  }
0x1c4: {  	v17 =	vld [tilespmem:s31+$0xE120];
	[tilespmem:s30+$0x14530] =	vst v3;
	v1 =	vadd.f32 v5, v1  }
0x1c5: {  	v18 =	vld [tilespmem:s31+$0xE130];
	[tilespmem:s30+$0x17700] =	vst v2;
	v0 =	vadd.f32 v6, v0  }
0x1c6: {  	v19 =	vld [tilespmem:s31+$0x11310];
	[tilespmem:s30+$0x17710] =	vst v1;
	v11 =	vadd.f32 v11, v4  }
0x1c7: {  	v20 =	vld [tilespmem:s31+$0x11320];
	v15 =	vadd.f32 v15, v12;
	[tilespmem:s30+$0x17720] =	vst v0  }
0x1c8: {  	v60 =	vld [tilespmem:s31+$0x11330];
	v16 =	vadd.f32 v16, v13;
	[tilespmem:s31+$0x17730] =	vst v11  }
0x1c9: {  	v61 =	vld [tilespmem:s31+$0x14500];
	v17 =	vadd.f32 v17, v14;
	[tilespmem:s31+$0xE100] =	vst v15  }
0x1ca: {  	v9 =	vld [tilespmem:s31+$0x14510];
	v62 =	vadd.f32 v18, v4;
	[tilespmem:s31+$0xE110] =	vst v16  }
0x1cb: {  	v8 =	vld [tilespmem:s31+$0x14520];
	v10 =	vadd.f32 v19, v13;
	[tilespmem:s31+$0xE120] =	vst v17  }
0x1cc: {  	v3 =	vld [tilespmem:s31+$0x14530];
	v7 =	vadd.f32 v20, v14;
	[tilespmem:s31+$0xE130] =	vst v62  }
0x1cd: {  	v2 =	vld [tilespmem:s31+$0x17700];
	v5 =	vadd.f32 v60, v4;
	[tilespmem:s31+$0x11310] =	vst v10  }
0x1ce: {  	v1 =	vld [tilespmem:s31+$0x17710];
	v6 =	vadd.f32 v61, v12;
	[tilespmem:s31+$0x11320] =	vst v7  }
0x1cf: {  	v0 =	vadd.f32 v9, v13;
	v11 =	vld [tilespmem:s31+$0x11300];
	[tilespmem:s31+$0x11330] =	vst v5  }
0x1d0: {  	v5 =	vld [tilespmem:s31+$0x17720];
	[tilespmem:s31+$0x14500] =	vst v6;
	v6 =	vadd.f32 v8, v14  }
0x1d1: {  	[tilespmem:s31+$0x14510] =	vst v0;
	v0 =	vadd.f32 v3, v4  }
0x1d2: {  	v2 =	vadd.f32 v2, v12;
	[tilespmem:s31+$0x14520] =	vst v6  }
0x1d3: {  	[tilespmem:s31+$0x14530] =	vst v0;
	v0 =	vadd.f32 v1, v13  }
0x1d4: {  	[tilespmem:s31+$0x17700] =	vst v2;
	v11 =	vadd.f32 v11, v12  }
0x1d5: {  	[tilespmem:s31+$0x17710] =	vst v0;
	v1 =	vadd.f32 v5, v14  }
0x1d6: {  	[tilespmem:s31+$0x11300] =	vst v11  }
0x1d7: {  	s1 =	simm.s32 $0x0;
	[tilespmem:s31+$0x17720] =	vst v1  }
0x1d8: {  	[hbm4b:s11+s1] =	stream.linear.scatter [tilespmem:s20], [sflag:$0x2], $0xC800, $0x38;
	[tilespmem:$0x1DB00] =	vst v63  }
0x1d9: {  	_ =	swait.ge [sflag:s19], $0xC800  }
0x1da: {  	[sflag:s19] =	ssyncset.done $0x0  }
0x1db: {  	[sflag:s19] =	ssyncadd.s32 $0xFFFF3800  }
0x1dc: {  	_ =	swait.ge [sflag:s21], $0xC800  }
0x1dd: {  	[sflag:s21] =	ssyncset.done $0x0  }
0x1de: {  	s30 =	simm.s32 $0x0;
	[sflag:s21] =	ssyncadd.s32 $0xFFFF3800  }
0x1df: {  	[tilespmem:s20], [sflag:$0x1] =	stream.indirect.gather [hbm4b:s3+s17], $0x40, s28, s17, $0xb8;
	[tilespmem:$0x1DB00] =	vst v63  }
0x1e0: {  	v3 =	vld [tilespmem:s30+$0x1A930]  }
0x1e1: {  	v4 =	vld [tilespmem:s30+$0xAF30]  }
0x1e2: {  	v2 =	vld [tilespmem:s30+$0x1A900]  }
0x1e3: {  	v1 =	vld [tilespmem:s30+$0x1A910]  }
0x1e4: {  	v5 =	vld [tilespmem:s30+$0x1900]  }
0x1e5: {  	v0 =	vld [tilespmem:s30+$0x1A920]  }
0x1e6: {  	v6 =	vld [tilespmem:s30+$0x1910]  }
0x1e7: {  	v7 =	vld [tilespmem:s30+$0x1920]  }
0x1e8: {  	v8 =	vld [tilespmem:s30+$0x1930];
	v4 =	vadd.f32 v4, v3  }
0x1e9: {  	v9 =	vld [tilespmem:s30+$0x4B10];
	v5 =	vadd.f32 v5, v2  }
0x1ea: {  	[tilespmem:s30+$0xAF30] =	vst v4;
	v4 =	vld [tilespmem:s30+$0x4B00]  }
0x1eb: {  	v6 =	vadd.f32 v6, v1;
	[tilespmem:s30+$0x1900] =	vst v5;
	v5 =	vld [tilespmem:s30+$0x4B30]  }
0x1ec: {  	v10 =	vld [tilespmem:s30+$0x4B20];
	v7 =	vadd.f32 v7, v0  }
0x1ed: {  	v8 =	vadd.f32 v8, v3;
	[tilespmem:s30+$0x1910] =	vst v6;
	v6 =	vld [tilespmem:s30+$0x7D00]  }
0x1ee: {  	v11 =	vld [tilespmem:s30+$0x7D10];
	[tilespmem:s30+$0x1920] =	vst v7;
	v7 =	vadd.f32 v9, v1  }
0x1ef: {  	v63 =	vld [tilespmem:s30+$0x7D20];
	[tilespmem:s30+$0x1930] =	vst v8;
	v4 =	vadd.f32 v4, v2  }
0x1f0: {  	v8 =	vld [tilespmem:s30+$0x7D30];
	[tilespmem:s30+$0x4B10] =	vst v7;
	v9 =	vadd.f32 v5, v3  }
0x1f1: {  	v7 =	vld [tilespmem:s30+$0xAF00];
	[tilespmem:s30+$0x4B00] =	vst v4;
	v4 =	vadd.f32 v10, v0  }
0x1f2: {  	v5 =	vld [tilespmem:s30+$0xAF10];
	v10 =	vadd.f32 v6, v2;
	[tilespmem:s30+$0x4B30] =	vst v9  }
0x1f3: {  	s31 =	simm.s32 $0x40;
	v6 =	vld [tilespmem:s30+$0xAF20];
	v9 =	vadd.f32 v11, v1;
	[tilespmem:s30+$0x4B20] =	vst v4  }
0x1f4: {  	s1 =	simm.s32 $0x200;
	v4 =	vld [tilespmem:s31+$0x1A930];
	[tilespmem:s30+$0x7D00] =	vst v10;
	v10 =	vadd.f32 v63, v0  }
.LBB2_14:
0x1f5: {  	p0 =	sne.s32 s1, $0xC700;
	v11 =	vld [tilespmem:s31+$0xAF30];
	[tilespmem:s30+$0x7D10] =	vst v9;
	v3 =	vadd.f32 v8, v3  }
0x1f6: {  	[tilespmem:s30+$0x7D20] =	vst v10;
	v7 =	vadd.f32 v7, v2;
	v2 =	vld [tilespmem:s31+$0x1A900]  }
0x1f7: {  	[tilespmem:s30+$0x7D30] =	vst v3;
	v8 =	vadd.f32 v5, v1;
	v1 =	vld [tilespmem:s31+$0x1A910]  }
0x1f8: {  	[tilespmem:s30+$0xAF00] =	vst v7;
	v5 =	vadd.f32 v6, v0;
	v0 =	vld [tilespmem:s31+$0x1A920]  }
0x1f9: {  	v6 =	vld [tilespmem:s31+$0x1900];
	[tilespmem:s30+$0xAF10] =	vst v8;
	v3 =	vmov v4  }
0x1fa: {  	v4 =	vld [tilespmem:s31+$0x1910];
	v7 =	vadd.f32 v11, v3;
	[tilespmem:s30+$0xAF20] =	vst v5;
	s30 =	smov.u32 s31  }
0x1fb: {  	v5 =	vld [tilespmem:s30+$0x1920]  }
0x1fc: {  	v8 =	vld [tilespmem:s30+$0x1930];
	[tilespmem:s30+$0xAF30] =	vst v7  }
0x1fd: {  	v7 =	vld [tilespmem:s30+$0x4B00]  }
0x1fe: {  	v6 =	vadd.f32 v6, v2;
	v9 =	vld [tilespmem:s30+$0x4B10]  }
0x1ff: {  	v4 =	vadd.f32 v4, v1;
	v10 =	vld [tilespmem:s30+$0x4B20]  }
0x200: {  	[tilespmem:s30+$0x1900] =	vst v6;
	v5 =	vadd.f32 v5, v0;
	v6 =	vld [tilespmem:s30+$0x4B30]  }
0x201: {  	[tilespmem:s30+$0x1910] =	vst v4;
	v4 =	vadd.f32 v8, v3;
	v11 =	vld [tilespmem:s30+$0x7D00]  }
0x202: {  	[tilespmem:s30+$0x1920] =	vst v5;
	v5 =	vadd.f32 v7, v2;
	v12 =	vld [tilespmem:s30+$0x7D10]  }
0x203: {  	[tilespmem:s30+$0x1930] =	vst v4;
	v4 =	vadd.f32 v9, v1;
	v13 =	vld [tilespmem:s30+$0x7D20]  }
.Ltmp6:
0x204: {  	[tilespmem:s30+$0x4B00] =	vst v5;
	v5 =	vadd.f32 v10, v0;
	v8 =	vld [tilespmem:s30+$0x7D30];
	(pc) =	sbr.rel @p0 .LBB2_14-.Ltmp6, $4  }
0x205: {  	[tilespmem:s30+$0x4B10] =	vst v4;
	v4 =	vadd.f32 v6, v3;
	v7 =	vld [tilespmem:s30+$0xAF00]  }
0x206: {  	[tilespmem:s30+$0x4B20] =	vst v5;
	v10 =	vadd.f32 v11, v2;
	v5 =	vld [tilespmem:s30+$0xAF10]  }
0x207: {  	s31 =	sshra.s32 s1, $0x2;
	[tilespmem:s30+$0x4B30] =	vst v4;
	v9 =	vadd.f32 v12, v1;
	v6 =	vld [tilespmem:s30+$0xAF20]  }
0x208: {  	s1 =	sadd.s32 $0x100, s1;
	v4 =	vld [tilespmem:s31+$0x1A930];
	[tilespmem:s30+$0x7D00] =	vst v10;
	v10 =	vadd.f32 v13, v0  }
0x209: {  	v11 =	vld [tilespmem:s31+$0xAF30]  }
0x20a: {  	v12 =	vld [tilespmem:s31+$0x1A900]  }
0x20b: {  	v13 =	vld [tilespmem:s31+$0x1A910]  }
0x20c: {  	v14 =	vld [tilespmem:s31+$0x1A920]  }
0x20d: {  	v15 =	vld [tilespmem:s31+$0x1900];
	[tilespmem:s30+$0x7D10] =	vst v9;
	v3 =	vadd.f32 v8, v3  }
0x20e: {  	v16 =	vld [tilespmem:s31+$0x1910];
	[tilespmem:s30+$0x7D20] =	vst v10;
	v2 =	vadd.f32 v7, v2  }
0x20f: {  	v17 =	vld [tilespmem:s31+$0x1920];
	[tilespmem:s30+$0x7D30] =	vst v3;
	v1 =	vadd.f32 v5, v1  }
0x210: {  	v18 =	vld [tilespmem:s31+$0x1930];
	[tilespmem:s30+$0xAF00] =	vst v2;
	v0 =	vadd.f32 v6, v0  }
0x211: {  	v19 =	vld [tilespmem:s31+$0x4B10];
	[tilespmem:s30+$0xAF10] =	vst v1;
	v11 =	vadd.f32 v11, v4  }
0x212: {  	v20 =	vld [tilespmem:s31+$0x4B20];
	v15 =	vadd.f32 v15, v12;
	[tilespmem:s30+$0xAF20] =	vst v0  }
0x213: {  	v60 =	vld [tilespmem:s31+$0x4B30];
	v16 =	vadd.f32 v16, v13;
	[tilespmem:s31+$0xAF30] =	vst v11  }
0x214: {  	v61 =	vld [tilespmem:s31+$0x7D00];
	v17 =	vadd.f32 v17, v14;
	[tilespmem:s31+$0x1900] =	vst v15  }
0x215: {  	v9 =	vld [tilespmem:s31+$0x7D10];
	v62 =	vadd.f32 v18, v4;
	[tilespmem:s31+$0x1910] =	vst v16  }
0x216: {  	v8 =	vld [tilespmem:s31+$0x7D20];
	v10 =	vadd.f32 v19, v13;
	[tilespmem:s31+$0x1920] =	vst v17  }
0x217: {  	v3 =	vld [tilespmem:s31+$0x7D30];
	v7 =	vadd.f32 v20, v14;
	[tilespmem:s31+$0x1930] =	vst v62  }
0x218: {  	v2 =	vld [tilespmem:s31+$0xAF00];
	v5 =	vadd.f32 v60, v4;
	[tilespmem:s31+$0x4B10] =	vst v10  }
0x219: {  	v1 =	vld [tilespmem:s31+$0xAF10];
	v6 =	vadd.f32 v61, v12;
	[tilespmem:s31+$0x4B20] =	vst v7  }
0x21a: {  	v0 =	vadd.f32 v9, v13;
	v11 =	vld [tilespmem:s31+$0x4B00];
	[tilespmem:s31+$0x4B30] =	vst v5  }
0x21b: {  	v5 =	vld [tilespmem:s31+$0xAF20];
	[tilespmem:s31+$0x7D00] =	vst v6;
	v6 =	vadd.f32 v8, v14  }
0x21c: {  	[tilespmem:s31+$0x7D10] =	vst v0;
	v0 =	vadd.f32 v3, v4  }
0x21d: {  	v2 =	vadd.f32 v2, v12;
	[tilespmem:s31+$0x7D20] =	vst v6  }
0x21e: {  	[tilespmem:s31+$0x7D30] =	vst v0;
	v0 =	vadd.f32 v1, v13  }
0x21f: {  	[tilespmem:s31+$0xAF00] =	vst v2;
	v11 =	vadd.f32 v11, v12  }
0x220: {  	[tilespmem:s31+$0xAF10] =	vst v0;
	v1 =	vadd.f32 v5, v14  }
0x221: {  	[tilespmem:s31+$0x4B00] =	vst v11  }
0x222: {  	s1 =	simm.s32 $0x0;
	[tilespmem:s31+$0xAF20] =	vst v1  }
0x223: {  	[hbm4b:s12+s1] =	stream.linear.scatter [tilespmem:s18], [sflag:$0x2], $0xC800, $0x38;
	[tilespmem:$0x1DB00] =	vst v63  }
0x224: {  	_ =	swait.ge [sflag:s19], $0xC800  }
0x225: {  	[sflag:s19] =	ssyncset.done $0x0  }
0x226: {  	s30 =	simm.s32 $0x0;
	[sflag:s19] =	ssyncadd.s32 $0xFFFF3800  }
0x227: {  	v3 =	vld [tilespmem:s30+$0x1A930]  }
0x228: {  	v4 =	vld [tilespmem:s30+$0x17730]  }
0x229: {  	v2 =	vld [tilespmem:s30+$0x1A900]  }
0x22a: {  	v1 =	vld [tilespmem:s30+$0x1A910]  }
0x22b: {  	v5 =	vld [tilespmem:s30+$0xE100]  }
0x22c: {  	v0 =	vld [tilespmem:s30+$0x1A920]  }
0x22d: {  	v6 =	vld [tilespmem:s30+$0xE110]  }
0x22e: {  	v7 =	vld [tilespmem:s30+$0xE120]  }
0x22f: {  	v8 =	vld [tilespmem:s30+$0xE130];
	v4 =	vadd.f32 v4, v3  }
0x230: {  	v9 =	vld [tilespmem:s30+$0x11310];
	v5 =	vadd.f32 v5, v2  }
0x231: {  	[tilespmem:s30+$0x17730] =	vst v4;
	v4 =	vld [tilespmem:s30+$0x11300]  }
0x232: {  	v6 =	vadd.f32 v6, v1;
	[tilespmem:s30+$0xE100] =	vst v5;
	v5 =	vld [tilespmem:s30+$0x11330]  }
0x233: {  	v10 =	vld [tilespmem:s30+$0x11320];
	v7 =	vadd.f32 v7, v0  }
0x234: {  	v8 =	vadd.f32 v8, v3;
	[tilespmem:s30+$0xE110] =	vst v6;
	v6 =	vld [tilespmem:s30+$0x14500]  }
0x235: {  	v11 =	vld [tilespmem:s30+$0x14510];
	[tilespmem:s30+$0xE120] =	vst v7;
	v7 =	vadd.f32 v9, v1  }
0x236: {  	v63 =	vld [tilespmem:s30+$0x14520];
	[tilespmem:s30+$0xE130] =	vst v8;
	v4 =	vadd.f32 v4, v2  }
0x237: {  	v8 =	vld [tilespmem:s30+$0x14530];
	[tilespmem:s30+$0x11310] =	vst v7;
	v9 =	vadd.f32 v5, v3  }
0x238: {  	v7 =	vld [tilespmem:s30+$0x17700];
	[tilespmem:s30+$0x11300] =	vst v4;
	v4 =	vadd.f32 v10, v0  }
0x239: {  	v5 =	vld [tilespmem:s30+$0x17710];
	v10 =	vadd.f32 v6, v2;
	[tilespmem:s30+$0x11330] =	vst v9  }
0x23a: {  	s31 =	simm.s32 $0x40;
	v6 =	vld [tilespmem:s30+$0x17720];
	v9 =	vadd.f32 v11, v1;
	[tilespmem:s30+$0x11320] =	vst v4  }
0x23b: {  	s1 =	simm.s32 $0x200;
	v4 =	vld [tilespmem:s31+$0x1A930];
	[tilespmem:s30+$0x14500] =	vst v10;
	v10 =	vadd.f32 v63, v0  }
.LBB2_16:
0x23c: {  	p0 =	sne.s32 s1, $0xC700;
	v11 =	vld [tilespmem:s31+$0x17730];
	[tilespmem:s30+$0x14510] =	vst v9;
	v3 =	vadd.f32 v8, v3  }
0x23d: {  	[tilespmem:s30+$0x14520] =	vst v10;
	v7 =	vadd.f32 v7, v2;
	v2 =	vld [tilespmem:s31+$0x1A900]  }
0x23e: {  	[tilespmem:s30+$0x14530] =	vst v3;
	v8 =	vadd.f32 v5, v1;
	v1 =	vld [tilespmem:s31+$0x1A910]  }
0x23f: {  	[tilespmem:s30+$0x17700] =	vst v7;
	v5 =	vadd.f32 v6, v0;
	v0 =	vld [tilespmem:s31+$0x1A920]  }
0x240: {  	v6 =	vld [tilespmem:s31+$0xE100];
	[tilespmem:s30+$0x17710] =	vst v8;
	v3 =	vmov v4  }
0x241: {  	v4 =	vld [tilespmem:s31+$0xE110];
	v7 =	vadd.f32 v11, v3;
	[tilespmem:s30+$0x17720] =	vst v5;
	s30 =	smov.u32 s31  }
0x242: {  	v5 =	vld [tilespmem:s30+$0xE120]  }
0x243: {  	v8 =	vld [tilespmem:s30+$0xE130];
	[tilespmem:s30+$0x17730] =	vst v7  }
0x244: {  	v7 =	vld [tilespmem:s30+$0x11300]  }
0x245: {  	v6 =	vadd.f32 v6, v2;
	v9 =	vld [tilespmem:s30+$0x11310]  }
0x246: {  	v4 =	vadd.f32 v4, v1;
	v10 =	vld [tilespmem:s30+$0x11320]  }
0x247: {  	[tilespmem:s30+$0xE100] =	vst v6;
	v5 =	vadd.f32 v5, v0;
	v6 =	vld [tilespmem:s30+$0x11330]  }
0x248: {  	[tilespmem:s30+$0xE110] =	vst v4;
	v4 =	vadd.f32 v8, v3;
	v11 =	vld [tilespmem:s30+$0x14500]  }
0x249: {  	[tilespmem:s30+$0xE120] =	vst v5;
	v5 =	vadd.f32 v7, v2;
	v12 =	vld [tilespmem:s30+$0x14510]  }
0x24a: {  	[tilespmem:s30+$0xE130] =	vst v4;
	v4 =	vadd.f32 v9, v1;
	v13 =	vld [tilespmem:s30+$0x14520]  }
.Ltmp7:
0x24b: {  	[tilespmem:s30+$0x11300] =	vst v5;
	v5 =	vadd.f32 v10, v0;
	v8 =	vld [tilespmem:s30+$0x14530];
	(pc) =	sbr.rel @p0 .LBB2_16-.Ltmp7, $4  }
0x24c: {  	[tilespmem:s30+$0x11310] =	vst v4;
	v4 =	vadd.f32 v6, v3;
	v7 =	vld [tilespmem:s30+$0x17700]  }
0x24d: {  	[tilespmem:s30+$0x11320] =	vst v5;
	v10 =	vadd.f32 v11, v2;
	v5 =	vld [tilespmem:s30+$0x17710]  }
0x24e: {  	s31 =	sshra.s32 s1, $0x2;
	[tilespmem:s30+$0x11330] =	vst v4;
	v9 =	vadd.f32 v12, v1;
	v6 =	vld [tilespmem:s30+$0x17720]  }
0x24f: {  	s1 =	sadd.s32 $0x100, s1;
	v4 =	vld [tilespmem:s31+$0x1A930];
	[tilespmem:s30+$0x14500] =	vst v10;
	v10 =	vadd.f32 v13, v0  }
0x250: {  	v11 =	vld [tilespmem:s31+$0x17730]  }
0x251: {  	v12 =	vld [tilespmem:s31+$0x1A900]  }
0x252: {  	v13 =	vld [tilespmem:s31+$0x1A910]  }
0x253: {  	v14 =	vld [tilespmem:s31+$0x1A920]  }
0x254: {  	v15 =	vld [tilespmem:s31+$0xE100];
	[tilespmem:s30+$0x14510] =	vst v9;
	v3 =	vadd.f32 v8, v3  }
0x255: {  	v16 =	vld [tilespmem:s31+$0xE110];
	[tilespmem:s30+$0x14520] =	vst v10;
	v2 =	vadd.f32 v7, v2  }
0x256: {  	v17 =	vld [tilespmem:s31+$0xE120];
	[tilespmem:s30+$0x14530] =	vst v3;
	v1 =	vadd.f32 v5, v1  }
0x257: {  	v18 =	vld [tilespmem:s31+$0xE130];
	[tilespmem:s30+$0x17700] =	vst v2;
	v0 =	vadd.f32 v6, v0  }
0x258: {  	v19 =	vld [tilespmem:s31+$0x11310];
	[tilespmem:s30+$0x17710] =	vst v1;
	v11 =	vadd.f32 v11, v4  }
0x259: {  	v20 =	vld [tilespmem:s31+$0x11320];
	v15 =	vadd.f32 v15, v12;
	[tilespmem:s30+$0x17720] =	vst v0  }
0x25a: {  	v46 =	vld [tilespmem:s31+$0x11330];
	v16 =	vadd.f32 v16, v13;
	[tilespmem:s31+$0x17730] =	vst v11  }
0x25b: {  	v47 =	vld [tilespmem:s31+$0x14500];
	v17 =	vadd.f32 v17, v14;
	[tilespmem:s31+$0xE100] =	vst v15  }
0x25c: {  	v49 =	vld [tilespmem:s31+$0x14510];
	v48 =	vadd.f32 v18, v4;
	[tilespmem:s31+$0xE110] =	vst v16  }
0x25d: {  	v50 =	vld [tilespmem:s31+$0x14520];
	v51 =	vadd.f32 v19, v13;
	[tilespmem:s31+$0xE120] =	vst v17  }
0x25e: {  	v52 =	vld [tilespmem:s31+$0x14530];
	v53 =	vadd.f32 v20, v14;
	[tilespmem:s31+$0xE130] =	vst v48  }
0x25f: {  	v54 =	vld [tilespmem:s31+$0x17700];
	v55 =	vadd.f32 v46, v4;
	[tilespmem:s31+$0x11310] =	vst v51  }
0x260: {  	v56 =	vld [tilespmem:s31+$0x17710];
	v57 =	vadd.f32 v47, v12;
	[tilespmem:s31+$0x11320] =	vst v53  }
0x261: {  	v59 =	vld [tilespmem:s31+$0x17720];
	v58 =	vadd.f32 v49, v13;
	[tilespmem:s31+$0x11330] =	vst v55  }
0x262: {  	v45 =	vld [tilespmem:s31+$0x11300];
	v60 =	vadd.f32 v50, v14;
	[tilespmem:s31+$0x14500] =	vst v57  }
0x263: {  	v61 =	vadd.f32 v52, v4;
	[tilespmem:s31+$0x14510] =	vst v58  }
0x264: {  	v2 =	vadd.f32 v54, v12;
	[tilespmem:s31+$0x14520] =	vst v60  }
0x265: {  	v62 =	vadd.f32 v56, v13;
	[tilespmem:s31+$0x14530] =	vst v61  }
0x266: {  	v63 =	vadd.f32 v59, v14;
	[tilespmem:s31+$0x17700] =	vst v2  }
0x267: {  	v11 =	vadd.f32 v45, v12;
	[tilespmem:s31+$0x17710] =	vst v62  }
0x268: {  	[tilespmem:s31+$0x17720] =	vst v63  }
0x269: {  	s29 =	sadd.s32 $0x1, s29;
	[tilespmem:s31+$0x11300] =	vst v11  }
0x26a: {  	[hbm4b:s13+s2] =	stream.linear.scatter [tilespmem:s20], [sflag:$0x2], $0xC800, $0x38;
	[tilespmem:$0x1DB00] =	vst v63  }
0x26b: {  	p0 =	sne.s32 s29, s14;
	_ =	swait.ge [sflag:s21], $0xC800  }
.Ltmp8:
0x26c: {  	[sflag:s21] =	ssyncset.done $0x0;
	(pc) =	sbr.rel @p0 .LBB2_1-.Ltmp8, $4  }
0x26d: {  	[sflag:s21] =	ssyncadd.s32 $0xFFFF3800  }
0x26e: {  	_ =	swait.ge [sflag:s21], $0xC800  }
0x26f: {  	[sflag:s21] =	ssyncset.done $0x0  }
0x270: {  	[sflag:s21] =	ssyncadd.s32 $0xFFFF3800  }
0x271: {  	_ =	sfence.sel $0x180000  }
0x272: {  	[bflag:$0x0] =	sbarrier.arrive $0xFFFF  }
0x273: {  	_ =	strace $0x90000047  }
0x274: {  	[bflag:$0x2] =	sbarrier.arrive $0xFFFF  }
0x275: {  	p0 =	sne.s32 s0, $0x0;
	s0 =	rddreg [dreg:$0x2]  }
0x276: {  	s0 =	sadd.s32 @!p0 $0x100000, s0  }
0x277: {  	[sflag:s0] =	ssyncadd.tile.s32 @!p0 $0x1;
	_ =	shalt  }
.Lfunc_end2:
_tile_overlayer_lowered:
.L_overlay_start_2:
0x278: {  	(tag) =	ssettag $0x2  }
0x279: {  	s0 =	rddreg [dreg:$0x0];
	s2 =	stileid.u32  }
0x27a: {  	s1 =	rddreg [dreg:$0x1];
	p0 =	sne.s32 s2, $0x0  }
0x27b: {  	s3 =	rddreg [dreg:$0x2];
	[bflag:$0x3] =	sbarrier.arrive $0xFFFF;
	s2 =	simm.s32 @!p0 $0x1C03  }
0x27c: {  	[timem:s3], [sflag:s2] =	dma.local @!p0 [hbm:s0], s1  }
0x27d: {  	s0 =	simm.s32 @!p0 $0x3  }
0x27e: {  	_ =	swait.ge @!p0 [sflag:s0], s1  }
0x27f: {  	s1 =	ssub.s32 @!p0 $0x0, s1;
	[sflag:s0] =	ssyncset.done @!p0 $0x0  }
0x280: {  	[sflag:s0] =	ssyncadd.s32 @!p0 s1  }
0x281: {  	[bflag:$0x3] =	sbarrier.arrive $0xFFFF  }
0x282: {  	_ =	shalt  }

// kernel: sparse-core-data-format-call.cloned.1.call-start
scs
called_computation_lowered:
.L_overlay_start_0:
0x0: {  	s2 =	sld [smem:$0x3FD9]  }
0x1: {  	s3 =	sld [smem:$0x3FFE];
	_ =	sdelay $0x1  }
0x2: {  	s1 =	srdreg.scid  }
0x3: {  	s0 =	sand.u32 $0x1, s1  }
0x4: {  	s18 =	sshll.u32 s0, $0xA;
	s2 =	sadd.s32 s3, s2  }
0x5: {  	s2 =	sadd.s32 s2, s18  }
0x6: {  	[smem:$0x3FC5] =	sst s2  }
0x7: {  	_ = 	snop  }
0x8: {  	s2 =	sld [smem:$0x3FD0];
	(tm) =	ssettm $0x1  }
0x9: {  	s19 =	sld [smem:$0x3FFB];
	_ =	sdelay $0x3  }
0xa: {  	_ =	strace s19  }
0xb: {  	s3 =	sld [smem:$0x3FFC];
	_ =	sdelay $0x3  }
0xc: {  	_ =	strace s3  }
0xd: {  	s3 =	sld [smem:$0x3FFD];
	_ =	sdelay $0x3  }
0xe: {  	_ =	strace s3  }
0xf: {  	_ =	strace $0x8FFFFFFF  }
0x10: {  	s20 =	sld [smem:$0x3FDB];
	_ =	sdelay $0x1  }
0x11: {  	s4 =	simm.s32 $_scs_section_size  }
0x12: {  	s5 =	simm.s32 $_size__tile_overlayer_lowered;
	s6 =	simm.s32 $_tile_overlayer_lowered  }
0x13: {  	s23 =	simm.s32 $0x1BFF;
	s22 =	sshll.u32 s6, $0x1;
	s3 =	sadd.s32 s4, s20  }
0x14: {  	s7 =	simm.s32 $0x0;
	s21 =	sshll.u32 s5, $0x1;
	s5 =	sadd.s32 s22, s3  }
0x15: {  	[timem:s7], [sflag:s23] =	dma.local [hbm:s5], s21  }
0x16: {  	_ =	swait.ge [sflag:s23], s21  }
0x17: {  	s4 =	ssub.s32 $0x0, s21;
	[sflag:s23] =	ssyncset.done $0x0  }
0x18: {  	[sflag:s23] =	ssyncadd.s32 s4;
	_ =	sdelay $0x1  }
0x19: {  	s24 =	simm.s32 $0x1B8B  }
0x1a: {  	_ =	swait.ge [sflag:s24], $0x1  }
0x1b: {  	[sflag:s24] =	ssyncset.done $0x0  }
0x1c: {  	s26 =	simm.s32 $0x1B8E;
	s25 =	sld [smem:$0x3FFE];
	[sflag:s24] =	ssyncadd.s32 $0xFFFFFFFF  }
0x1d: {  	s27 =	simm.s32 $execute0_lowered;
	[smem:$0x3FD2] =	sst s26  }
0x1e: {  	s5 =	sshll.u32 s27, $0x1;
	_ =	strace $0x80000049;
	[dreg:$0x1] =	wrdreg $0xFFFFFFFF  }
0x1f: {  	s28 =	simm.s32 $_size_execute0_lowered;
	s3 =	sadd.s32 s3, s5;
	[dreg:$0x0] =	wrdreg $0x0  }
0x20: {  	s5 =	sshll.u32 s28, $0x1;
	[dreg:$0x2] =	wrdreg s3  }
0x21: {  	[dreg:$0x3] =	wrdreg s5  }
0x22: {  	[dreg:$0x4] =	wrdreg $0xC0  }
0x23: {  	_ =	task [dreg:s7], $0x5FFFF  }
0x24: {  	[dreg:$0x1] =	wrdreg $0xFFFFFFFF  }
0x25: {  	[dreg:$0x0] =	wrdreg $0x60  }
0x26: {  	[dreg:$0x2] =	wrdreg s25  }
0x27: {  	[dreg:$0x3] =	wrdreg s2  }
0x28: {  	[dreg:$0x4] =	wrdreg $0x9  }
0x29: {  	_ =	task.clear_ibuf [dreg:s7], $0x5FFFF;
	_ =	strace $0x90000049  }
0x2a: {  	s29 =	simm.s32 $0x9;
	_ =	strace $0x8000004B  }
0x2b: {  	_ =	swait.ge [sflag:s29], $0x1  }
0x2c: {  	[sflag:s29] =	ssyncadd.s32 $0xFFFFFFFF  }
0x2d: {  	_ =	strace $0x9000004B  }
0x2e: {  	_ =	sfence  }
0x2f: {  	s30 =	sld [smem:$0x0];
	_ =	sdelay $0x2  }
0x30: {  	s31 =	sshll.u32 s1, $0xD;
	s1 =	sshrl.u32 s1, $0x2  }
0x31: {  	s3 =	sand.u32 $0x4000, s31;
	s1 =	sadd.s32 s1, s30  }
0x32: {  	s0 =	sor.u32 s3, s0;
	s1 =	sshll.u32 s1, $0x11  }
0x33: {  	s0 =	sor.u32 s1, s0  }
0x34: {  	s0 =	sadd.s32 $0x8F2B, s0  }
0x35: {  	[sflag:s0] =	ssyncadd.remote.s32 $0x1  }
0x36: {  	_ =	sfence.sel $0xFFFF  }
0x37: {  	[dreg:$0x0] =	wrdreg $0xFFFFFFFF;
	(pc) =	sbr.abs _section_cstart, $3  }
0x38: {  	[dreg:$0x1] =	wrdreg $0xFFFFFFFF  }
0x39: {  	_ =	task.clear_ibuf [dreg:s7], $0x2FFFF;
	_ =	strace $0x9FFFFFFF  }
0x3a: {  	(tm) =	ssettm $0x7FFFFFFF  }
0x3b: {  	_ =	shalt  }
tec
execute0_lowered:
.L_overlay_start_1:
0x0: {  	(tag) =	ssettag $0x1  }
0x1: {  	s0 =	stileid.u32;
	s6 =	rddreg [dreg:$0x0]  }
0x2: {  	s2 =	rddreg [dreg:$0x1];
	s5 =	srdreg.scid  }
0x3: {  	s31 =	simm.s32 $0x2;
	s13 =	simm.s32 $0x0;
	s1 =	sshll.u32 s0, $0x7  }
0x4: {  	s14 =	simm.s32 $0x0;
	s12 =	simm.s32 $0x0;
	s3 =	sand.u32 $0x380, s1  }
0x5: {  	s5 =	sshll.u32 s5, $0x4;
	s6 =	sadd.s32 $0xC00, s6;
	s4 =	ssub.s32 $0x400, s3  }
0x6: {  	s1 =	rddreg [dreg:$0x2];
	_ =	strace $0x8000004A;
	s7 =	sand.u32 $0x380, s4  }
0x7: {  	s5 =	sand.u32 $0x10, s5;
	p0 =	sne.s32 s7, $0x0;
	s7 =	simm.s32 $0x1  }
.Ltmp0:
0x8: {  	s8 =	sshrl.u32 s4, $0xA;
	s7 =	simm.s32 @!p0 $0x0;
	(pc) =	sbr.rel .LBB1_1-.Ltmp0, $4  }
0x9: {  	s9 =	sor.u32 s0, s5;
	s4 =	simm.s32 $0x1;
	s30 =	sadd.s32 s7, s8  }
0xa: {  	s11 =	smov.u32 s3;
	[sflag:s4] =	ssyncpa.u1 $0x0;
	s5 =	smul.u32 $0x32, s30  }
0xb: {  	[sflag:s31] =	ssyncpa.u1 $0x0;
	p0 =	por $0x0, $0x0;
	s7 =	sshrl.u32 s9, $0x3  }
0xc: {  	s9 =	simm.s32 $0x2000;
	s10 =	smov.u32 s7;
	s8 =	sor.u32 $0x1, s5  }
.LBB1_4:
0xd: {  	s17 =	sand.u32 $0x1F80, s14;
	s13 =	sshll.u32 s13, $0xD  }
0xe: {  	[tilespmem:s16+$0x810 ss:$0x81] =	vst.msk $0xffff, v2;
	s18 =	sshrl.u32 s14, $0x3;
	s31 =	sand.u32 $0x7, s14;
	s17 =	sadd.s32 s2, s17  }
0xf: {  	[tilespmem:s16+$0x1020 ss:$0x81] =	vst.msk $0xffff, v0;
	s18 =	sand.u32 $0xF, s18;
	s14 =	sshll.u32 s31, $0x12;
	s13 =	sadd.s32 s13, s17  }
0x10: {  	[tilespmem:s16+$0x0 ss:$0x81] =	vst.msk $0xffff, v1;
	s14 =	sor.u32 $0x400, s14;
	s13 =	sadd.s32 s18, s13  }
0x11: {  	[hbm4b:s13+s14] =	stream.strided.scatter [tilespmem:s15], [sflag:$0x2], $0x2000, s9, s14, $0x20;
	[tilespmem:$0x8080] =	vst v63  }
.LBB1_5:
0x12: {  	s15 =	sadd.s32 $0x4, s10  }
0x13: {  	s13 =	sadd.s32 $0x400, s11;
	s17 =	smov.u32 s11;
	p2 =	sgt.s32 s15, $0xC7  }
0x14: {  	s17 =	smov.u32 @p2 s13  }
0x15: {  	s15 =	smov.u32 @p2 s7;
	p2 =	sgt.s32 s17, $0x3FF  }
0x16: {  	s17 =	smov.u32 @p2 s3;
	p2 =	sne.s32 s12, s8  }
.Ltmp1:
0x17: {  	p1 =	slt.u32 s12, $0x2;
	(pc) =	sbr.rel @!p2 .LBB1_6-.Ltmp1, $4  }
0x18: {  	s16 =	simm.s32 @!p1 $0x2  }
0x19: {  	s14 =	smov.u32 s11;
	p0 =	por !p0, !p0;
	_ =	swait.ge @!p1 [sflag:s16], $0x2000  }
0x1a: {  	s13 =	smov.u32 s10;
	[sflag:s16] =	ssyncset.done @!p1 $0x0;
	s10 =	smov.u32 s15  }
0x1b: {  	s12 =	sadd.s32 $0x1, s12;
	[sflag:s16] =	ssyncadd.s32 @!p1 $0xFFFFE000;
	s11 =	smov.u32 s17  }
.LBB1_1:
0x1c: {  	p1 =	sge.u32 s12, s5  }
0x1d: {  	s15 =	sand.u32 @!p1 $0x1FFFFFF, s10  }
0x1e: {  	s16 =	smulhi.u32 @!p1 $0x147AE15, s15;
	_ =	sdelay $0x1  }
0x1f: {  	s16 =	smul.u32 @!p1 $0xC8, s16  }
0x20: {  	s17 =	sxor.u32 @!p1 $0xFFFFFFFF, s12;
	s18 =	smul.u32 @!p1 $0xC80, s11  }
0x21: {  	s31 =	sadd.s32 $0xFFFFFFFF, s12;
	s17 =	sshll.u32 @!p1 s17, $0xD;
	s15 =	ssub.s32 @!p1 s15, s16  }
0x22: {  	s16 =	sand.u32 @!p1 $0x2000, s17;
	s17 =	sadd.s32 @!p1 s6, s18;
	s15 =	sshll.u32 @!p1 s15, $0x4  }
0x23: {  	s18 =	simm.s32 @!p1 $0x6400;
	s15 =	sadd.s32 @!p1 s15, s17;
	s17 =	simm.s32 @!p1 $0x40  }
0x24: {  	[tilespmem:s16], [sflag:$0x1] =	stream.strided.gather @!p1 [hbm4b:s15+s17], $0x2000, s18, s17, $0x38;
	[tilespmem:$0x8080] =	vst v63  }
0x25: {  	p1 =	sge.u32 s31, s5  }
.Ltmp2:
0x26: {  	_ = 	snop;
	(pc) =	sbr.rel @p1 .LBB1_5-.Ltmp2, $1  }
0x27: {  	_ =	sdelay $0x3  }
0x28: {  	s15 =	simm.s32 $0x1  }
0x29: {  	_ =	swait.ge [sflag:s4], $0x2000;
	s15 =	simm.s32 @!p0 $0x0  }
0x2a: {  	[sflag:s4] =	ssyncset.done $0x0;
	s16 =	sshll.u32 s15, $0xD  }
0x2b: {  	[sflag:s4] =	ssyncadd.s32 $0xFFFFE000;
	s19 =	sor.u32 $0x20, s16  }
0x2c: {  	s15 =	smul.u32 $0x8100, s15;
	v3 =	vld [tilespmem:s19+$0x10]  }
0x2d: {  	s30 =	sand.u32 $0x1, s12;
	v2 =	vld [tilespmem:s19+$0xFFFFFFF0]  }
0x2e: {  	s16 =	smul.u32 $0x8100, s30;
	s15 =	sshrl.u32 s15, $0x2;
	v0 =	vld [tilespmem:s19+$0x0]  }
0x2f: {  	v1 =	vld [tilespmem:s19+$0xFFFFFFE0];
	s17 =	sor.u32 $0x4000, s15  }
0x30: {  	s31 =	sshrl.u32 s16, $0x2;
	s16 =	sadd.s32 $0x0, s17  }
0x31: {  	s18 =	simm.s32 $0x4;
	s19 =	sadd.s32 $0x40, s19;
	s15 =	sor.u32 $0x4000, s31;
	[tilespmem:s16+$0x1830 ss:$0x81] =	vst.msk $0xffff, v3  }
.LBB1_3:
0x32: {  	v3 =	vld [tilespmem:s19+$0x10];
	p1 =	sne.s32 s18, $0x1FC;
	[tilespmem:s16+$0x810 ss:$0x81] =	vst.msk $0xffff, v2;
	s20 =	smov.u32 s18;
	s18 =	sadd.s32 $0x4, s18  }
.Ltmp3:
0x33: {  	v2 =	vld [tilespmem:s19+$0xFFFFFFF0];
	[tilespmem:s16+$0x1020 ss:$0x81] =	vst.msk $0xffff, v0;
	(pc) =	sbr.rel @p1 .LBB1_3-.Ltmp3, $4  }
0x34: {  	v0 =	vld [tilespmem:s19+$0x0];
	[tilespmem:s16+$0x0 ss:$0x81] =	vst.msk $0xffff, v1  }
0x35: {  	s16 =	sshra.s32 s20, $0x2;
	v1 =	vld [tilespmem:s19+$0xFFFFFFE0]  }
0x36: {  	s16 =	sadd.s32 s16, s17  }
0x37: {  	s19 =	sadd.s32 $0x40, s19;
	[tilespmem:s16+$0x1830 ss:$0x81] =	vst.msk $0xffff, v3  }
.Ltmp4:
0x38: {  	_ = 	snop;
	(pc) =	sbr.rel .LBB1_4-.Ltmp4, $1  }
0x39: {  	_ =	sdelay $0x3  }
.LBB1_6:
0x3a: {  	_ =	sfence.sel $0x180000  }
0x3b: {  	s2 =	simm.s32 $0x1;
	[bflag:$0x0] =	sbarrier.arrive $0xFFFF  }
0x3c: {  	s31 =	simm.s32 $0x2;
	[sflag:s2] =	ssyncpa.u1 $0x1  }
0x3d: {  	[sflag:s31] =	ssyncpa.u1 $0x1  }
0x3e: {  	p0 =	sne.s32 s0, $0x0;
	_ =	strace $0x9000004A  }
0x3f: {  	s0 =	sadd.s32 @!p0 $0x100000, s1;
	[bflag:$0x2] =	sbarrier.arrive $0xFFFF  }
0x40: {  	[sflag:s0] =	ssyncadd.tile.s32 @!p0 $0x1;
	_ =	shalt  }
.Lfunc_end1:
_tile_overlayer_lowered:
.L_overlay_start_2:
0x41: {  	(tag) =	ssettag $0x2  }
0x42: {  	s0 =	rddreg [dreg:$0x0];
	s2 =	stileid.u32  }
0x43: {  	s1 =	rddreg [dreg:$0x1];
	p0 =	sne.s32 s2, $0x0  }
0x44: {  	s3 =	rddreg [dreg:$0x2];
	[bflag:$0x3] =	sbarrier.arrive $0xFFFF;
	s2 =	simm.s32 @!p0 $0x1C01  }
0x45: {  	[timem:s3], [sflag:s2] =	dma.local @!p0 [hbm:s0], s1  }
0x46: {  	s0 =	simm.s32 @!p0 $0x1  }
0x47: {  	_ =	swait.ge @!p0 [sflag:s0], s1  }
0x48: {  	s1 =	ssub.s32 @!p0 $0x0, s1;
	[sflag:s0] =	ssyncset.done @!p0 $0x0  }
0x49: {  	[sflag:s0] =	ssyncadd.s32 @!p0 s1  }
0x4a: {  	[bflag:$0x3] =	sbarrier.arrive $0xFFFF  }
0x4b: {  	_ =	shalt  }

</sc_bundles>
